<compile_context>
chip_gen: v7x
topology: tpu7x:2x2x1
jax: 0.10.2.dev20260603
libtpu: 0.0.44.dev20260713+nightly
codegen_flags: <defaults>
</compile_context>

<pallas_src>
import functools

import jax
import jax.numpy as jnp
from jax import lax
from jax.experimental import pallas as pl
from jax.experimental.pallas import tpu as pltpu
from jax.experimental.pallas import tpu_sc as plsc

_B, _L, _D = 512, 512, 256
_G = 16
_NC, _NS = 2, 16
_VPW = _B // (_NC * _NS)



def _tc_body(mask_sref, y_hbm, z_hbm, yi_ref, zi_ref, yo_ref, zo_ref, sems):
    b = pl.program_id(0)
    base = b * _G

    def xfer(j, w, method):
        getattr(pltpu.make_async_copy(y_hbm.at[pl.ds(base + j, w)],
                                      yo_ref.at[pl.ds(j, w)],
                                      sems.at[0, j]), method)()
        getattr(pltpu.make_async_copy(z_hbm.at[pl.ds(base + j, w)],
                                      zo_ref.at[pl.ds(j, w)],
                                      sems.at[1, j]), method)()

    def sweep(method):
        for j in range(0, _G, 2):
            c0 = mask_sref[base + j] == 0
            c1 = mask_sref[base + j + 1] == 0

            @pl.when(jnp.logical_and(c0, c1))
            def _(j=j):
                xfer(j, 2, method)

            @pl.when(jnp.logical_and(c0, jnp.logical_not(c1)))
            def _(j=j):
                xfer(j, 1, method)

            @pl.when(jnp.logical_and(jnp.logical_not(c0), c1))
            def _(j=j):
                xfer(j + 1, 1, method)

    sweep("start")

    yi_row = jnp.broadcast_to(yi_ref[...].reshape(1, 1, _D), (1, _L, _D))
    zi_row = jnp.broadcast_to(zi_ref[...].reshape(1, 1, _D), (1, _L, _D))
    for j in range(_G):
        @pl.when(mask_sref[base + j] != 0)
        def _(j=j):
            yo_ref[pl.ds(j, 1)] = yi_row
            zo_ref[pl.ds(j, 1)] = zi_row

    sweep("wait")


def _tc_call(y, z, mask_i32, y_init, z_init):
    B, L, D = y.shape
    yi2d = y_init.reshape(1, D)
    zi2d = z_init.reshape(1, D)

    grid_spec = pltpu.PrefetchScalarGridSpec(
        num_scalar_prefetch=1,
        grid=(B // _G,),
        in_specs=[
            pl.BlockSpec(memory_space=pltpu.MemorySpace.HBM),
            pl.BlockSpec(memory_space=pltpu.MemorySpace.HBM),
            pl.BlockSpec((1, D), lambda i, mref: (0, 0)),
            pl.BlockSpec((1, D), lambda i, mref: (0, 0)),
        ],
        out_specs=[
            pl.BlockSpec((_G, L, D), lambda i, mref: (i, 0, 0)),
            pl.BlockSpec((_G, L, D), lambda i, mref: (i, 0, 0)),
        ],
        scratch_shapes=[
            pltpu.SemaphoreType.DMA((2, _G)),
        ],
    )

    y_new, z_new = pl.pallas_call(
        _tc_body,
        grid_spec=grid_spec,
        out_shape=[
            jax.ShapeDtypeStruct((B, L, D), y.dtype),
            jax.ShapeDtypeStruct((B, L, D), z.dtype),
        ],
        compiler_params=pltpu.CompilerParams(
            dimension_semantics=("arbitrary",),
        ),
    )(mask_i32, y, z, yi2d, zi2d)
    return y_new, z_new



def _sc_steps_body(st_hbm, mask_hbm, so_hbm, st_v, m_v, o_v, sem):
    cid = lax.axis_index("c")
    sid = lax.axis_index("s")
    wid = sid * _NC + cid
    base = wid * _VPW

    pltpu.sync_copy(st_hbm.at[pl.ds(base, _VPW)], st_v)
    pltpu.sync_copy(mask_hbm.at[pl.ds(base, _VPW)], m_v)
    o_v[...] = jnp.where(m_v[...] != 0, jnp.zeros_like(st_v[...]), st_v[...])
    pltpu.sync_copy(o_v, so_hbm.at[pl.ds(base, _VPW)])


def _sc_steps_call(steps, mask_i32):
    kfn = functools.partial(
        pl.kernel,
        mesh=plsc.VectorSubcoreMesh(core_axis_name="c", subcore_axis_name="s"),
        out_type=jax.ShapeDtypeStruct((_B,), steps.dtype),
        scratch_types=[
            pltpu.VMEM((_VPW,), jnp.int32),
            pltpu.VMEM((_VPW,), jnp.int32),
            pltpu.VMEM((_VPW,), jnp.int32),
            pltpu.SemaphoreType.DMA,
        ],
    )(_sc_steps_body)
    return kfn(steps, mask_i32)


def kernel(y, z, steps, mask, y_init, z_init):
    mask_i32 = mask.astype(jnp.int32)
    steps_new = _sc_steps_call(steps, mask_i32)
    y_new, z_new = _tc_call(y, z, mask_i32, y_init, z_init)
    return (y_new, z_new, steps_new)

# --- scband reference (transcript-rebuilt; emitter-appended) ---
"""Pipeline reference for scband-trmstate-manager-84963043049546 (READ-ONLY COPY).

The authoritative reference and input builder live on the scoring server;
editing this copy changes nothing except your own understanding.
"""

import jax, jax.numpy as jnp
import numpy as np

B, L, D = 512, 512, 256


def _trunc_normal(key, shape, std=1.0, dtype=jnp.float32):
    # approximation of trunc_normal_init_: normal clipped to +/- 2*std
    return jnp.clip(jax.random.normal(key, shape, dtype=dtype) * std, -2.0 * std, 2.0 * std)


def setup_inputs(seed: int = 0) -> dict:
    key = jax.random.key(seed)
    k1, k2, k3, k4, k5, k6 = jax.random.split(key, 6)
    y = jax.random.normal(k1, (B, L, D), dtype=jnp.float32)
    z = jax.random.normal(k2, (B, L, D), dtype=jnp.float32)
    steps = jax.random.randint(k3, (B,), 0, 100).astype(jnp.int32)
    mask = jax.random.randint(k4, (B,), 0, 2).astype(jnp.bool_)
    # learned/registered buffers sized per init_kwargs (1, 1, hidden_size)
    y_init = _trunc_normal(k5, (1, 1, D))
    z_init = _trunc_normal(k6, (1, 1, D))
    return {"y": y, "z": z, "steps": steps, "mask": mask, "y_init": y_init, "z_init": z_init}


def reference(y, z, steps, mask, y_init, z_init):
    # Faithful translation of TRMStateManager.reset_state:
    # sequences where mask=True are overwritten with the broadcast init buffers,
    # their step counters zeroed; all other rows pass through untouched.
    Bx, Lx, Dx = y.shape
    y_reset = jnp.broadcast_to(y_init, (Bx, Lx, Dx))
    z_reset = jnp.broadcast_to(z_init, (Bx, Lx, Dx))
    m = mask[:, None, None]
    y_new = jnp.where(m, y_reset, y)
    z_new = jnp.where(m, z_reset, z)
    steps_new = jnp.where(mask, jnp.zeros_like(steps), steps)
    return (y_new, z_new, steps_new)

if __name__ == "__main__":
    import jax
    _d = setup_inputs()
    print(jax.jit(kernel)(*tuple(_d.values())))

</pallas_src>

<mosaic_0001>
#map = affine_map<(d0, d1) -> (0)>
module attributes {stable_mosaic.version = 14 : i64} {
  func.func @_sc_steps_body(%arg0: i32, %arg1: i32, %arg2: memref<512xi32, #tpu.memory_space<hbm>>, %arg3: memref<512xi32, #tpu.memory_space<hbm>>, %arg4: memref<512xi32, #tpu.memory_space<hbm>>, %arg5: memref<16xi32, #tpu.memory_space<vmem>>, %arg6: memref<16xi32, #tpu.memory_space<vmem>>, %arg7: memref<16xi32, #tpu.memory_space<vmem>>, %arg8: memref<!tpu.dma_semaphore, #tpu.memory_space<semaphore_mem>>) attributes {dimension_semantics = [#tpu.dimension_semantics<core_parallel>, #tpu.dimension_semantics<subcore_parallel>], iteration_bounds = array<i64: 2, 16>, scalar_prefetch = 0 : i64, scratch_operands = 4 : i64, tpu.core_type = #tpu.core_type<sc_vector_subcore>, window_params = [{transform_indices = #map}, {transform_indices = #map}, {transform_indices = #map}]} {
    %mul3A = arith.constant 2 : i32
    %mul3A_0 = arith.muli %arg1, %mul3A : i32
    %add3A = arith.addi %mul3A_0, %arg0 : i32
    %mul3A_1 = arith.constant 16 : i32
    %mul3A_2 = arith.muli %add3A, %mul3A_1 : i32
    "tpu.region"() ({
      %run_scoped3A = tpu.sem_alloc : memref<!tpu.dma_semaphore, #tpu.memory_space<semaphore_mem>>
      %dma_start3A = tpu.memref_slice %arg2[%mul3A_2] : memref<512xi32, #tpu.memory_space<hbm>> -> memref<16xi32, #tpu.memory_space<hbm>>
      %dma_start3A_17 = tpu.memref_slice %arg2[%mul3A_2] : memref<512xi32, #tpu.memory_space<hbm>> -> memref<16xi32, #tpu.memory_space<hbm>>
      tpu.enqueue_dma source(%dma_start3A_17 : memref<16xi32, #tpu.memory_space<hbm>>) target(%arg5 : memref<16xi32, #tpu.memory_space<vmem>>) target_semaphore(%run_scoped3A : memref<!tpu.dma_semaphore, #tpu.memory_space<semaphore_mem>>)
      %dma_wait3A = tpu.memref_slice %arg2[%mul3A_2] : memref<512xi32, #tpu.memory_space<hbm>> -> memref<16xi32, #tpu.memory_space<hbm>>
      %dma_wait3A_18 = tpu.memref_slice %arg2[%mul3A_2] : memref<512xi32, #tpu.memory_space<hbm>> -> memref<16xi32, #tpu.memory_space<hbm>>
      tpu.wait_dma2 semaphore(%run_scoped3A : memref<!tpu.dma_semaphore, #tpu.memory_space<semaphore_mem>>) src(%dma_wait3A_18 : memref<16xi32, #tpu.memory_space<hbm>>) dst(%arg5 : memref<16xi32, #tpu.memory_space<vmem>>)
      tpu.yield
    }) : () -> ()
    "tpu.region"() ({
      %run_scoped3A = tpu.sem_alloc : memref<!tpu.dma_semaphore, #tpu.memory_space<semaphore_mem>>
      %dma_start3A = tpu.memref_slice %arg3[%mul3A_2] : memref<512xi32, #tpu.memory_space<hbm>> -> memref<16xi32, #tpu.memory_space<hbm>>
      %dma_start3A_17 = tpu.memref_slice %arg3[%mul3A_2] : memref<512xi32, #tpu.memory_space<hbm>> -> memref<16xi32, #tpu.memory_space<hbm>>
      tpu.enqueue_dma source(%dma_start3A_17 : memref<16xi32, #tpu.memory_space<hbm>>) target(%arg6 : memref<16xi32, #tpu.memory_space<vmem>>) target_semaphore(%run_scoped3A : memref<!tpu.dma_semaphore, #tpu.memory_space<semaphore_mem>>)
      %dma_wait3A = tpu.memref_slice %arg3[%mul3A_2] : memref<512xi32, #tpu.memory_space<hbm>> -> memref<16xi32, #tpu.memory_space<hbm>>
      %dma_wait3A_18 = tpu.memref_slice %arg3[%mul3A_2] : memref<512xi32, #tpu.memory_space<hbm>> -> memref<16xi32, #tpu.memory_space<hbm>>
      tpu.wait_dma2 semaphore(%run_scoped3A : memref<!tpu.dma_semaphore, #tpu.memory_space<semaphore_mem>>) src(%dma_wait3A_18 : memref<16xi32, #tpu.memory_space<hbm>>) dst(%arg6 : memref<16xi32, #tpu.memory_space<vmem>>)
      tpu.yield
    }) : () -> ()
    %get3A = arith.constant 0 : index
    %get3A_3 = tpu.vector_load %arg6[%get3A] {strides = array<i32>} : memref<16xi32, #tpu.memory_space<vmem>>, vector<16xi32>,
    %get3A_4 = vector.shape_cast %get3A_3 : vector<16xi32> to vector<16xi32>
    %ne3A = arith.constant 0 : i32
    %ne3A_5 = vector.broadcast %ne3A : i32 to vector<16xi32>
    %ne3A_6 = arith.cmpi ne, %get3A_4, %ne3A_5 : vector<16xi32>
    %get3A_7 = arith.constant 0 : index
    %get3A_8 = tpu.vector_load %arg5[%get3A_7] {strides = array<i32>} : memref<16xi32, #tpu.memory_space<vmem>>, vector<16xi32>,
    %get3A_9 = vector.shape_cast %get3A_8 : vector<16xi32> to vector<16xi32>
    %broadcast_in_dim3A = arith.constant 0 : i32
    %broadcast_in_dim3A_10 = vector.broadcast %broadcast_in_dim3A : i32 to vector<16xi32>
    %get3A_11 = arith.constant 0 : index
    %get3A_12 = tpu.vector_load %arg5[%get3A_11] {strides = array<i32>} : memref<16xi32, #tpu.memory_space<vmem>>, vector<16xi32>,
    %get3A_13 = vector.shape_cast %get3A_12 : vector<16xi32> to vector<16xi32>
    %select_n3A = arith.select %ne3A_6, %broadcast_in_dim3A_10, %get3A_13 : vector<16xi1>, vector<16xi32>
    %swap3A = arith.constant 0 : index
    %swap3A_14 = tpu.vector_load %arg7[%swap3A] {strides = array<i32>} : memref<16xi32, #tpu.memory_space<vmem>>, vector<16xi32>,
    %swap3A_15 = vector.shape_cast %swap3A_14 : vector<16xi32> to vector<16xi32>
    %swap3A_16 = vector.shape_cast %select_n3A : vector<16xi32> to vector<16xi32>
    tpu.vector_store %arg7[%swap3A], %swap3A_16 {strides = array<i32>} : memref<16xi32, #tpu.memory_space<vmem>>, vector<16xi32>,
    "tpu.region"() ({
      %run_scoped3A = tpu.sem_alloc : memref<!tpu.dma_semaphore, #tpu.memory_space<semaphore_mem>>
      %dma_start3A = tpu.memref_slice %arg4[%mul3A_2] : memref<512xi32, #tpu.memory_space<hbm>> -> memref<16xi32, #tpu.memory_space<hbm>>
      %dma_start3A_17 = tpu.memref_slice %arg4[%mul3A_2] : memref<512xi32, #tpu.memory_space<hbm>> -> memref<16xi32, #tpu.memory_space<hbm>>
      tpu.enqueue_dma source(%arg7 : memref<16xi32, #tpu.memory_space<vmem>>) target(%dma_start3A_17 : memref<16xi32, #tpu.memory_space<hbm>>) target_semaphore(%run_scoped3A : memref<!tpu.dma_semaphore, #tpu.memory_space<semaphore_mem>>)
      %dma_wait3A = tpu.memref_slice %arg4[%mul3A_2] : memref<512xi32, #tpu.memory_space<hbm>> -> memref<16xi32, #tpu.memory_space<hbm>>
      %dma_wait3A_18 = tpu.memref_slice %arg4[%mul3A_2] : memref<512xi32, #tpu.memory_space<hbm>> -> memref<16xi32, #tpu.memory_space<hbm>>
      tpu.wait_dma2 semaphore(%run_scoped3A : memref<!tpu.dma_semaphore, #tpu.memory_space<semaphore_mem>>) src(%arg7 : memref<16xi32, #tpu.memory_space<vmem>>) dst(%dma_wait3A_18 : memref<16xi32, #tpu.memory_space<hbm>>)
      tpu.yield
    }) : () -> ()
    return
  }
}

module attributes {stable_mosaic.version = 14 : i64} {
  func.func @_tc_body(%arg0: i32, %arg1: memref<512xi32, #tpu.memory_space<smem>>, %arg2: memref<512x512x256xf32, #tpu.memory_space<hbm>>, %arg3: memref<512x512x256xf32, #tpu.memory_space<hbm>>, %arg4: memref<1x256xf32, #tpu.memory_space<vmem>>, %arg5: memref<1x256xf32, #tpu.memory_space<vmem>>, %arg6: memref<16x512x256xf32, #tpu.memory_space<vmem>>, %arg7: memref<16x512x256xf32, #tpu.memory_space<vmem>>, %arg8: memref<2x16x!tpu.dma_semaphore, #tpu.memory_space<semaphore_mem>>) attributes {dimension_semantics = [#tpu.dimension_semantics<arbitrary>], iteration_bounds = array<i64: 32>, scalar_prefetch = 1 : i64, scratch_operands = 1 : i64, tpu.core_type = #tpu.core_type<tc>, window_params = [{}, {}, {pipeline_mode = #tpu.pipeline_mode<synchronous>, transform_indices = @transform_2, window_bounds = array<i64: 1, 256>}, {pipeline_mode = #tpu.pipeline_mode<synchronous>, transform_indices = @transform_3, window_bounds = array<i64: 1, 256>}, {transform_indices = @transform_4, window_bounds = array<i64: 16, 512, 256>}, {transform_indices = @transform_5, window_bounds = array<i64: 16, 512, 256>}]} {
    %mul3A = arith.constant 16 : i32
    %mul3A_0 = arith.muli %arg0, %mul3A : i32
    %add3A = arith.constant 0 : i32
    %add3A_1 = arith.addi %mul3A_0, %add3A : i32
    %get3A = arith.index_cast %add3A_1 : i32 to index
    %get3A_2 = memref.load %arg1[%get3A] : memref<512xi32, #tpu.memory_space<smem>>
    %eq3A = arith.constant 0 : i32
    %eq3A_3 = arith.cmpi eq, %get3A_2, %eq3A : i32
    %add3A_4 = arith.constant 0 : i32
    %add3A_5 = arith.addi %mul3A_0, %add3A_4 : i32
    %add3A_6 = arith.constant 1 : i32
    %add3A_7 = arith.addi %add3A_5, %add3A_6 : i32
    %get3A_8 = arith.index_cast %add3A_7 : i32 to index
    %get3A_9 = memref.load %arg1[%get3A_8] : memref<512xi32, #tpu.memory_space<smem>>
    %eq3A_10 = arith.constant 0 : i32
    %eq3A_11 = arith.cmpi eq, %get3A_9, %eq3A_10 : i32
    %and3A = arith.andi %eq3A_3, %eq3A_11 : i1
    %convert_element_type3A = arith.extui %and3A : i1 to i32
    %cond3A = arith.constant 0 : i32
    %cond3A_12 = arith.cmpi ne, %convert_element_type3A, %cond3A : i32
    scf.if %cond3A_12 {
      %add3A_627 = arith.constant 0 : i32
      %add3A_628 = arith.addi %mul3A_0, %add3A_627 : i32
      %dma_start3A = arith.constant 0 : i32
      %dma_start3A_629 = arith.constant 0 : i32
      %dma_start3A_630 = tpu.memref_slice %arg8[%dma_start3A, %dma_start3A_629] : memref<2x16x!tpu.dma_semaphore, #tpu.memory_space<semaphore_mem>> -> memref<1x1x!tpu.dma_semaphore, #tpu.memory_space<semaphore_mem>>
      %dma_start3A_631 = tpu.memref_squeeze %dma_start3A_630 : memref<1x1x!tpu.dma_semaphore, #tpu.memory_space<semaphore_mem>> -> memref<!tpu.dma_semaphore, #tpu.memory_space<semaphore_mem>>
      %dma_start3A_632 = arith.constant 0 : i32
      %dma_start3A_633 = arith.constant 0 : i32
      %dma_start3A_634 = arith.constant 0 : i32
      %dma_start3A_635 = tpu.memref_slice %arg6[%dma_start3A_632, %dma_start3A_633, %dma_start3A_634] : memref<16x512x256xf32, #tpu.memory_space<vmem>> -> memref<2x512x256xf32, #tpu.memory_space<vmem>>
      %dma_start3A_636 = arith.constant 0 : i32
      %dma_start3A_637 = arith.constant 0 : i32
      %dma_start3A_638 = tpu.memref_slice %arg2[%add3A_628, %dma_start3A_636, %dma_start3A_637] : memref<512x512x256xf32, #tpu.memory_space<hbm>> -> memref<2x512x256xf32, #tpu.memory_space<hbm>>
      tpu.enqueue_dma source(%dma_start3A_638 : memref<2x512x256xf32, #tpu.memory_space<hbm>>) target(%dma_start3A_635 : memref<2x512x256xf32, #tpu.memory_space<vmem>>) target_semaphore(%dma_start3A_631 : memref<!tpu.dma_semaphore, #tpu.memory_space<semaphore_mem>>)
      %add3A_639 = arith.constant 0 : i32
      %add3A_640 = arith.addi %mul3A_0, %add3A_639 : i32
      %dma_start3A_641 = arith.constant 1 : i32
      %dma_start3A_642 = arith.constant 0 : i32
      %dma_start3A_643 = tpu.memref_slice %arg8[%dma_start3A_641, %dma_start3A_642] : memref<2x16x!tpu.dma_semaphore, #tpu.memory_space<semaphore_mem>> -> memref<1x1x!tpu.dma_semaphore, #tpu.memory_space<semaphore_mem>>
      %dma_start3A_644 = tpu.memref_squeeze %dma_start3A_643 : memref<1x1x!tpu.dma_semaphore, #tpu.memory_space<semaphore_mem>> -> memref<!tpu.dma_semaphore, #tpu.memory_space<semaphore_mem>>
      %dma_start3A_645 = arith.constant 0 : i32
      %dma_start3A_646 = arith.constant 0 : i32
      %dma_start3A_647 = arith.constant 0 : i32
      %dma_start3A_648 = tpu.memref_slice %arg7[%dma_start3A_645, %dma_start3A_646, %dma_start3A_647] : memref<16x512x256xf32, #tpu.memory_space<vmem>> -> memref<2x512x256xf32, #tpu.memory_space<vmem>>
      %dma_start3A_649 = arith.constant 0 : i32
      %dma_start3A_650 = arith.constant 0 : i32
      %dma_start3A_651 = tpu.memref_slice %arg3[%add3A_640, %dma_start3A_649, %dma_start3A_650] : memref<512x512x256xf32, #tpu.memory_space<hbm>> -> memref<2x512x256xf32, #tpu.memory_space<hbm>>
      tpu.enqueue_dma source(%dma_start3A_651 : memref<2x512x256xf32, #tpu.memory_space<hbm>>) target(%dma_start3A_648 : memref<2x512x256xf32, #tpu.memory_space<vmem>>) target_semaphore(%dma_start3A_644 : memref<!tpu.dma_semaphore, #tpu.memory_space<semaphore_mem>>)
    } else {
    }
    %not3A = arith.constant true
    %not3A_13 = arith.xori %eq3A_11, %not3A : i1
    %and3A_14 = arith.andi %eq3A_3, %not3A_13 : i1
    %convert_element_type3A_15 = arith.extui %and3A_14 : i1 to i32
    %cond3A_16 = arith.constant 0 : i32
    %cond3A_17 = arith.cmpi ne, %convert_element_type3A_15, %cond3A_16 : i32
    scf.if %cond3A_17 {
      %add3A_627 = arith.constant 0 : i32
      %add3A_628 = arith.addi %mul3A_0, %add3A_627 : i32
      %dma_start3A = arith.constant 0 : i32
      %dma_start3A_629 = arith.constant 0 : i32
      %dma_start3A_630 = tpu.memref_slice %arg8[%dma_start3A, %dma_start3A_629] : memref<2x16x!tpu.dma_semaphore, #tpu.memory_space<semaphore_mem>> -> memref<1x1x!tpu.dma_semaphore, #tpu.memory_space<semaphore_mem>>
      %dma_start3A_631 = tpu.memref_squeeze %dma_start3A_630 : memref<1x1x!tpu.dma_semaphore, #tpu.memory_space<semaphore_mem>> -> memref<!tpu.dma_semaphore, #tpu.memory_space<semaphore_mem>>
      %dma_start3A_632 = arith.constant 0 : i32
      %dma_start3A_633 = arith.constant 0 : i32
      %dma_start3A_634 = arith.constant 0 : i32
      %dma_start3A_635 = tpu.memref_slice %arg6[%dma_start3A_632, %dma_start3A_633, %dma_start3A_634] : memref<16x512x256xf32, #tpu.memory_space<vmem>> -> memref<1x512x256xf32, #tpu.memory_space<vmem>>
      %dma_start3A_636 = arith.constant 0 : i32
      %dma_start3A_637 = arith.constant 0 : i32
      %dma_start3A_638 = tpu.memref_slice %arg2[%add3A_628, %dma_start3A_636, %dma_start3A_637] : memref<512x512x256xf32, #tpu.memory_space<hbm>> -> memref<1x512x256xf32, #tpu.memory_space<hbm>>
      tpu.enqueue_dma source(%dma_start3A_638 : memref<1x512x256xf32, #tpu.memory_space<hbm>>) target(%dma_start3A_635 : memref<1x512x256xf32, #tpu.memory_space<vmem>>) target_semaphore(%dma_start3A_631 : memref<!tpu.dma_semaphore, #tpu.memory_space<semaphore_mem>>)
      %add3A_639 = arith.constant 0 : i32
      %add3A_640 = arith.addi %mul3A_0, %add3A_639 : i32
      %dma_start3A_641 = arith.constant 1 : i32
      %dma_start3A_642 = arith.constant 0 : i32
      %dma_start3A_643 = tpu.memref_slice %arg8[%dma_start3A_641, %dma_start3A_642] : memref<2x16x!tpu.dma_semaphore, #tpu.memory_space<semaphore_mem>> -> memref<1x1x!tpu.dma_semaphore, #tpu.memory_space<semaphore_mem>>
      %dma_start3A_644 = tpu.memref_squeeze %dma_start3A_643 : memref<1x1x!tpu.dma_semaphore, #tpu.memory_space<semaphore_mem>> -> memref<!tpu.dma_semaphore, #tpu.memory_space<semaphore_mem>>
      %dma_start3A_645 = arith.constant 0 : i32
      %dma_start3A_646 = arith.constant 0 : i32
      %dma_start3A_647 = arith.constant 0 : i32
      %dma_start3A_648 = tpu.memref_slice %arg7[%dma_start3A_645, %dma_start3A_646, %dma_start3A_647] : memref<16x512x256xf32, #tpu.memory_space<vmem>> -> memref<1x512x256xf32, #tpu.memory_space<vmem>>
      %dma_start3A_649 = arith.constant 0 : i32
      %dma_start3A_650 = arith.constant 0 : i32
      %dma_start3A_651 = tpu.memref_slice %arg3[%add3A_640, %dma_start3A_649, %dma_start3A_650] : memref<512x512x256xf32, #tpu.memory_space<hbm>> -> memref<1x512x256xf32, #tpu.memory_space<hbm>>
      tpu.enqueue_dma source(%dma_start3A_651 : memref<1x512x256xf32, #tpu.memory_space<hbm>>) target(%dma_start3A_648 : memref<1x512x256xf32, #tpu.memory_space<vmem>>) target_semaphore(%dma_start3A_644 : memref<!tpu.dma_semaphore, #tpu.memory_space<semaphore_mem>>)
    } else {
    }
    %not3A_18 = arith.constant true
    %not3A_19 = arith.xori %eq3A_3, %not3A_18 : i1
    %and3A_20 = arith.andi %not3A_19, %eq3A_11 : i1
    %convert_element_type3A_21 = arith.extui %and3A_20 : i1 to i32
    %cond3A_22 = arith.constant 0 : i32
    %cond3A_23 = arith.cmpi ne, %convert_element_type3A_21, %cond3A_22 : i32
    scf.if %cond3A_23 {
      %add3A_627 = arith.constant 1 : i32
      %add3A_628 = arith.addi %mul3A_0, %add3A_627 : i32
      %dma_start3A = arith.constant 0 : i32
      %dma_start3A_629 = arith.constant 1 : i32
      %dma_start3A_630 = tpu.memref_slice %arg8[%dma_start3A, %dma_start3A_629] : memref<2x16x!tpu.dma_semaphore, #tpu.memory_space<semaphore_mem>> -> memref<1x1x!tpu.dma_semaphore, #tpu.memory_space<semaphore_mem>>
      %dma_start3A_631 = tpu.memref_squeeze %dma_start3A_630 : memref<1x1x!tpu.dma_semaphore, #tpu.memory_space<semaphore_mem>> -> memref<!tpu.dma_semaphore, #tpu.memory_space<semaphore_mem>>
      %dma_start3A_632 = arith.constant 1 : i32
      %dma_start3A_633 = arith.constant 0 : i32
      %dma_start3A_634 = arith.constant 0 : i32
      %dma_start3A_635 = tpu.memref_slice %arg6[%dma_start3A_632, %dma_start3A_633, %dma_start3A_634] : memref<16x512x256xf32, #tpu.memory_space<vmem>> -> memref<1x512x256xf32, #tpu.memory_space<vmem>>
      %dma_start3A_636 = arith.constant 0 : i32
      %dma_start3A_637 = arith.constant 0 : i32
      %dma_start3A_638 = tpu.memref_slice %arg2[%add3A_628, %dma_start3A_636, %dma_start3A_637] : memref<512x512x256xf32, #tpu.memory_space<hbm>> -> memref<1x512x256xf32, #tpu.memory_space<hbm>>
      tpu.enqueue_dma source(%dma_start3A_638 : memref<1x512x256xf32, #tpu.memory_space<hbm>>) target(%dma_start3A_635 : memref<1x512x256xf32, #tpu.memory_space<vmem>>) target_semaphore(%dma_start3A_631 : memref<!tpu.dma_semaphore, #tpu.memory_space<semaphore_mem>>)
      %add3A_639 = arith.constant 1 : i32
      %add3A_640 = arith.addi %mul3A_0, %add3A_639 : i32
      %dma_start3A_641 = arith.constant 1 : i32
      %dma_start3A_642 = arith.constant 1 : i32
      %dma_start3A_643 = tpu.memref_slice %arg8[%dma_start3A_641, %dma_start3A_642] : memref<2x16x!tpu.dma_semaphore, #tpu.memory_space<semaphore_mem>> -> memref<1x1x!tpu.dma_semaphore, #tpu.memory_space<semaphore_mem>>
      %dma_start3A_644 = tpu.memref_squeeze %dma_start3A_643 : memref<1x1x!tpu.dma_semaphore, #tpu.memory_space<semaphore_mem>> -> memref<!tpu.dma_semaphore, #tpu.memory_space<semaphore_mem>>
      %dma_start3A_645 = arith.constant 1 : i32
      %dma_start3A_646 = arith.constant 0 : i32
      %dma_start3A_647 = arith.constant 0 : i32
      %dma_start3A_648 = tpu.memref_slice %arg7[%dma_start3A_645, %dma_start3A_646, %dma_start3A_647] : memref<16x512x256xf32, #tpu.memory_space<vmem>> -> memref<1x512x256xf32, #tpu.memory_space<vmem>>
      %dma_start3A_649 = arith.constant 0 : i32
      %dma_start3A_650 = arith.constant 0 : i32
      %dma_start3A_651 = tpu.memref_slice %arg3[%add3A_640, %dma_start3A_649, %dma_start3A_650] : memref<512x512x256xf32, #tpu.memory_space<hbm>> -> memref<1x512x256xf32, #tpu.memory_space<hbm>>
      tpu.enqueue_dma source(%dma_start3A_651 : memref<1x512x256xf32, #tpu.memory_space<hbm>>) target(%dma_start3A_648 : memref<1x512x256xf32, #tpu.memory_space<vmem>>) target_semaphore(%dma_start3A_644 : memref<!tpu.dma_semaphore, #tpu.memory_space<semaphore_mem>>)
    } else {
    }
    %add3A_24 = arith.constant 2 : i32
    %add3A_25 = arith.addi %mul3A_0, %add3A_24 : i32
    %get3A_26 = arith.index_cast %add3A_25 : i32 to index
    %get3A_27 = memref.load %arg1[%get3A_26] : memref<512xi32, #tpu.memory_space<smem>>
    %eq3A_28 = arith.constant 0 : i32
    %eq3A_29 = arith.cmpi eq, %get3A_27, %eq3A_28 : i32
    %add3A_30 = arith.constant 2 : i32
    %add3A_31 = arith.addi %mul3A_0, %add3A_30 : i32
    %add3A_32 = arith.constant 1 : i32
    %add3A_33 = arith.addi %add3A_31, %add3A_32 : i32
    %get3A_34 = arith.index_cast %add3A_33 : i32 to index
    %get3A_35 = memref.load %arg1[%get3A_34] : memref<512xi32, #tpu.memory_space<smem>>
    %eq3A_36 = arith.constant 0 : i32
    %eq3A_37 = arith.cmpi eq, %get3A_35, %eq3A_36 : i32
    %and3A_38 = arith.andi %eq3A_29, %eq3A_37 : i1
    %convert_element_type3A_39 = arith.extui %and3A_38 : i1 to i32
    %cond3A_40 = arith.constant 0 : i32
    %cond3A_41 = arith.cmpi ne, %convert_element_type3A_39, %cond3A_40 : i32
    scf.if %cond3A_41 {
      %add3A_627 = arith.constant 2 : i32
      %add3A_628 = arith.addi %mul3A_0, %add3A_627 : i32
      %dma_start3A = arith.constant 0 : i32
      %dma_start3A_629 = arith.constant 2 : i32
      %dma_start3A_630 = tpu.memref_slice %arg8[%dma_start3A, %dma_start3A_629] : memref<2x16x!tpu.dma_semaphore, #tpu.memory_space<semaphore_mem>> -> memref<1x1x!tpu.dma_semaphore, #tpu.memory_space<semaphore_mem>>
      %dma_start3A_631 = tpu.memref_squeeze %dma_start3A_630 : memref<1x1x!tpu.dma_semaphore, #tpu.memory_space<semaphore_mem>> -> memref<!tpu.dma_semaphore, #tpu.memory_space<semaphore_mem>>
      %dma_start3A_632 = arith.constant 2 : i32
      %dma_start3A_633 = arith.constant 0 : i32
      %dma_start3A_634 = arith.constant 0 : i32
      %dma_start3A_635 = tpu.memref_slice %arg6[%dma_start3A_632, %dma_start3A_633, %dma_start3A_634] : memref<16x512x256xf32, #tpu.memory_space<vmem>> -> memref<2x512x256xf32, #tpu.memory_space<vmem>>
      %dma_start3A_636 = arith.constant 0 : i32
      %dma_start3A_637 = arith.constant 0 : i32
      %dma_start3A_638 = tpu.memref_slice %arg2[%add3A_628, %dma_start3A_636, %dma_start3A_637] : memref<512x512x256xf32, #tpu.memory_space<hbm>> -> memref<2x512x256xf32, #tpu.memory_space<hbm>>
      tpu.enqueue_dma source(%dma_start3A_638 : memref<2x512x256xf32, #tpu.memory_space<hbm>>) target(%dma_start3A_635 : memref<2x512x256xf32, #tpu.memory_space<vmem>>) target_semaphore(%dma_start3A_631 : memref<!tpu.dma_semaphore, #tpu.memory_space<semaphore_mem>>)
      %add3A_639 = arith.constant 2 : i32
      %add3A_640 = arith.addi %mul3A_0, %add3A_639 : i32
      %dma_start3A_641 = arith.constant 1 : i32
      %dma_start3A_642 = arith.constant 2 : i32
      %dma_start3A_643 = tpu.memref_slice %arg8[%dma_start3A_641, %dma_start3A_642] : memref<2x16x!tpu.dma_semaphore, #tpu.memory_space<semaphore_mem>> -> memref<1x1x!tpu.dma_semaphore, #tpu.memory_space<semaphore_mem>>
      %dma_start3A_644 = tpu.memref_squeeze %dma_start3A_643 : memref<1x1x!tpu.dma_semaphore, #tpu.memory_space<semaphore_mem>> -> memref<!tpu.dma_semaphore, #tpu.memory_space<semaphore_mem>>
      %dma_start3A_645 = arith.constant 2 : i32
      %dma_start3A_646 = arith.constant 0 : i32
      %dma_start3A_647 = arith.constant 0 : i32
      %dma_start3A_648 = tpu.memref_slice %arg7[%dma_start3A_645, %dma_start3A_646, %dma_start3A_647] : memref<16x512x256xf32, #tpu.memory_space<vmem>> -> memref<2x512x256xf32, #tpu.memory_space<vmem>>
      %dma_start3A_649 = arith.constant 0 : i32
      %dma_start3A_650 = arith.constant 0 : i32
      %dma_start3A_651 = tpu.memref_slice %arg3[%add3A_640, %dma_start3A_649, %dma_start3A_650] : memref<512x512x256xf32, #tpu.memory_space<hbm>> -> memref<2x512x256xf32, #tpu.memory_space<hbm>>
      tpu.enqueue_dma source(%dma_start3A_651 : memref<2x512x256xf32, #tpu.memory_space<hbm>>) target(%dma_start3A_648 : memref<2x512x256xf32, #tpu.memory_space<vmem>>) target_semaphore(%dma_start3A_644 : memref<!tpu.dma_semaphore, #tpu.memory_space<semaphore_mem>>)
    } else {
    }
    %not3A_42 = arith.constant true
    %not3A_43 = arith.xori %eq3A_37, %not3A_42 : i1
    %and3A_44 = arith.andi %eq3A_29, %not3A_43 : i1
    %convert_element_type3A_45 = arith.extui %and3A_44 : i1 to i32
    %cond3A_46 = arith.constant 0 : i32
    %cond3A_47 = arith.cmpi ne, %convert_element_type3A_45, %cond3A_46 : i32
    scf.if %cond3A_47 {
      %add3A_627 = arith.constant 2 : i32
      %add3A_628 = arith.addi %mul3A_0, %add3A_627 : i32
      %dma_start3A = arith.constant 0 : i32
      %dma_start3A_629 = arith.constant 2 : i32
      %dma_start3A_630 = tpu.memref_slice %arg8[%dma_start3A, %dma_start3A_629] : memref<2x16x!tpu.dma_semaphore, #tpu.memory_space<semaphore_mem>> -> memref<1x1x!tpu.dma_semaphore, #tpu.memory_space<semaphore_mem>>
      %dma_start3A_631 = tpu.memref_squeeze %dma_start3A_630 : memref<1x1x!tpu.dma_semaphore, #tpu.memory_space<semaphore_mem>> -> memref<!tpu.dma_semaphore, #tpu.memory_space<semaphore_mem>>
      %dma_start3A_632 = arith.constant 2 : i32
      %dma_start3A_633 = arith.constant 0 : i32
      %dma_start3A_634 = arith.constant 0 : i32
      %dma_start3A_635 = tpu.memref_slice %arg6[%dma_start3A_632, %dma_start3A_633, %dma_start3A_634] : memref<16x512x256xf32, #tpu.memory_space<vmem>> -> memref<1x512x256xf32, #tpu.memory_space<vmem>>
      %dma_start3A_636 = arith.constant 0 : i32
      %dma_start3A_637 = arith.constant 0 : i32
      %dma_start3A_638 = tpu.memref_slice %arg2[%add3A_628, %dma_start3A_636, %dma_start3A_637] : memref<512x512x256xf32, #tpu.memory_space<hbm>> -> memref<1x512x256xf32, #tpu.memory_space<hbm>>
      tpu.enqueue_dma source(%dma_start3A_638 : memref<1x512x256xf32, #tpu.memory_space<hbm>>) target(%dma_start3A_635 : memref<1x512x256xf32, #tpu.memory_space<vmem>>) target_semaphore(%dma_start3A_631 : memref<!tpu.dma_semaphore, #tpu.memory_space<semaphore_mem>>)
      %add3A_639 = arith.constant 2 : i32
      %add3A_640 = arith.addi %mul3A_0, %add3A_639 : i32
      %dma_start3A_641 = arith.constant 1 : i32
      %dma_start3A_642 = arith.constant 2 : i32
      %dma_start3A_643 = tpu.memref_slice %arg8[%dma_start3A_641, %dma_start3A_642] : memref<2x16x!tpu.dma_semaphore, #tpu.memory_space<semaphore_mem>> -> memref<1x1x!tpu.dma_semaphore, #tpu.memory_space<semaphore_mem>>
      %dma_start3A_644 = tpu.memref_squeeze %dma_start3A_643 : memref<1x1x!tpu.dma_semaphore, #tpu.memory_space<semaphore_mem>> -> memref<!tpu.dma_semaphore, #tpu.memory_space<semaphore_mem>>
      %dma_start3A_645 = arith.constant 2 : i32
      %dma_start3A_646 = arith.constant 0 : i32
      %dma_start3A_647 = arith.constant 0 : i32
      %dma_start3A_648 = tpu.memref_slice %arg7[%dma_start3A_645, %dma_start3A_646, %dma_start3A_647] : memref<16x512x256xf32, #tpu.memory_space<vmem>> -> memref<1x512x256xf32, #tpu.memory_space<vmem>>
      %dma_start3A_649 = arith.constant 0 : i32
      %dma_start3A_650 = arith.constant 0 : i32
      %dma_start3A_651 = tpu.memref_slice %arg3[%add3A_640, %dma_start3A_649, %dma_start3A_650] : memref<512x512x256xf32, #tpu.memory_space<hbm>> -> memref<1x512x256xf32, #tpu.memory_space<hbm>>
      tpu.enqueue_dma source(%dma_start3A_651 : memref<1x512x256xf32, #tpu.memory_space<hbm>>) target(%dma_start3A_648 : memref<1x512x256xf32, #tpu.memory_space<vmem>>) target_semaphore(%dma_start3A_644 : memref<!tpu.dma_semaphore, #tpu.memory_space<semaphore_mem>>)
    } else {
    }
    %not3A_48 = arith.constant true
    %not3A_49 = arith.xori %eq3A_29, %not3A_48 : i1
    %and3A_50 = arith.andi %not3A_49, %eq3A_37 : i1
    %convert_element_type3A_51 = arith.extui %and3A_50 : i1 to i32
    %cond3A_52 = arith.constant 0 : i32
    %cond3A_53 = arith.cmpi ne, %convert_element_type3A_51, %cond3A_52 : i32
    scf.if %cond3A_53 {
      %add3A_627 = arith.constant 3 : i32
      %add3A_628 = arith.addi %mul3A_0, %add3A_627 : i32
      %dma_start3A = arith.constant 0 : i32
      %dma_start3A_629 = arith.constant 3 : i32
      %dma_start3A_630 = tpu.memref_slice %arg8[%dma_start3A, %dma_start3A_629] : memref<2x16x!tpu.dma_semaphore, #tpu.memory_space<semaphore_mem>> -> memref<1x1x!tpu.dma_semaphore, #tpu.memory_space<semaphore_mem>>
      %dma_start3A_631 = tpu.memref_squeeze %dma_start3A_630 : memref<1x1x!tpu.dma_semaphore, #tpu.memory_space<semaphore_mem>> -> memref<!tpu.dma_semaphore, #tpu.memory_space<semaphore_mem>>
      %dma_start3A_632 = arith.constant 3 : i32
      %dma_start3A_633 = arith.constant 0 : i32
      %dma_start3A_634 = arith.constant 0 : i32
      %dma_start3A_635 = tpu.memref_slice %arg6[%dma_start3A_632, %dma_start3A_633, %dma_start3A_634] : memref<16x512x256xf32, #tpu.memory_space<vmem>> -> memref<1x512x256xf32, #tpu.memory_space<vmem>>
      %dma_start3A_636 = arith.constant 0 : i32
      %dma_start3A_637 = arith.constant 0 : i32
      %dma_start3A_638 = tpu.memref_slice %arg2[%add3A_628, %dma_start3A_636, %dma_start3A_637] : memref<512x512x256xf32, #tpu.memory_space<hbm>> -> memref<1x512x256xf32, #tpu.memory_space<hbm>>
      tpu.enqueue_dma source(%dma_start3A_638 : memref<1x512x256xf32, #tpu.memory_space<hbm>>) target(%dma_start3A_635 : memref<1x512x256xf32, #tpu.memory_space<vmem>>) target_semaphore(%dma_start3A_631 : memref<!tpu.dma_semaphore, #tpu.memory_space<semaphore_mem>>)
      %add3A_639 = arith.constant 3 : i32
      %add3A_640 = arith.addi %mul3A_0, %add3A_639 : i32
      %dma_start3A_641 = arith.constant 1 : i32
      %dma_start3A_642 = arith.constant 3 : i32
      %dma_start3A_643 = tpu.memref_slice %arg8[%dma_start3A_641, %dma_start3A_642] : memref<2x16x!tpu.dma_semaphore, #tpu.memory_space<semaphore_mem>> -> memref<1x1x!tpu.dma_semaphore, #tpu.memory_space<semaphore_mem>>
      %dma_start3A_644 = tpu.memref_squeeze %dma_start3A_643 : memref<1x1x!tpu.dma_semaphore, #tpu.memory_space<semaphore_mem>> -> memref<!tpu.dma_semaphore, #tpu.memory_space<semaphore_mem>>
      %dma_start3A_645 = arith.constant 3 : i32
      %dma_start3A_646 = arith.constant 0 : i32
      %dma_start3A_647 = arith.constant 0 : i32
      %dma_start3A_648 = tpu.memref_slice %arg7[%dma_start3A_645, %dma_start3A_646, %dma_start3A_647] : memref<16x512x256xf32, #tpu.memory_space<vmem>> -> memref<1x512x256xf32, #tpu.memory_space<vmem>>
      %dma_start3A_649 = arith.constant 0 : i32
      %dma_start3A_650 = arith.constant 0 : i32
      %dma_start3A_651 = tpu.memref_slice %arg3[%add3A_640, %dma_start3A_649, %dma_start3A_650] : memref<512x512x256xf32, #tpu.memory_space<hbm>> -> memref<1x512x256xf32, #tpu.memory_space<hbm>>
      tpu.enqueue_dma source(%dma_start3A_651 : memref<1x512x256xf32, #tpu.memory_space<hbm>>) target(%dma_start3A_648 : memref<1x512x256xf32, #tpu.memory_space<vmem>>) target_semaphore(%dma_start3A_644 : memref<!tpu.dma_semaphore, #tpu.memory_space<semaphore_mem>>)
    } else {
    }
    %add3A_54 = arith.constant 4 : i32
    %add3A_55 = arith.addi %mul3A_0, %add3A_54 : i32
    %get3A_56 = arith.index_cast %add3A_55 : i32 to index
    %get3A_57 = memref.load %arg1[%get3A_56] : memref<512xi32, #tpu.memory_space<smem>>
    %eq3A_58 = arith.constant 0 : i32
    %eq3A_59 = arith.cmpi eq, %get3A_57, %eq3A_58 : i32
    %add3A_60 = arith.constant 4 : i32
    %add3A_61 = arith.addi %mul3A_0, %add3A_60 : i32
    %add3A_62 = arith.constant 1 : i32
    %add3A_63 = arith.addi %add3A_61, %add3A_62 : i32
    %get3A_64 = arith.index_cast %add3A_63 : i32 to index
    %get3A_65 = memref.load %arg1[%get3A_64] : memref<512xi32, #tpu.memory_space<smem>>
    %eq3A_66 = arith.constant 0 : i32
    %eq3A_67 = arith.cmpi eq, %get3A_65, %eq3A_66 : i32
    %and3A_68 = arith.andi %eq3A_59, %eq3A_67 : i1
    %convert_element_type3A_69 = arith.extui %and3A_68 : i1 to i32
    %cond3A_70 = arith.constant 0 : i32
    %cond3A_71 = arith.cmpi ne, %convert_element_type3A_69, %cond3A_70 : i32
    scf.if %cond3A_71 {
      %add3A_627 = arith.constant 4 : i32
      %add3A_628 = arith.addi %mul3A_0, %add3A_627 : i32
      %dma_start3A = arith.constant 0 : i32
      %dma_start3A_629 = arith.constant 4 : i32
      %dma_start3A_630 = tpu.memref_slice %arg8[%dma_start3A, %dma_start3A_629] : memref<2x16x!tpu.dma_semaphore, #tpu.memory_space<semaphore_mem>> -> memref<1x1x!tpu.dma_semaphore, #tpu.memory_space<semaphore_mem>>
      %dma_start3A_631 = tpu.memref_squeeze %dma_start3A_630 : memref<1x1x!tpu.dma_semaphore, #tpu.memory_space<semaphore_mem>> -> memref<!tpu.dma_semaphore, #tpu.memory_space<semaphore_mem>>
      %dma_start3A_632 = arith.constant 4 : i32
      %dma_start3A_633 = arith.constant 0 : i32
      %dma_start3A_634 = arith.constant 0 : i32
      %dma_start3A_635 = tpu.memref_slice %arg6[%dma_start3A_632, %dma_start3A_633, %dma_start3A_634] : memref<16x512x256xf32, #tpu.memory_space<vmem>> -> memref<2x512x256xf32, #tpu.memory_space<vmem>>
      %dma_start3A_636 = arith.constant 0 : i32
      %dma_start3A_637 = arith.constant 0 : i32
      %dma_start3A_638 = tpu.memref_slice %arg2[%add3A_628, %dma_start3A_636, %dma_start3A_637] : memref<512x512x256xf32, #tpu.memory_space<hbm>> -> memref<2x512x256xf32, #tpu.memory_space<hbm>>
      tpu.enqueue_dma source(%dma_start3A_638 : memref<2x512x256xf32, #tpu.memory_space<hbm>>) target(%dma_start3A_635 : memref<2x512x256xf32, #tpu.memory_space<vmem>>) target_semaphore(%dma_start3A_631 : memref<!tpu.dma_semaphore, #tpu.memory_space<semaphore_mem>>)
      %add3A_639 = arith.constant 4 : i32
      %add3A_640 = arith.addi %mul3A_0, %add3A_639 : i32
      %dma_start3A_641 = arith.constant 1 : i32
      %dma_start3A_642 = arith.constant 4 : i32
      %dma_start3A_643 = tpu.memref_slice %arg8[%dma_start3A_641, %dma_start3A_642] : memref<2x16x!tpu.dma_semaphore, #tpu.memory_space<semaphore_mem>> -> memref<1x1x!tpu.dma_semaphore, #tpu.memory_space<semaphore_mem>>
      %dma_start3A_644 = tpu.memref_squeeze %dma_start3A_643 : memref<1x1x!tpu.dma_semaphore, #tpu.memory_space<semaphore_mem>> -> memref<!tpu.dma_semaphore, #tpu.memory_space<semaphore_mem>>
      %dma_start3A_645 = arith.constant 4 : i32
      %dma_start3A_646 = arith.constant 0 : i32
      %dma_start3A_647 = arith.constant 0 : i32
      %dma_start3A_648 = tpu.memref_slice %arg7[%dma_start3A_645, %dma_start3A_646, %dma_start3A_647] : memref<16x512x256xf32, #tpu.memory_space<vmem>> -> memref<2x512x256xf32, #tpu.memory_space<vmem>>
      %dma_start3A_649 = arith.constant 0 : i32
      %dma_start3A_650 = arith.constant 0 : i32
      %dma_start3A_651 = tpu.memref_slice %arg3[%add3A_640, %dma_start3A_649, %dma_start3A_650] : memref<512x512x256xf32, #tpu.memory_space<hbm>> -> memref<2x512x256xf32, #tpu.memory_space<hbm>>
      tpu.enqueue_dma source(%dma_start3A_651 : memref<2x512x256xf32, #tpu.memory_space<hbm>>) target(%dma_start3A_648 : memref<2x512x256xf32, #tpu.memory_space<vmem>>) target_semaphore(%dma_start3A_644 : memref<!tpu.dma_semaphore, #tpu.memory_space<semaphore_mem>>)
    } else {
    }
    %not3A_72 = arith.constant true
    %not3A_73 = arith.xori %eq3A_67, %not3A_72 : i1
    %and3A_74 = arith.andi %eq3A_59, %not3A_73 : i1
    %convert_element_type3A_75 = arith.extui %and3A_74 : i1 to i32
    %cond3A_76 = arith.constant 0 : i32
    %cond3A_77 = arith.cmpi ne, %convert_element_type3A_75, %cond3A_76 : i32
    scf.if %cond3A_77 {
      %add3A_627 = arith.constant 4 : i32
      %add3A_628 = arith.addi %mul3A_0, %add3A_627 : i32
      %dma_start3A = arith.constant 0 : i32
      %dma_start3A_629 = arith.constant 4 : i32
      %dma_start3A_630 = tpu.memref_slice %arg8[%dma_start3A, %dma_start3A_629] : memref<2x16x!tpu.dma_semaphore, #tpu.memory_space<semaphore_mem>> -> memref<1x1x!tpu.dma_semaphore, #tpu.memory_space<semaphore_mem>>
      %dma_start3A_631 = tpu.memref_squeeze %dma_start3A_630 : memref<1x1x!tpu.dma_semaphore, #tpu.memory_space<semaphore_mem>> -> memref<!tpu.dma_semaphore, #tpu.memory_space<semaphore_mem>>
      %dma_start3A_632 = arith.constant 4 : i32
      %dma_start3A_633 = arith.constant 0 : i32
      %dma_start3A_634 = arith.constant 0 : i32
      %dma_start3A_635 = tpu.memref_slice %arg6[%dma_start3A_632, %dma_start3A_633, %dma_start3A_634] : memref<16x512x256xf32, #tpu.memory_space<vmem>> -> memref<1x512x256xf32, #tpu.memory_space<vmem>>
      %dma_start3A_636 = arith.constant 0 : i32
      %dma_start3A_637 = arith.constant 0 : i32
      %dma_start3A_638 = tpu.memref_slice %arg2[%add3A_628, %dma_start3A_636, %dma_start3A_637] : memref<512x512x256xf32, #tpu.memory_space<hbm>> -> memref<1x512x256xf32, #tpu.memory_space<hbm>>
      tpu.enqueue_dma source(%dma_start3A_638 : memref<1x512x256xf32, #tpu.memory_space<hbm>>) target(%dma_start3A_635 : memref<1x512x256xf32, #tpu.memory_space<vmem>>) target_semaphore(%dma_start3A_631 : memref<!tpu.dma_semaphore, #tpu.memory_space<semaphore_mem>>)
      %add3A_639 = arith.constant 4 : i32
      %add3A_640 = arith.addi %mul3A_0, %add3A_639 : i32
      %dma_start3A_641 = arith.constant 1 : i32
      %dma_start3A_642 = arith.constant 4 : i32
      %dma_start3A_643 = tpu.memref_slice %arg8[%dma_start3A_641, %dma_start3A_642] : memref<2x16x!tpu.dma_semaphore, #tpu.memory_space<semaphore_mem>> -> memref<1x1x!tpu.dma_semaphore, #tpu.memory_space<semaphore_mem>>
      %dma_start3A_644 = tpu.memref_squeeze %dma_start3A_643 : memref<1x1x!tpu.dma_semaphore, #tpu.memory_space<semaphore_mem>> -> memref<!tpu.dma_semaphore, #tpu.memory_space<semaphore_mem>>
      %dma_start3A_645 = arith.constant 4 : i32
      %dma_start3A_646 = arith.constant 0 : i32
      %dma_start3A_647 = arith.constant 0 : i32
      %dma_start3A_648 = tpu.memref_slice %arg7[%dma_start3A_645, %dma_start3A_646, %dma_start3A_647] : memref<16x512x256xf32, #tpu.memory_space<vmem>> -> memref<1x512x256xf32, #tpu.memory_space<vmem>>
      %dma_start3A_649 = arith.constant 0 : i32
      %dma_start3A_650 = arith.constant 0 : i32
      %dma_start3A_651 = tpu.memref_slice %arg3[%add3A_640, %dma_start3A_649, %dma_start3A_650] : memref<512x512x256xf32, #tpu.memory_space<hbm>> -> memref<1x512x256xf32, #tpu.memory_space<hbm>>
      tpu.enqueue_dma source(%dma_start3A_651 : memref<1x512x256xf32, #tpu.memory_space<hbm>>) target(%dma_start3A_648 : memref<1x512x256xf32, #tpu.memory_space<vmem>>) target_semaphore(%dma_start3A_644 : memref<!tpu.dma_semaphore, #tpu.memory_space<semaphore_mem>>)
    } else {
    }
    %not3A_78 = arith.constant true
    %not3A_79 = arith.xori %eq3A_59, %not3A_78 : i1
    %and3A_80 = arith.andi %not3A_79, %eq3A_67 : i1
    %convert_element_type3A_81 = arith.extui %and3A_80 : i1 to i32
    %cond3A_82 = arith.constant 0 : i32
    %cond3A_83 = arith.cmpi ne, %convert_element_type3A_81, %cond3A_82 : i32
    scf.if %cond3A_83 {
      %add3A_627 = arith.constant 5 : i32
      %add3A_628 = arith.addi %mul3A_0, %add3A_627 : i32
      %dma_start3A = arith.constant 0 : i32
      %dma_start3A_629 = arith.constant 5 : i32
      %dma_start3A_630 = tpu.memref_slice %arg8[%dma_start3A, %dma_start3A_629] : memref<2x16x!tpu.dma_semaphore, #tpu.memory_space<semaphore_mem>> -> memref<1x1x!tpu.dma_semaphore, #tpu.memory_space<semaphore_mem>>
      %dma_start3A_631 = tpu.memref_squeeze %dma_start3A_630 : memref<1x1x!tpu.dma_semaphore, #tpu.memory_space<semaphore_mem>> -> memref<!tpu.dma_semaphore, #tpu.memory_space<semaphore_mem>>
      %dma_start3A_632 = arith.constant 5 : i32
      %dma_start3A_633 = arith.constant 0 : i32
      %dma_start3A_634 = arith.constant 0 : i32
      %dma_start3A_635 = tpu.memref_slice %arg6[%dma_start3A_632, %dma_start3A_633, %dma_start3A_634] : memref<16x512x256xf32, #tpu.memory_space<vmem>> -> memref<1x512x256xf32, #tpu.memory_space<vmem>>
      %dma_start3A_636 = arith.constant 0 : i32
      %dma_start3A_637 = arith.constant 0 : i32
      %dma_start3A_638 = tpu.memref_slice %arg2[%add3A_628, %dma_start3A_636, %dma_start3A_637] : memref<512x512x256xf32, #tpu.memory_space<hbm>> -> memref<1x512x256xf32, #tpu.memory_space<hbm>>
      tpu.enqueue_dma source(%dma_start3A_638 : memref<1x512x256xf32, #tpu.memory_space<hbm>>) target(%dma_start3A_635 : memref<1x512x256xf32, #tpu.memory_space<vmem>>) target_semaphore(%dma_start3A_631 : memref<!tpu.dma_semaphore, #tpu.memory_space<semaphore_mem>>)
      %add3A_639 = arith.constant 5 : i32
      %add3A_640 = arith.addi %mul3A_0, %add3A_639 : i32
      %dma_start3A_641 = arith.constant 1 : i32
      %dma_start3A_642 = arith.constant 5 : i32
      %dma_start3A_643 = tpu.memref_slice %arg8[%dma_start3A_641, %dma_start3A_642] : memref<2x16x!tpu.dma_semaphore, #tpu.memory_space<semaphore_mem>> -> memref<1x1x!tpu.dma_semaphore, #tpu.memory_space<semaphore_mem>>
      %dma_start3A_644 = tpu.memref_squeeze %dma_start3A_643 : memref<1x1x!tpu.dma_semaphore, #tpu.memory_space<semaphore_mem>> -> memref<!tpu.dma_semaphore, #tpu.memory_space<semaphore_mem>>
      %dma_start3A_645 = arith.constant 5 : i32
      %dma_start3A_646 = arith.constant 0 : i32
      %dma_start3A_647 = arith.constant 0 : i32
      %dma_start3A_648 = tpu.memref_slice %arg7[%dma_start3A_645, %dma_start3A_646, %dma_start3A_647] : memref<16x512x256xf32, #tpu.memory_space<vmem>> -> memref<1x512x256xf32, #tpu.memory_space<vmem>>
      %dma_start3A_649 = arith.constant 0 : i32
      %dma_start3A_650 = arith.constant 0 : i32
      %dma_start3A_651 = tpu.memref_slice %arg3[%add3A_640, %dma_start3A_649, %dma_start3A_650] : memref<512x512x256xf32, #tpu.memory_space<hbm>> -> memref<1x512x256xf32, #tpu.memory_space<hbm>>
      tpu.enqueue_dma source(%dma_start3A_651 : memref<1x512x256xf32, #tpu.memory_space<hbm>>) target(%dma_start3A_648 : memref<1x512x256xf32, #tpu.memory_space<vmem>>) target_semaphore(%dma_start3A_644 : memref<!tpu.dma_semaphore, #tpu.memory_space<semaphore_mem>>)
    } else {
    }
    %add3A_84 = arith.constant 6 : i32
    %add3A_85 = arith.addi %mul3A_0, %add3A_84 : i32
    %get3A_86 = arith.index_cast %add3A_85 : i32 to index
    %get3A_87 = memref.load %arg1[%get3A_86] : memref<512xi32, #tpu.memory_space<smem>>
    %eq3A_88 = arith.constant 0 : i32
    %eq3A_89 = arith.cmpi eq, %get3A_87, %eq3A_88 : i32
    %add3A_90 = arith.constant 6 : i32
    %add3A_91 = arith.addi %mul3A_0, %add3A_90 : i32
    %add3A_92 = arith.constant 1 : i32
    %add3A_93 = arith.addi %add3A_91, %add3A_92 : i32
    %get3A_94 = arith.index_cast %add3A_93 : i32 to index
    %get3A_95 = memref.load %arg1[%get3A_94] : memref<512xi32, #tpu.memory_space<smem>>
    %eq3A_96 = arith.constant 0 : i32
    %eq3A_97 = arith.cmpi eq, %get3A_95, %eq3A_96 : i32
    %and3A_98 = arith.andi %eq3A_89, %eq3A_97 : i1
    %convert_element_type3A_99 = arith.extui %and3A_98 : i1 to i32
    %cond3A_100 = arith.constant 0 : i32
    %cond3A_101 = arith.cmpi ne, %convert_element_type3A_99, %cond3A_100 : i32
    scf.if %cond3A_101 {
      %add3A_627 = arith.constant 6 : i32
      %add3A_628 = arith.addi %mul3A_0, %add3A_627 : i32
      %dma_start3A = arith.constant 0 : i32
      %dma_start3A_629 = arith.constant 6 : i32
      %dma_start3A_630 = tpu.memref_slice %arg8[%dma_start3A, %dma_start3A_629] : memref<2x16x!tpu.dma_semaphore, #tpu.memory_space<semaphore_mem>> -> memref<1x1x!tpu.dma_semaphore, #tpu.memory_space<semaphore_mem>>
      %dma_start3A_631 = tpu.memref_squeeze %dma_start3A_630 : memref<1x1x!tpu.dma_semaphore, #tpu.memory_space<semaphore_mem>> -> memref<!tpu.dma_semaphore, #tpu.memory_space<semaphore_mem>>
      %dma_start3A_632 = arith.constant 6 : i32
      %dma_start3A_633 = arith.constant 0 : i32
      %dma_start3A_634 = arith.constant 0 : i32
      %dma_start3A_635 = tpu.memref_slice %arg6[%dma_start3A_632, %dma_start3A_633, %dma_start3A_634] : memref<16x512x256xf32, #tpu.memory_space<vmem>> -> memref<2x512x256xf32, #tpu.memory_space<vmem>>
      %dma_start3A_636 = arith.constant 0 : i32
      %dma_start3A_637 = arith.constant 0 : i32
      %dma_start3A_638 = tpu.memref_slice %arg2[%add3A_628, %dma_start3A_636, %dma_start3A_637] : memref<512x512x256xf32, #tpu.memory_space<hbm>> -> memref<2x512x256xf32, #tpu.memory_space<hbm>>
      tpu.enqueue_dma source(%dma_start3A_638 : memref<2x512x256xf32, #tpu.memory_space<hbm>>) target(%dma_start3A_635 : memref<2x512x256xf32, #tpu.memory_space<vmem>>) target_semaphore(%dma_start3A_631 : memref<!tpu.dma_semaphore, #tpu.memory_space<semaphore_mem>>)
      %add3A_639 = arith.constant 6 : i32
      %add3A_640 = arith.addi %mul3A_0, %add3A_639 : i32
      %dma_start3A_641 = arith.constant 1 : i32
      %dma_start3A_642 = arith.constant 6 : i32
      %dma_start3A_643 = tpu.memref_slice %arg8[%dma_start3A_641, %dma_start3A_642] : memref<2x16x!tpu.dma_semaphore, #tpu.memory_space<semaphore_mem>> -> memref<1x1x!tpu.dma_semaphore, #tpu.memory_space<semaphore_mem>>
      %dma_start3A_644 = tpu.memref_squeeze %dma_start3A_643 : memref<1x1x!tpu.dma_semaphore, #tpu.memory_space<semaphore_mem>> -> memref<!tpu.dma_semaphore, #tpu.memory_space<semaphore_mem>>
      %dma_start3A_645 = arith.constant 6 : i32
      %dma_start3A_646 = arith.constant 0 : i32
      %dma_start3A_647 = arith.constant 0 : i32
      %dma_start3A_648 = tpu.memref_slice %arg7[%dma_start3A_645, %dma_start3A_646, %dma_start3A_647] : memref<16x512x256xf32, #tpu.memory_space<vmem>> -> memref<2x512x256xf32, #tpu.memory_space<vmem>>
      %dma_start3A_649 = arith.constant 0 : i32
      %dma_start3A_650 = arith.constant 0 : i32
      %dma_start3A_651 = tpu.memref_slice %arg3[%add3A_640, %dma_start3A_649, %dma_start3A_650] : memref<512x512x256xf32, #tpu.memory_space<hbm>> -> memref<2x512x256xf32, #tpu.memory_space<hbm>>
      tpu.enqueue_dma source(%dma_start3A_651 : memref<2x512x256xf32, #tpu.memory_space<hbm>>) target(%dma_start3A_648 : memref<2x512x256xf32, #tpu.memory_space<vmem>>) target_semaphore(%dma_start3A_644 : memref<!tpu.dma_semaphore, #tpu.memory_space<semaphore_mem>>)
    } else {
    }
    %not3A_102 = arith.constant true
    %not3A_103 = arith.xori %eq3A_97, %not3A_102 : i1
    %and3A_104 = arith.andi %eq3A_89, %not3A_103 : i1
    %convert_element_type3A_105 = arith.extui %and3A_104 : i1 to i32
    %cond3A_106 = arith.constant 0 : i32
    %cond3A_107 = arith.cmpi ne, %convert_element_type3A_105, %cond3A_106 : i32
    scf.if %cond3A_107 {
      %add3A_627 = arith.constant 6 : i32
      %add3A_628 = arith.addi %mul3A_0, %add3A_627 : i32
      %dma_start3A = arith.constant 0 : i32
      %dma_start3A_629 = arith.constant 6 : i32
      %dma_start3A_630 = tpu.memref_slice %arg8[%dma_start3A, %dma_start3A_629] : memref<2x16x!tpu.dma_semaphore, #tpu.memory_space<semaphore_mem>> -> memref<1x1x!tpu.dma_semaphore, #tpu.memory_space<semaphore_mem>>
      %dma_start3A_631 = tpu.memref_squeeze %dma_start3A_630 : memref<1x1x!tpu.dma_semaphore, #tpu.memory_space<semaphore_mem>> -> memref<!tpu.dma_semaphore, #tpu.memory_space<semaphore_mem>>
      %dma_start3A_632 = arith.constant 6 : i32
      %dma_start3A_633 = arith.constant 0 : i32
      %dma_start3A_634 = arith.constant 0 : i32
      %dma_start3A_635 = tpu.memref_slice %arg6[%dma_start3A_632, %dma_start3A_633, %dma_start3A_634] : memref<16x512x256xf32, #tpu.memory_space<vmem>> -> memref<1x512x256xf32, #tpu.memory_space<vmem>>
      %dma_start3A_636 = arith.constant 0 : i32
      %dma_start3A_637 = arith.constant 0 : i32
      %dma_start3A_638 = tpu.memref_slice %arg2[%add3A_628, %dma_start3A_636, %dma_start3A_637] : memref<512x512x256xf32, #tpu.memory_space<hbm>> -> memref<1x512x256xf32, #tpu.memory_space<hbm>>
      tpu.enqueue_dma source(%dma_start3A_638 : memref<1x512x256xf32, #tpu.memory_space<hbm>>) target(%dma_start3A_635 : memref<1x512x256xf32, #tpu.memory_space<vmem>>) target_semaphore(%dma_start3A_631 : memref<!tpu.dma_semaphore, #tpu.memory_space<semaphore_mem>>)
      %add3A_639 = arith.constant 6 : i32
      %add3A_640 = arith.addi %mul3A_0, %add3A_639 : i32
      %dma_start3A_641 = arith.constant 1 : i32
      %dma_start3A_642 = arith.constant 6 : i32
      %dma_start3A_643 = tpu.memref_slice %arg8[%dma_start3A_641, %dma_start3A_642] : memref<2x16x!tpu.dma_semaphore, #tpu.memory_space<semaphore_mem>> -> memref<1x1x!tpu.dma_semaphore, #tpu.memory_space<semaphore_mem>>
      %dma_start3A_644 = tpu.memref_squeeze %dma_start3A_643 : memref<1x1x!tpu.dma_semaphore, #tpu.memory_space<semaphore_mem>> -> memref<!tpu.dma_semaphore, #tpu.memory_space<semaphore_mem>>
      %dma_start3A_645 = arith.constant 6 : i32
      %dma_start3A_646 = arith.constant 0 : i32
      %dma_start3A_647 = arith.constant 0 : i32
      %dma_start3A_648 = tpu.memref_slice %arg7[%dma_start3A_645, %dma_start3A_646, %dma_start3A_647] : memref<16x512x256xf32, #tpu.memory_space<vmem>> -> memref<1x512x256xf32, #tpu.memory_space<vmem>>
      %dma_start3A_649 = arith.constant 0 : i32
      %dma_start3A_650 = arith.constant 0 : i32
      %dma_start3A_651 = tpu.memref_slice %arg3[%add3A_640, %dma_start3A_649, %dma_start3A_650] : memref<512x512x256xf32, #tpu.memory_space<hbm>> -> memref<1x512x256xf32, #tpu.memory_space<hbm>>
      tpu.enqueue_dma source(%dma_start3A_651 : memref<1x512x256xf32, #tpu.memory_space<hbm>>) target(%dma_start3A_648 : memref<1x512x256xf32, #tpu.memory_space<vmem>>) target_semaphore(%dma_start3A_644 : memref<!tpu.dma_semaphore, #tpu.memory_space<semaphore_mem>>)
    } else {
    }
    %not3A_108 = arith.constant true
    %not3A_109 = arith.xori %eq3A_89, %not3A_108 : i1
    %and3A_110 = arith.andi %not3A_109, %eq3A_97 : i1
    %convert_element_type3A_111 = arith.extui %and3A_110 : i1 to i32
    %cond3A_112 = arith.constant 0 : i32
    %cond3A_113 = arith.cmpi ne, %convert_element_type3A_111, %cond3A_112 : i32
    scf.if %cond3A_113 {
      %add3A_627 = arith.constant 7 : i32
      %add3A_628 = arith.addi %mul3A_0, %add3A_627 : i32
      %dma_start3A = arith.constant 0 : i32
      %dma_start3A_629 = arith.constant 7 : i32
      %dma_start3A_630 = tpu.memref_slice %arg8[%dma_start3A, %dma_start3A_629] : memref<2x16x!tpu.dma_semaphore, #tpu.memory_space<semaphore_mem>> -> memref<1x1x!tpu.dma_semaphore, #tpu.memory_space<semaphore_mem>>
      %dma_start3A_631 = tpu.memref_squeeze %dma_start3A_630 : memref<1x1x!tpu.dma_semaphore, #tpu.memory_space<semaphore_mem>> -> memref<!tpu.dma_semaphore, #tpu.memory_space<semaphore_mem>>
      %dma_start3A_632 = arith.constant 7 : i32
      %dma_start3A_633 = arith.constant 0 : i32
      %dma_start3A_634 = arith.constant 0 : i32
      %dma_start3A_635 = tpu.memref_slice %arg6[%dma_start3A_632, %dma_start3A_633, %dma_start3A_634] : memref<16x512x256xf32, #tpu.memory_space<vmem>> -> memref<1x512x256xf32, #tpu.memory_space<vmem>>
      %dma_start3A_636 = arith.constant 0 : i32
      %dma_start3A_637 = arith.constant 0 : i32
      %dma_start3A_638 = tpu.memref_slice %arg2[%add3A_628, %dma_start3A_636, %dma_start3A_637] : memref<512x512x256xf32, #tpu.memory_space<hbm>> -> memref<1x512x256xf32, #tpu.memory_space<hbm>>
      tpu.enqueue_dma source(%dma_start3A_638 : memref<1x512x256xf32, #tpu.memory_space<hbm>>) target(%dma_start3A_635 : memref<1x512x256xf32, #tpu.memory_space<vmem>>) target_semaphore(%dma_start3A_631 : memref<!tpu.dma_semaphore, #tpu.memory_space<semaphore_mem>>)
      %add3A_639 = arith.constant 7 : i32
      %add3A_640 = arith.addi %mul3A_0, %add3A_639 : i32
      %dma_start3A_641 = arith.constant 1 : i32
      %dma_start3A_642 = arith.constant 7 : i32
      %dma_start3A_643 = tpu.memref_slice %arg8[%dma_start3A_641, %dma_start3A_642] : memref<2x16x!tpu.dma_semaphore, #tpu.memory_space<semaphore_mem>> -> memref<1x1x!tpu.dma_semaphore, #tpu.memory_space<semaphore_mem>>
      %dma_start3A_644 = tpu.memref_squeeze %dma_start3A_643 : memref<1x1x!tpu.dma_semaphore, #tpu.memory_space<semaphore_mem>> -> memref<!tpu.dma_semaphore, #tpu.memory_space<semaphore_mem>>
      %dma_start3A_645 = arith.constant 7 : i32
      %dma_start3A_646 = arith.constant 0 : i32
      %dma_start3A_647 = arith.constant 0 : i32
      %dma_start3A_648 = tpu.memref_slice %arg7[%dma_start3A_645, %dma_start3A_646, %dma_start3A_647] : memref<16x512x256xf32, #tpu.memory_space<vmem>> -> memref<1x512x256xf32, #tpu.memory_space<vmem>>
      %dma_start3A_649 = arith.constant 0 : i32
      %dma_start3A_650 = arith.constant 0 : i32
      %dma_start3A_651 = tpu.memref_slice %arg3[%add3A_640, %dma_start3A_649, %dma_start3A_650] : memref<512x512x256xf32, #tpu.memory_space<hbm>> -> memref<1x512x256xf32, #tpu.memory_space<hbm>>
      tpu.enqueue_dma source(%dma_start3A_651 : memref<1x512x256xf32, #tpu.memory_space<hbm>>) target(%dma_start3A_648 : memref<1x512x256xf32, #tpu.memory_space<vmem>>) target_semaphore(%dma_start3A_644 : memref<!tpu.dma_semaphore, #tpu.memory_space<semaphore_mem>>)
    } else {
    }
    %add3A_114 = arith.constant 8 : i32
    %add3A_115 = arith.addi %mul3A_0, %add3A_114 : i32
    %get3A_116 = arith.index_cast %add3A_115 : i32 to index
    %get3A_117 = memref.load %arg1[%get3A_116] : memref<512xi32, #tpu.memory_space<smem>>
    %eq3A_118 = arith.constant 0 : i32
    %eq3A_119 = arith.cmpi eq, %get3A_117, %eq3A_118 : i32
    %add3A_120 = arith.constant 8 : i32
    %add3A_121 = arith.addi %mul3A_0, %add3A_120 : i32
    %add3A_122 = arith.constant 1 : i32
    %add3A_123 = arith.addi %add3A_121, %add3A_122 : i32
    %get3A_124 = arith.index_cast %add3A_123 : i32 to index
    %get3A_125 = memref.load %arg1[%get3A_124] : memref<512xi32, #tpu.memory_space<smem>>
    %eq3A_126 = arith.constant 0 : i32
    %eq3A_127 = arith.cmpi eq, %get3A_125, %eq3A_126 : i32
    %and3A_128 = arith.andi %eq3A_119, %eq3A_127 : i1
    %convert_element_type3A_129 = arith.extui %and3A_128 : i1 to i32
    %cond3A_130 = arith.constant 0 : i32
    %cond3A_131 = arith.cmpi ne, %convert_element_type3A_129, %cond3A_130 : i32
    scf.if %cond3A_131 {
      %add3A_627 = arith.constant 8 : i32
      %add3A_628 = arith.addi %mul3A_0, %add3A_627 : i32
      %dma_start3A = arith.constant 0 : i32
      %dma_start3A_629 = arith.constant 8 : i32
      %dma_start3A_630 = tpu.memref_slice %arg8[%dma_start3A, %dma_start3A_629] : memref<2x16x!tpu.dma_semaphore, #tpu.memory_space<semaphore_mem>> -> memref<1x1x!tpu.dma_semaphore, #tpu.memory_space<semaphore_mem>>
      %dma_start3A_631 = tpu.memref_squeeze %dma_start3A_630 : memref<1x1x!tpu.dma_semaphore, #tpu.memory_space<semaphore_mem>> -> memref<!tpu.dma_semaphore, #tpu.memory_space<semaphore_mem>>
      %dma_start3A_632 = arith.constant 8 : i32
      %dma_start3A_633 = arith.constant 0 : i32
      %dma_start3A_634 = arith.constant 0 : i32
      %dma_start3A_635 = tpu.memref_slice %arg6[%dma_start3A_632, %dma_start3A_633, %dma_start3A_634] : memref<16x512x256xf32, #tpu.memory_space<vmem>> -> memref<2x512x256xf32, #tpu.memory_space<vmem>>
      %dma_start3A_636 = arith.constant 0 : i32
      %dma_start3A_637 = arith.constant 0 : i32
      %dma_start3A_638 = tpu.memref_slice %arg2[%add3A_628, %dma_start3A_636, %dma_start3A_637] : memref<512x512x256xf32, #tpu.memory_space<hbm>> -> memref<2x512x256xf32, #tpu.memory_space<hbm>>
      tpu.enqueue_dma source(%dma_start3A_638 : memref<2x512x256xf32, #tpu.memory_space<hbm>>) target(%dma_start3A_635 : memref<2x512x256xf32, #tpu.memory_space<vmem>>) target_semaphore(%dma_start3A_631 : memref<!tpu.dma_semaphore, #tpu.memory_space<semaphore_mem>>)
      %add3A_639 = arith.constant 8 : i32
      %add3A_640 = arith.addi %mul3A_0, %add3A_639 : i32
      %dma_start3A_641 = arith.constant 1 : i32
      %dma_start3A_642 = arith.constant 8 : i32
      %dma_start3A_643 = tpu.memref_slice %arg8[%dma_start3A_641, %dma_start3A_642] : memref<2x16x!tpu.dma_semaphore, #tpu.memory_space<semaphore_mem>> -> memref<1x1x!tpu.dma_semaphore, #tpu.memory_space<semaphore_mem>>
      %dma_start3A_644 = tpu.memref_squeeze %dma_start3A_643 : memref<1x1x!tpu.dma_semaphore, #tpu.memory_space<semaphore_mem>> -> memref<!tpu.dma_semaphore, #tpu.memory_space<semaphore_mem>>
      %dma_start3A_645 = arith.constant 8 : i32
      %dma_start3A_646 = arith.constant 0 : i32
      %dma_start3A_647 = arith.constant 0 : i32
      %dma_start3A_648 = tpu.memref_slice %arg7[%dma_start3A_645, %dma_start3A_646, %dma_start3A_647] : memref<16x512x256xf32, #tpu.memory_space<vmem>> -> memref<2x512x256xf32, #tpu.memory_space<vmem>>
      %dma_start3A_649 = arith.constant 0 : i32
      %dma_start3A_650 = arith.constant 0 : i32
      %dma_start3A_651 = tpu.memref_slice %arg3[%add3A_640, %dma_start3A_649, %dma_start3A_650] : memref<512x512x256xf32, #tpu.memory_space<hbm>> -> memref<2x512x256xf32, #tpu.memory_space<hbm>>
      tpu.enqueue_dma source(%dma_start3A_651 : memref<2x512x256xf32, #tpu.memory_space<hbm>>) target(%dma_start3A_648 : memref<2x512x256xf32, #tpu.memory_space<vmem>>) target_semaphore(%dma_start3A_644 : memref<!tpu.dma_semaphore, #tpu.memory_space<semaphore_mem>>)
    } else {
    }
    %not3A_132 = arith.constant true
    %not3A_133 = arith.xori %eq3A_127, %not3A_132 : i1
    %and3A_134 = arith.andi %eq3A_119, %not3A_133 : i1
    %convert_element_type3A_135 = arith.extui %and3A_134 : i1 to i32
    %cond3A_136 = arith.constant 0 : i32
    %cond3A_137 = arith.cmpi ne, %convert_element_type3A_135, %cond3A_136 : i32
    scf.if %cond3A_137 {
      %add3A_627 = arith.constant 8 : i32
      %add3A_628 = arith.addi %mul3A_0, %add3A_627 : i32
      %dma_start3A = arith.constant 0 : i32
      %dma_start3A_629 = arith.constant 8 : i32
      %dma_start3A_630 = tpu.memref_slice %arg8[%dma_start3A, %dma_start3A_629] : memref<2x16x!tpu.dma_semaphore, #tpu.memory_space<semaphore_mem>> -> memref<1x1x!tpu.dma_semaphore, #tpu.memory_space<semaphore_mem>>
      %dma_start3A_631 = tpu.memref_squeeze %dma_start3A_630 : memref<1x1x!tpu.dma_semaphore, #tpu.memory_space<semaphore_mem>> -> memref<!tpu.dma_semaphore, #tpu.memory_space<semaphore_mem>>
      %dma_start3A_632 = arith.constant 8 : i32
      %dma_start3A_633 = arith.constant 0 : i32
      %dma_start3A_634 = arith.constant 0 : i32
      %dma_start3A_635 = tpu.memref_slice %arg6[%dma_start3A_632, %dma_start3A_633, %dma_start3A_634] : memref<16x512x256xf32, #tpu.memory_space<vmem>> -> memref<1x512x256xf32, #tpu.memory_space<vmem>>
      %dma_start3A_636 = arith.constant 0 : i32
      %dma_start3A_637 = arith.constant 0 : i32
      %dma_start3A_638 = tpu.memref_slice %arg2[%add3A_628, %dma_start3A_636, %dma_start3A_637] : memref<512x512x256xf32, #tpu.memory_space<hbm>> -> memref<1x512x256xf32, #tpu.memory_space<hbm>>
      tpu.enqueue_dma source(%dma_start3A_638 : memref<1x512x256xf32, #tpu.memory_space<hbm>>) target(%dma_start3A_635 : memref<1x512x256xf32, #tpu.memory_space<vmem>>) target_semaphore(%dma_start3A_631 : memref<!tpu.dma_semaphore, #tpu.memory_space<semaphore_mem>>)
      %add3A_639 = arith.constant 8 : i32
      %add3A_640 = arith.addi %mul3A_0, %add3A_639 : i32
      %dma_start3A_641 = arith.constant 1 : i32
      %dma_start3A_642 = arith.constant 8 : i32
      %dma_start3A_643 = tpu.memref_slice %arg8[%dma_start3A_641, %dma_start3A_642] : memref<2x16x!tpu.dma_semaphore, #tpu.memory_space<semaphore_mem>> -> memref<1x1x!tpu.dma_semaphore, #tpu.memory_space<semaphore_mem>>
      %dma_start3A_644 = tpu.memref_squeeze %dma_start3A_643 : memref<1x1x!tpu.dma_semaphore, #tpu.memory_space<semaphore_mem>> -> memref<!tpu.dma_semaphore, #tpu.memory_space<semaphore_mem>>
      %dma_start3A_645 = arith.constant 8 : i32
      %dma_start3A_646 = arith.constant 0 : i32
      %dma_start3A_647 = arith.constant 0 : i32
      %dma_start3A_648 = tpu.memref_slice %arg7[%dma_start3A_645, %dma_start3A_646, %dma_start3A_647] : memref<16x512x256xf32, #tpu.memory_space<vmem>> -> memref<1x512x256xf32, #tpu.memory_space<vmem>>
      %dma_start3A_649 = arith.constant 0 : i32
      %dma_start3A_650 = arith.constant 0 : i32
      %dma_start3A_651 = tpu.memref_slice %arg3[%add3A_640, %dma_start3A_649, %dma_start3A_650] : memref<512x512x256xf32, #tpu.memory_space<hbm>> -> memref<1x512x256xf32, #tpu.memory_space<hbm>>
      tpu.enqueue_dma source(%dma_start3A_651 : memref<1x512x256xf32, #tpu.memory_space<hbm>>) target(%dma_start3A_648 : memref<1x512x256xf32, #tpu.memory_space<vmem>>) target_semaphore(%dma_start3A_644 : memref<!tpu.dma_semaphore, #tpu.memory_space<semaphore_mem>>)
    } else {
    }
    %not3A_138 = arith.constant true
    %not3A_139 = arith.xori %eq3A_119, %not3A_138 : i1
    %and3A_140 = arith.andi %not3A_139, %eq3A_127 : i1
    %convert_element_type3A_141 = arith.extui %and3A_140 : i1 to i32
    %cond3A_142 = arith.constant 0 : i32
    %cond3A_143 = arith.cmpi ne, %convert_element_type3A_141, %cond3A_142 : i32
    scf.if %cond3A_143 {
      %add3A_627 = arith.constant 9 : i32
      %add3A_628 = arith.addi %mul3A_0, %add3A_627 : i32
      %dma_start3A = arith.constant 0 : i32
      %dma_start3A_629 = arith.constant 9 : i32
      %dma_start3A_630 = tpu.memref_slice %arg8[%dma_start3A, %dma_start3A_629] : memref<2x16x!tpu.dma_semaphore, #tpu.memory_space<semaphore_mem>> -> memref<1x1x!tpu.dma_semaphore, #tpu.memory_space<semaphore_mem>>
      %dma_start3A_631 = tpu.memref_squeeze %dma_start3A_630 : memref<1x1x!tpu.dma_semaphore, #tpu.memory_space<semaphore_mem>> -> memref<!tpu.dma_semaphore, #tpu.memory_space<semaphore_mem>>
      %dma_start3A_632 = arith.constant 9 : i32
      %dma_start3A_633 = arith.constant 0 : i32
      %dma_start3A_634 = arith.constant 0 : i32
      %dma_start3A_635 = tpu.memref_slice %arg6[%dma_start3A_632, %dma_start3A_633, %dma_start3A_634] : memref<16x512x256xf32, #tpu.memory_space<vmem>> -> memref<1x512x256xf32, #tpu.memory_space<vmem>>
      %dma_start3A_636 = arith.constant 0 : i32
      %dma_start3A_637 = arith.constant 0 : i32
      %dma_start3A_638 = tpu.memref_slice %arg2[%add3A_628, %dma_start3A_636, %dma_start3A_637] : memref<512x512x256xf32, #tpu.memory_space<hbm>> -> memref<1x512x256xf32, #tpu.memory_space<hbm>>
      tpu.enqueue_dma source(%dma_start3A_638 : memref<1x512x256xf32, #tpu.memory_space<hbm>>) target(%dma_start3A_635 : memref<1x512x256xf32, #tpu.memory_space<vmem>>) target_semaphore(%dma_start3A_631 : memref<!tpu.dma_semaphore, #tpu.memory_space<semaphore_mem>>)
      %add3A_639 = arith.constant 9 : i32
      %add3A_640 = arith.addi %mul3A_0, %add3A_639 : i32
      %dma_start3A_641 = arith.constant 1 : i32
      %dma_start3A_642 = arith.constant 9 : i32
      %dma_start3A_643 = tpu.memref_slice %arg8[%dma_start3A_641, %dma_start3A_642] : memref<2x16x!tpu.dma_semaphore, #tpu.memory_space<semaphore_mem>> -> memref<1x1x!tpu.dma_semaphore, #tpu.memory_space<semaphore_mem>>
      %dma_start3A_644 = tpu.memref_squeeze %dma_start3A_643 : memref<1x1x!tpu.dma_semaphore, #tpu.memory_space<semaphore_mem>> -> memref<!tpu.dma_semaphore, #tpu.memory_space<semaphore_mem>>
      %dma_start3A_645 = arith.constant 9 : i32
      %dma_start3A_646 = arith.constant 0 : i32
      %dma_start3A_647 = arith.constant 0 : i32
      %dma_start3A_648 = tpu.memref_slice %arg7[%dma_start3A_645, %dma_start3A_646, %dma_start3A_647] : memref<16x512x256xf32, #tpu.memory_space<vmem>> -> memref<1x512x256xf32, #tpu.memory_space<vmem>>
      %dma_start3A_649 = arith.constant 0 : i32
      %dma_start3A_650 = arith.constant 0 : i32
      %dma_start3A_651 = tpu.memref_slice %arg3[%add3A_640, %dma_start3A_649, %dma_start3A_650] : memref<512x512x256xf32, #tpu.memory_space<hbm>> -> memref<1x512x256xf32, #tpu.memory_space<hbm>>
      tpu.enqueue_dma source(%dma_start3A_651 : memref<1x512x256xf32, #tpu.memory_space<hbm>>) target(%dma_start3A_648 : memref<1x512x256xf32, #tpu.memory_space<vmem>>) target_semaphore(%dma_start3A_644 : memref<!tpu.dma_semaphore, #tpu.memory_space<semaphore_mem>>)
    } else {
    }
    %add3A_144 = arith.constant 10 : i32
    %add3A_145 = arith.addi %mul3A_0, %add3A_144 : i32
    %get3A_146 = arith.index_cast %add3A_145 : i32 to index
    %get3A_147 = memref.load %arg1[%get3A_146] : memref<512xi32, #tpu.memory_space<smem>>
    %eq3A_148 = arith.constant 0 : i32
    %eq3A_149 = arith.cmpi eq, %get3A_147, %eq3A_148 : i32
    %add3A_150 = arith.constant 10 : i32
    %add3A_151 = arith.addi %mul3A_0, %add3A_150 : i32
    %add3A_152 = arith.constant 1 : i32
    %add3A_153 = arith.addi %add3A_151, %add3A_152 : i32
    %get3A_154 = arith.index_cast %add3A_153 : i32 to index
    %get3A_155 = memref.load %arg1[%get3A_154] : memref<512xi32, #tpu.memory_space<smem>>
    %eq3A_156 = arith.constant 0 : i32
    %eq3A_157 = arith.cmpi eq, %get3A_155, %eq3A_156 : i32
    %and3A_158 = arith.andi %eq3A_149, %eq3A_157 : i1
    %convert_element_type3A_159 = arith.extui %and3A_158 : i1 to i32
    %cond3A_160 = arith.constant 0 : i32
    %cond3A_161 = arith.cmpi ne, %convert_element_type3A_159, %cond3A_160 : i32
    scf.if %cond3A_161 {
      %add3A_627 = arith.constant 10 : i32
      %add3A_628 = arith.addi %mul3A_0, %add3A_627 : i32
      %dma_start3A = arith.constant 0 : i32
      %dma_start3A_629 = arith.constant 10 : i32
      %dma_start3A_630 = tpu.memref_slice %arg8[%dma_start3A, %dma_start3A_629] : memref<2x16x!tpu.dma_semaphore, #tpu.memory_space<semaphore_mem>> -> memref<1x1x!tpu.dma_semaphore, #tpu.memory_space<semaphore_mem>>
      %dma_start3A_631 = tpu.memref_squeeze %dma_start3A_630 : memref<1x1x!tpu.dma_semaphore, #tpu.memory_space<semaphore_mem>> -> memref<!tpu.dma_semaphore, #tpu.memory_space<semaphore_mem>>
      %dma_start3A_632 = arith.constant 10 : i32
      %dma_start3A_633 = arith.constant 0 : i32
      %dma_start3A_634 = arith.constant 0 : i32
      %dma_start3A_635 = tpu.memref_slice %arg6[%dma_start3A_632, %dma_start3A_633, %dma_start3A_634] : memref<16x512x256xf32, #tpu.memory_space<vmem>> -> memref<2x512x256xf32, #tpu.memory_space<vmem>>
      %dma_start3A_636 = arith.constant 0 : i32
      %dma_start3A_637 = arith.constant 0 : i32
      %dma_start3A_638 = tpu.memref_slice %arg2[%add3A_628, %dma_start3A_636, %dma_start3A_637] : memref<512x512x256xf32, #tpu.memory_space<hbm>> -> memref<2x512x256xf32, #tpu.memory_space<hbm>>
      tpu.enqueue_dma source(%dma_start3A_638 : memref<2x512x256xf32, #tpu.memory_space<hbm>>) target(%dma_start3A_635 : memref<2x512x256xf32, #tpu.memory_space<vmem>>) target_semaphore(%dma_start3A_631 : memref<!tpu.dma_semaphore, #tpu.memory_space<semaphore_mem>>)
      %add3A_639 = arith.constant 10 : i32
      %add3A_640 = arith.addi %mul3A_0, %add3A_639 : i32
      %dma_start3A_641 = arith.constant 1 : i32
      %dma_start3A_642 = arith.constant 10 : i32
      %dma_start3A_643 = tpu.memref_slice %arg8[%dma_start3A_641, %dma_start3A_642] : memref<2x16x!tpu.dma_semaphore, #tpu.memory_space<semaphore_mem>> -> memref<1x1x!tpu.dma_semaphore, #tpu.memory_space<semaphore_mem>>
      %dma_start3A_644 = tpu.memref_squeeze %dma_start3A_643 : memref<1x1x!tpu.dma_semaphore, #tpu.memory_space<semaphore_mem>> -> memref<!tpu.dma_semaphore, #tpu.memory_space<semaphore_mem>>
      %dma_start3A_645 = arith.constant 10 : i32
      %dma_start3A_646 = arith.constant 0 : i32
      %dma_start3A_647 = arith.constant 0 : i32
      %dma_start3A_648 = tpu.memref_slice %arg7[%dma_start3A_645, %dma_start3A_646, %dma_start3A_647] : memref<16x512x256xf32, #tpu.memory_space<vmem>> -> memref<2x512x256xf32, #tpu.memory_space<vmem>>
      %dma_start3A_649 = arith.constant 0 : i32
      %dma_start3A_650 = arith.constant 0 : i32
      %dma_start3A_651 = tpu.memref_slice %arg3[%add3A_640, %dma_start3A_649, %dma_start3A_650] : memref<512x512x256xf32, #tpu.memory_space<hbm>> -> memref<2x512x256xf32, #tpu.memory_space<hbm>>
      tpu.enqueue_dma source(%dma_start3A_651 : memref<2x512x256xf32, #tpu.memory_space<hbm>>) target(%dma_start3A_648 : memref<2x512x256xf32, #tpu.memory_space<vmem>>) target_semaphore(%dma_start3A_644 : memref<!tpu.dma_semaphore, #tpu.memory_space<semaphore_mem>>)
    } else {
    }
    %not3A_162 = arith.constant true
    %not3A_163 = arith.xori %eq3A_157, %not3A_162 : i1
    %and3A_164 = arith.andi %eq3A_149, %not3A_163 : i1
    %convert_element_type3A_165 = arith.extui %and3A_164 : i1 to i32
    %cond3A_166 = arith.constant 0 : i32
    %cond3A_167 = arith.cmpi ne, %convert_element_type3A_165, %cond3A_166 : i32
    scf.if %cond3A_167 {
      %add3A_627 = arith.constant 10 : i32
      %add3A_628 = arith.addi %mul3A_0, %add3A_627 : i32
      %dma_start3A = arith.constant 0 : i32
      %dma_start3A_629 = arith.constant 10 : i32
      %dma_start3A_630 = tpu.memref_slice %arg8[%dma_start3A, %dma_start3A_629] : memref<2x16x!tpu.dma_semaphore, #tpu.memory_space<semaphore_mem>> -> memref<1x1x!tpu.dma_semaphore, #tpu.memory_space<semaphore_mem>>
      %dma_start3A_631 = tpu.memref_squeeze %dma_start3A_630 : memref<1x1x!tpu.dma_semaphore, #tpu.memory_space<semaphore_mem>> -> memref<!tpu.dma_semaphore, #tpu.memory_space<semaphore_mem>>
      %dma_start3A_632 = arith.constant 10 : i32
      %dma_start3A_633 = arith.constant 0 : i32
      %dma_start3A_634 = arith.constant 0 : i32
      %dma_start3A_635 = tpu.memref_slice %arg6[%dma_start3A_632, %dma_start3A_633, %dma_start3A_634] : memref<16x512x256xf32, #tpu.memory_space<vmem>> -> memref<1x512x256xf32, #tpu.memory_space<vmem>>
      %dma_start3A_636 = arith.constant 0 : i32
      %dma_start3A_637 = arith.constant 0 : i32
      %dma_start3A_638 = tpu.memref_slice %arg2[%add3A_628, %dma_start3A_636, %dma_start3A_637] : memref<512x512x256xf32, #tpu.memory_space<hbm>> -> memref<1x512x256xf32, #tpu.memory_space<hbm>>
      tpu.enqueue_dma source(%dma_start3A_638 : memref<1x512x256xf32, #tpu.memory_space<hbm>>) target(%dma_start3A_635 : memref<1x512x256xf32, #tpu.memory_space<vmem>>) target_semaphore(%dma_start3A_631 : memref<!tpu.dma_semaphore, #tpu.memory_space<semaphore_mem>>)
      %add3A_639 = arith.constant 10 : i32
      %add3A_640 = arith.addi %mul3A_0, %add3A_639 : i32
      %dma_start3A_641 = arith.constant 1 : i32
      %dma_start3A_642 = arith.constant 10 : i32
      %dma_start3A_643 = tpu.memref_slice %arg8[%dma_start3A_641, %dma_start3A_642] : memref<2x16x!tpu.dma_semaphore, #tpu.memory_space<semaphore_mem>> -> memref<1x1x!tpu.dma_semaphore, #tpu.memory_space<semaphore_mem>>
      %dma_start3A_644 = tpu.memref_squeeze %dma_start3A_643 : memref<1x1x!tpu.dma_semaphore, #tpu.memory_space<semaphore_mem>> -> memref<!tpu.dma_semaphore, #tpu.memory_space<semaphore_mem>>
      %dma_start3A_645 = arith.constant 10 : i32
      %dma_start3A_646 = arith.constant 0 : i32
      %dma_start3A_647 = arith.constant 0 : i32
      %dma_start3A_648 = tpu.memref_slice %arg7[%dma_start3A_645, %dma_start3A_646, %dma_start3A_647] : memref<16x512x256xf32, #tpu.memory_space<vmem>> -> memref<1x512x256xf32, #tpu.memory_space<vmem>>
      %dma_start3A_649 = arith.constant 0 : i32
      %dma_start3A_650 = arith.constant 0 : i32
      %dma_start3A_651 = tpu.memref_slice %arg3[%add3A_640, %dma_start3A_649, %dma_start3A_650] : memref<512x512x256xf32, #tpu.memory_space<hbm>> -> memref<1x512x256xf32, #tpu.memory_space<hbm>>
      tpu.enqueue_dma source(%dma_start3A_651 : memref<1x512x256xf32, #tpu.memory_space<hbm>>) target(%dma_start3A_648 : memref<1x512x256xf32, #tpu.memory_space<vmem>>) target_semaphore(%dma_start3A_644 : memref<!tpu.dma_semaphore, #tpu.memory_space<semaphore_mem>>)
    } else {
    }
    %not3A_168 = arith.constant true
    %not3A_169 = arith.xori %eq3A_149, %not3A_168 : i1
    %and3A_170 = arith.andi %not3A_169, %eq3A_157 : i1
    %convert_element_type3A_171 = arith.extui %and3A_170 : i1 to i32
    %cond3A_172 = arith.constant 0 : i32
    %cond3A_173 = arith.cmpi ne, %convert_element_type3A_171, %cond3A_172 : i32
    scf.if %cond3A_173 {
      %add3A_627 = arith.constant 11 : i32
      %add3A_628 = arith.addi %mul3A_0, %add3A_627 : i32
      %dma_start3A = arith.constant 0 : i32
      %dma_start3A_629 = arith.constant 11 : i32
      %dma_start3A_630 = tpu.memref_slice %arg8[%dma_start3A, %dma_start3A_629] : memref<2x16x!tpu.dma_semaphore, #tpu.memory_space<semaphore_mem>> -> memref<1x1x!tpu.dma_semaphore, #tpu.memory_space<semaphore_mem>>
      %dma_start3A_631 = tpu.memref_squeeze %dma_start3A_630 : memref<1x1x!tpu.dma_semaphore, #tpu.memory_space<semaphore_mem>> -> memref<!tpu.dma_semaphore, #tpu.memory_space<semaphore_mem>>
      %dma_start3A_632 = arith.constant 11 : i32
      %dma_start3A_633 = arith.constant 0 : i32
      %dma_start3A_634 = arith.constant 0 : i32
      %dma_start3A_635 = tpu.memref_slice %arg6[%dma_start3A_632, %dma_start3A_633, %dma_start3A_634] : memref<16x512x256xf32, #tpu.memory_space<vmem>> -> memref<1x512x256xf32, #tpu.memory_space<vmem>>
      %dma_start3A_636 = arith.constant 0 : i32
      %dma_start3A_637 = arith.constant 0 : i32
      %dma_start3A_638 = tpu.memref_slice %arg2[%add3A_628, %dma_start3A_636, %dma_start3A_637] : memref<512x512x256xf32, #tpu.memory_space<hbm>> -> memref<1x512x256xf32, #tpu.memory_space<hbm>>
      tpu.enqueue_dma source(%dma_start3A_638 : memref<1x512x256xf32, #tpu.memory_space<hbm>>) target(%dma_start3A_635 : memref<1x512x256xf32, #tpu.memory_space<vmem>>) target_semaphore(%dma_start3A_631 : memref<!tpu.dma_semaphore, #tpu.memory_space<semaphore_mem>>)
      %add3A_639 = arith.constant 11 : i32
      %add3A_640 = arith.addi %mul3A_0, %add3A_639 : i32
      %dma_start3A_641 = arith.constant 1 : i32
      %dma_start3A_642 = arith.constant 11 : i32
      %dma_start3A_643 = tpu.memref_slice %arg8[%dma_start3A_641, %dma_start3A_642] : memref<2x16x!tpu.dma_semaphore, #tpu.memory_space<semaphore_mem>> -> memref<1x1x!tpu.dma_semaphore, #tpu.memory_space<semaphore_mem>>
      %dma_start3A_644 = tpu.memref_squeeze %dma_start3A_643 : memref<1x1x!tpu.dma_semaphore, #tpu.memory_space<semaphore_mem>> -> memref<!tpu.dma_semaphore, #tpu.memory_space<semaphore_mem>>
      %dma_start3A_645 = arith.constant 11 : i32
      %dma_start3A_646 = arith.constant 0 : i32
      %dma_start3A_647 = arith.constant 0 : i32
      %dma_start3A_648 = tpu.memref_slice %arg7[%dma_start3A_645, %dma_start3A_646, %dma_start3A_647] : memref<16x512x256xf32, #tpu.memory_space<vmem>> -> memref<1x512x256xf32, #tpu.memory_space<vmem>>
      %dma_start3A_649 = arith.constant 0 : i32
      %dma_start3A_650 = arith.constant 0 : i32
      %dma_start3A_651 = tpu.memref_slice %arg3[%add3A_640, %dma_start3A_649, %dma_start3A_650] : memref<512x512x256xf32, #tpu.memory_space<hbm>> -> memref<1x512x256xf32, #tpu.memory_space<hbm>>
      tpu.enqueue_dma source(%dma_start3A_651 : memref<1x512x256xf32, #tpu.memory_space<hbm>>) target(%dma_start3A_648 : memref<1x512x256xf32, #tpu.memory_space<vmem>>) target_semaphore(%dma_start3A_644 : memref<!tpu.dma_semaphore, #tpu.memory_space<semaphore_mem>>)
    } else {
    }
    %add3A_174 = arith.constant 12 : i32
    %add3A_175 = arith.addi %mul3A_0, %add3A_174 : i32
    %get3A_176 = arith.index_cast %add3A_175 : i32 to index
    %get3A_177 = memref.load %arg1[%get3A_176] : memref<512xi32, #tpu.memory_space<smem>>
    %eq3A_178 = arith.constant 0 : i32
    %eq3A_179 = arith.cmpi eq, %get3A_177, %eq3A_178 : i32
    %add3A_180 = arith.constant 12 : i32
    %add3A_181 = arith.addi %mul3A_0, %add3A_180 : i32
    %add3A_182 = arith.constant 1 : i32
    %add3A_183 = arith.addi %add3A_181, %add3A_182 : i32
    %get3A_184 = arith.index_cast %add3A_183 : i32 to index
    %get3A_185 = memref.load %arg1[%get3A_184] : memref<512xi32, #tpu.memory_space<smem>>
    %eq3A_186 = arith.constant 0 : i32
    %eq3A_187 = arith.cmpi eq, %get3A_185, %eq3A_186 : i32
    %and3A_188 = arith.andi %eq3A_179, %eq3A_187 : i1
    %convert_element_type3A_189 = arith.extui %and3A_188 : i1 to i32
    %cond3A_190 = arith.constant 0 : i32
    %cond3A_191 = arith.cmpi ne, %convert_element_type3A_189, %cond3A_190 : i32
    scf.if %cond3A_191 {
      %add3A_627 = arith.constant 12 : i32
      %add3A_628 = arith.addi %mul3A_0, %add3A_627 : i32
      %dma_start3A = arith.constant 0 : i32
      %dma_start3A_629 = arith.constant 12 : i32
      %dma_start3A_630 = tpu.memref_slice %arg8[%dma_start3A, %dma_start3A_629] : memref<2x16x!tpu.dma_semaphore, #tpu.memory_space<semaphore_mem>> -> memref<1x1x!tpu.dma_semaphore, #tpu.memory_space<semaphore_mem>>
      %dma_start3A_631 = tpu.memref_squeeze %dma_start3A_630 : memref<1x1x!tpu.dma_semaphore, #tpu.memory_space<semaphore_mem>> -> memref<!tpu.dma_semaphore, #tpu.memory_space<semaphore_mem>>
      %dma_start3A_632 = arith.constant 12 : i32
      %dma_start3A_633 = arith.constant 0 : i32
      %dma_start3A_634 = arith.constant 0 : i32
      %dma_start3A_635 = tpu.memref_slice %arg6[%dma_start3A_632, %dma_start3A_633, %dma_start3A_634] : memref<16x512x256xf32, #tpu.memory_space<vmem>> -> memref<2x512x256xf32, #tpu.memory_space<vmem>>
      %dma_start3A_636 = arith.constant 0 : i32
      %dma_start3A_637 = arith.constant 0 : i32
      %dma_start3A_638 = tpu.memref_slice %arg2[%add3A_628, %dma_start3A_636, %dma_start3A_637] : memref<512x512x256xf32, #tpu.memory_space<hbm>> -> memref<2x512x256xf32, #tpu.memory_space<hbm>>
      tpu.enqueue_dma source(%dma_start3A_638 : memref<2x512x256xf32, #tpu.memory_space<hbm>>) target(%dma_start3A_635 : memref<2x512x256xf32, #tpu.memory_space<vmem>>) target_semaphore(%dma_start3A_631 : memref<!tpu.dma_semaphore, #tpu.memory_space<semaphore_mem>>)
      %add3A_639 = arith.constant 12 : i32
      %add3A_640 = arith.addi %mul3A_0, %add3A_639 : i32
      %dma_start3A_641 = arith.constant 1 : i32
      %dma_start3A_642 = arith.constant 12 : i32
      %dma_start3A_643 = tpu.memref_slice %arg8[%dma_start3A_641, %dma_start3A_642] : memref<2x16x!tpu.dma_semaphore, #tpu.memory_space<semaphore_mem>> -> memref<1x1x!tpu.dma_semaphore, #tpu.memory_space<semaphore_mem>>
      %dma_start3A_644 = tpu.memref_squeeze %dma_start3A_643 : memref<1x1x!tpu.dma_semaphore, #tpu.memory_space<semaphore_mem>> -> memref<!tpu.dma_semaphore, #tpu.memory_space<semaphore_mem>>
      %dma_start3A_645 = arith.constant 12 : i32
      %dma_start3A_646 = arith.constant 0 : i32
      %dma_start3A_647 = arith.constant 0 : i32
      %dma_start3A_648 = tpu.memref_slice %arg7[%dma_start3A_645, %dma_start3A_646, %dma_start3A_647] : memref<16x512x256xf32, #tpu.memory_space<vmem>> -> memref<2x512x256xf32, #tpu.memory_space<vmem>>
      %dma_start3A_649 = arith.constant 0 : i32
      %dma_start3A_650 = arith.constant 0 : i32
      %dma_start3A_651 = tpu.memref_slice %arg3[%add3A_640, %dma_start3A_649, %dma_start3A_650] : memref<512x512x256xf32, #tpu.memory_space<hbm>> -> memref<2x512x256xf32, #tpu.memory_space<hbm>>
      tpu.enqueue_dma source(%dma_start3A_651 : memref<2x512x256xf32, #tpu.memory_space<hbm>>) target(%dma_start3A_648 : memref<2x512x256xf32, #tpu.memory_space<vmem>>) target_semaphore(%dma_start3A_644 : memref<!tpu.dma_semaphore, #tpu.memory_space<semaphore_mem>>)
    } else {
    }
    %not3A_192 = arith.constant true
    %not3A_193 = arith.xori %eq3A_187, %not3A_192 : i1
    %and3A_194 = arith.andi %eq3A_179, %not3A_193 : i1
    %convert_element_type3A_195 = arith.extui %and3A_194 : i1 to i32
    %cond3A_196 = arith.constant 0 : i32
    %cond3A_197 = arith.cmpi ne, %convert_element_type3A_195, %cond3A_196 : i32
    scf.if %cond3A_197 {
      %add3A_627 = arith.constant 12 : i32
      %add3A_628 = arith.addi %mul3A_0, %add3A_627 : i32
      %dma_start3A = arith.constant 0 : i32
      %dma_start3A_629 = arith.constant 12 : i32
      %dma_start3A_630 = tpu.memref_slice %arg8[%dma_start3A, %dma_start3A_629] : memref<2x16x!tpu.dma_semaphore, #tpu.memory_space<semaphore_mem>> -> memref<1x1x!tpu.dma_semaphore, #tpu.memory_space<semaphore_mem>>
      %dma_start3A_631 = tpu.memref_squeeze %dma_start3A_630 : memref<1x1x!tpu.dma_semaphore, #tpu.memory_space<semaphore_mem>> -> memref<!tpu.dma_semaphore, #tpu.memory_space<semaphore_mem>>
      %dma_start3A_632 = arith.constant 12 : i32
      %dma_start3A_633 = arith.constant 0 : i32
      %dma_start3A_634 = arith.constant 0 : i32
      %dma_start3A_635 = tpu.memref_slice %arg6[%dma_start3A_632, %dma_start3A_633, %dma_start3A_634] : memref<16x512x256xf32, #tpu.memory_space<vmem>> -> memref<1x512x256xf32, #tpu.memory_space<vmem>>
      %dma_start3A_636 = arith.constant 0 : i32
      %dma_start3A_637 = arith.constant 0 : i32
      %dma_start3A_638 = tpu.memref_slice %arg2[%add3A_628, %dma_start3A_636, %dma_start3A_637] : memref<512x512x256xf32, #tpu.memory_space<hbm>> -> memref<1x512x256xf32, #tpu.memory_space<hbm>>
      tpu.enqueue_dma source(%dma_start3A_638 : memref<1x512x256xf32, #tpu.memory_space<hbm>>) target(%dma_start3A_635 : memref<1x512x256xf32, #tpu.memory_space<vmem>>) target_semaphore(%dma_start3A_631 : memref<!tpu.dma_semaphore, #tpu.memory_space<semaphore_mem>>)
      %add3A_639 = arith.constant 12 : i32
      %add3A_640 = arith.addi %mul3A_0, %add3A_639 : i32
      %dma_start3A_641 = arith.constant 1 : i32
      %dma_start3A_642 = arith.constant 12 : i32
      %dma_start3A_643 = tpu.memref_slice %arg8[%dma_start3A_641, %dma_start3A_642] : memref<2x16x!tpu.dma_semaphore, #tpu.memory_space<semaphore_mem>> -> memref<1x1x!tpu.dma_semaphore, #tpu.memory_space<semaphore_mem>>
      %dma_start3A_644 = tpu.memref_squeeze %dma_start3A_643 : memref<1x1x!tpu.dma_semaphore, #tpu.memory_space<semaphore_mem>> -> memref<!tpu.dma_semaphore, #tpu.memory_space<semaphore_mem>>
      %dma_start3A_645 = arith.constant 12 : i32
      %dma_start3A_646 = arith.constant 0 : i32
      %dma_start3A_647 = arith.constant 0 : i32
      %dma_start3A_648 = tpu.memref_slice %arg7[%dma_start3A_645, %dma_start3A_646, %dma_start3A_647] : memref<16x512x256xf32, #tpu.memory_space<vmem>> -> memref<1x512x256xf32, #tpu.memory_space<vmem>>
      %dma_start3A_649 = arith.constant 0 : i32
      %dma_start3A_650 = arith.constant 0 : i32
      %dma_start3A_651 = tpu.memref_slice %arg3[%add3A_640, %dma_start3A_649, %dma_start3A_650] : memref<512x512x256xf32, #tpu.memory_space<hbm>> -> memref<1x512x256xf32, #tpu.memory_space<hbm>>
      tpu.enqueue_dma source(%dma_start3A_651 : memref<1x512x256xf32, #tpu.memory_space<hbm>>) target(%dma_start3A_648 : memref<1x512x256xf32, #tpu.memory_space<vmem>>) target_semaphore(%dma_start3A_644 : memref<!tpu.dma_semaphore, #tpu.memory_space<semaphore_mem>>)
    } else {
    }
    %not3A_198 = arith.constant true
    %not3A_199 = arith.xori %eq3A_179, %not3A_198 : i1
    %and3A_200 = arith.andi %not3A_199, %eq3A_187 : i1
    %convert_element_type3A_201 = arith.extui %and3A_200 : i1 to i32
    %cond3A_202 = arith.constant 0 : i32
    %cond3A_203 = arith.cmpi ne, %convert_element_type3A_201, %cond3A_202 : i32
    scf.if %cond3A_203 {
      %add3A_627 = arith.constant 13 : i32
      %add3A_628 = arith.addi %mul3A_0, %add3A_627 : i32
      %dma_start3A = arith.constant 0 : i32
      %dma_start3A_629 = arith.constant 13 : i32
      %dma_start3A_630 = tpu.memref_slice %arg8[%dma_start3A, %dma_start3A_629] : memref<2x16x!tpu.dma_semaphore, #tpu.memory_space<semaphore_mem>> -> memref<1x1x!tpu.dma_semaphore, #tpu.memory_space<semaphore_mem>>
      %dma_start3A_631 = tpu.memref_squeeze %dma_start3A_630 : memref<1x1x!tpu.dma_semaphore, #tpu.memory_space<semaphore_mem>> -> memref<!tpu.dma_semaphore, #tpu.memory_space<semaphore_mem>>
      %dma_start3A_632 = arith.constant 13 : i32
      %dma_start3A_633 = arith.constant 0 : i32
      %dma_start3A_634 = arith.constant 0 : i32
      %dma_start3A_635 = tpu.memref_slice %arg6[%dma_start3A_632, %dma_start3A_633, %dma_start3A_634] : memref<16x512x256xf32, #tpu.memory_space<vmem>> -> memref<1x512x256xf32, #tpu.memory_space<vmem>>
      %dma_start3A_636 = arith.constant 0 : i32
      %dma_start3A_637 = arith.constant 0 : i32
      %dma_start3A_638 = tpu.memref_slice %arg2[%add3A_628, %dma_start3A_636, %dma_start3A_637] : memref<512x512x256xf32, #tpu.memory_space<hbm>> -> memref<1x512x256xf32, #tpu.memory_space<hbm>>
      tpu.enqueue_dma source(%dma_start3A_638 : memref<1x512x256xf32, #tpu.memory_space<hbm>>) target(%dma_start3A_635 : memref<1x512x256xf32, #tpu.memory_space<vmem>>) target_semaphore(%dma_start3A_631 : memref<!tpu.dma_semaphore, #tpu.memory_space<semaphore_mem>>)
      %add3A_639 = arith.constant 13 : i32
      %add3A_640 = arith.addi %mul3A_0, %add3A_639 : i32
      %dma_start3A_641 = arith.constant 1 : i32
      %dma_start3A_642 = arith.constant 13 : i32
      %dma_start3A_643 = tpu.memref_slice %arg8[%dma_start3A_641, %dma_start3A_642] : memref<2x16x!tpu.dma_semaphore, #tpu.memory_space<semaphore_mem>> -> memref<1x1x!tpu.dma_semaphore, #tpu.memory_space<semaphore_mem>>
      %dma_start3A_644 = tpu.memref_squeeze %dma_start3A_643 : memref<1x1x!tpu.dma_semaphore, #tpu.memory_space<semaphore_mem>> -> memref<!tpu.dma_semaphore, #tpu.memory_space<semaphore_mem>>
      %dma_start3A_645 = arith.constant 13 : i32
      %dma_start3A_646 = arith.constant 0 : i32
      %dma_start3A_647 = arith.constant 0 : i32
      %dma_start3A_648 = tpu.memref_slice %arg7[%dma_start3A_645, %dma_start3A_646, %dma_start3A_647] : memref<16x512x256xf32, #tpu.memory_space<vmem>> -> memref<1x512x256xf32, #tpu.memory_space<vmem>>
      %dma_start3A_649 = arith.constant 0 : i32
      %dma_start3A_650 = arith.constant 0 : i32
      %dma_start3A_651 = tpu.memref_slice %arg3[%add3A_640, %dma_start3A_649, %dma_start3A_650] : memref<512x512x256xf32, #tpu.memory_space<hbm>> -> memref<1x512x256xf32, #tpu.memory_space<hbm>>
      tpu.enqueue_dma source(%dma_start3A_651 : memref<1x512x256xf32, #tpu.memory_space<hbm>>) target(%dma_start3A_648 : memref<1x512x256xf32, #tpu.memory_space<vmem>>) target_semaphore(%dma_start3A_644 : memref<!tpu.dma_semaphore, #tpu.memory_space<semaphore_mem>>)
    } else {
    }
    %add3A_204 = arith.constant 14 : i32
    %add3A_205 = arith.addi %mul3A_0, %add3A_204 : i32
    %get3A_206 = arith.index_cast %add3A_205 : i32 to index
    %get3A_207 = memref.load %arg1[%get3A_206] : memref<512xi32, #tpu.memory_space<smem>>
    %eq3A_208 = arith.constant 0 : i32
    %eq3A_209 = arith.cmpi eq, %get3A_207, %eq3A_208 : i32
    %add3A_210 = arith.constant 14 : i32
    %add3A_211 = arith.addi %mul3A_0, %add3A_210 : i32
    %add3A_212 = arith.constant 1 : i32
    %add3A_213 = arith.addi %add3A_211, %add3A_212 : i32
    %get3A_214 = arith.index_cast %add3A_213 : i32 to index
    %get3A_215 = memref.load %arg1[%get3A_214] : memref<512xi32, #tpu.memory_space<smem>>
    %eq3A_216 = arith.constant 0 : i32
    %eq3A_217 = arith.cmpi eq, %get3A_215, %eq3A_216 : i32
    %and3A_218 = arith.andi %eq3A_209, %eq3A_217 : i1
    %convert_element_type3A_219 = arith.extui %and3A_218 : i1 to i32
    %cond3A_220 = arith.constant 0 : i32
    %cond3A_221 = arith.cmpi ne, %convert_element_type3A_219, %cond3A_220 : i32
    scf.if %cond3A_221 {
      %add3A_627 = arith.constant 14 : i32
      %add3A_628 = arith.addi %mul3A_0, %add3A_627 : i32
      %dma_start3A = arith.constant 0 : i32
      %dma_start3A_629 = arith.constant 14 : i32
      %dma_start3A_630 = tpu.memref_slice %arg8[%dma_start3A, %dma_start3A_629] : memref<2x16x!tpu.dma_semaphore, #tpu.memory_space<semaphore_mem>> -> memref<1x1x!tpu.dma_semaphore, #tpu.memory_space<semaphore_mem>>
      %dma_start3A_631 = tpu.memref_squeeze %dma_start3A_630 : memref<1x1x!tpu.dma_semaphore, #tpu.memory_space<semaphore_mem>> -> memref<!tpu.dma_semaphore, #tpu.memory_space<semaphore_mem>>
      %dma_start3A_632 = arith.constant 14 : i32
      %dma_start3A_633 = arith.constant 0 : i32
      %dma_start3A_634 = arith.constant 0 : i32
      %dma_start3A_635 = tpu.memref_slice %arg6[%dma_start3A_632, %dma_start3A_633, %dma_start3A_634] : memref<16x512x256xf32, #tpu.memory_space<vmem>> -> memref<2x512x256xf32, #tpu.memory_space<vmem>>
      %dma_start3A_636 = arith.constant 0 : i32
      %dma_start3A_637 = arith.constant 0 : i32
      %dma_start3A_638 = tpu.memref_slice %arg2[%add3A_628, %dma_start3A_636, %dma_start3A_637] : memref<512x512x256xf32, #tpu.memory_space<hbm>> -> memref<2x512x256xf32, #tpu.memory_space<hbm>>
      tpu.enqueue_dma source(%dma_start3A_638 : memref<2x512x256xf32, #tpu.memory_space<hbm>>) target(%dma_start3A_635 : memref<2x512x256xf32, #tpu.memory_space<vmem>>) target_semaphore(%dma_start3A_631 : memref<!tpu.dma_semaphore, #tpu.memory_space<semaphore_mem>>)
      %add3A_639 = arith.constant 14 : i32
      %add3A_640 = arith.addi %mul3A_0, %add3A_639 : i32
      %dma_start3A_641 = arith.constant 1 : i32
      %dma_start3A_642 = arith.constant 14 : i32
      %dma_start3A_643 = tpu.memref_slice %arg8[%dma_start3A_641, %dma_start3A_642] : memref<2x16x!tpu.dma_semaphore, #tpu.memory_space<semaphore_mem>> -> memref<1x1x!tpu.dma_semaphore, #tpu.memory_space<semaphore_mem>>
      %dma_start3A_644 = tpu.memref_squeeze %dma_start3A_643 : memref<1x1x!tpu.dma_semaphore, #tpu.memory_space<semaphore_mem>> -> memref<!tpu.dma_semaphore, #tpu.memory_space<semaphore_mem>>
      %dma_start3A_645 = arith.constant 14 : i32
      %dma_start3A_646 = arith.constant 0 : i32
      %dma_start3A_647 = arith.constant 0 : i32
      %dma_start3A_648 = tpu.memref_slice %arg7[%dma_start3A_645, %dma_start3A_646, %dma_start3A_647] : memref<16x512x256xf32, #tpu.memory_space<vmem>> -> memref<2x512x256xf32, #tpu.memory_space<vmem>>
      %dma_start3A_649 = arith.constant 0 : i32
      %dma_start3A_650 = arith.constant 0 : i32
      %dma_start3A_651 = tpu.memref_slice %arg3[%add3A_640, %dma_start3A_649, %dma_start3A_650] : memref<512x512x256xf32, #tpu.memory_space<hbm>> -> memref<2x512x256xf32, #tpu.memory_space<hbm>>
      tpu.enqueue_dma source(%dma_start3A_651 : memref<2x512x256xf32, #tpu.memory_space<hbm>>) target(%dma_start3A_648 : memref<2x512x256xf32, #tpu.memory_space<vmem>>) target_semaphore(%dma_start3A_644 : memref<!tpu.dma_semaphore, #tpu.memory_space<semaphore_mem>>)
    } else {
    }
    %not3A_222 = arith.constant true
    %not3A_223 = arith.xori %eq3A_217, %not3A_222 : i1
    %and3A_224 = arith.andi %eq3A_209, %not3A_223 : i1
    %convert_element_type3A_225 = arith.extui %and3A_224 : i1 to i32
    %cond3A_226 = arith.constant 0 : i32
    %cond3A_227 = arith.cmpi ne, %convert_element_type3A_225, %cond3A_226 : i32
    scf.if %cond3A_227 {
      %add3A_627 = arith.constant 14 : i32
      %add3A_628 = arith.addi %mul3A_0, %add3A_627 : i32
      %dma_start3A = arith.constant 0 : i32
      %dma_start3A_629 = arith.constant 14 : i32
      %dma_start3A_630 = tpu.memref_slice %arg8[%dma_start3A, %dma_start3A_629] : memref<2x16x!tpu.dma_semaphore, #tpu.memory_space<semaphore_mem>> -> memref<1x1x!tpu.dma_semaphore, #tpu.memory_space<semaphore_mem>>
      %dma_start3A_631 = tpu.memref_squeeze %dma_start3A_630 : memref<1x1x!tpu.dma_semaphore, #tpu.memory_space<semaphore_mem>> -> memref<!tpu.dma_semaphore, #tpu.memory_space<semaphore_mem>>
      %dma_start3A_632 = arith.constant 14 : i32
      %dma_start3A_633 = arith.constant 0 : i32
      %dma_start3A_634 = arith.constant 0 : i32
      %dma_start3A_635 = tpu.memref_slice %arg6[%dma_start3A_632, %dma_start3A_633, %dma_start3A_634] : memref<16x512x256xf32, #tpu.memory_space<vmem>> -> memref<1x512x256xf32, #tpu.memory_space<vmem>>
      %dma_start3A_636 = arith.constant 0 : i32
      %dma_start3A_637 = arith.constant 0 : i32
      %dma_start3A_638 = tpu.memref_slice %arg2[%add3A_628, %dma_start3A_636, %dma_start3A_637] : memref<512x512x256xf32, #tpu.memory_space<hbm>> -> memref<1x512x256xf32, #tpu.memory_space<hbm>>
      tpu.enqueue_dma source(%dma_start3A_638 : memref<1x512x256xf32, #tpu.memory_space<hbm>>) target(%dma_start3A_635 : memref<1x512x256xf32, #tpu.memory_space<vmem>>) target_semaphore(%dma_start3A_631 : memref<!tpu.dma_semaphore, #tpu.memory_space<semaphore_mem>>)
      %add3A_639 = arith.constant 14 : i32
      %add3A_640 = arith.addi %mul3A_0, %add3A_639 : i32
      %dma_start3A_641 = arith.constant 1 : i32
      %dma_start3A_642 = arith.constant 14 : i32
      %dma_start3A_643 = tpu.memref_slice %arg8[%dma_start3A_641, %dma_start3A_642] : memref<2x16x!tpu.dma_semaphore, #tpu.memory_space<semaphore_mem>> -> memref<1x1x!tpu.dma_semaphore, #tpu.memory_space<semaphore_mem>>
      %dma_start3A_644 = tpu.memref_squeeze %dma_start3A_643 : memref<1x1x!tpu.dma_semaphore, #tpu.memory_space<semaphore_mem>> -> memref<!tpu.dma_semaphore, #tpu.memory_space<semaphore_mem>>
      %dma_start3A_645 = arith.constant 14 : i32
      %dma_start3A_646 = arith.constant 0 : i32
      %dma_start3A_647 = arith.constant 0 : i32
      %dma_start3A_648 = tpu.memref_slice %arg7[%dma_start3A_645, %dma_start3A_646, %dma_start3A_647] : memref<16x512x256xf32, #tpu.memory_space<vmem>> -> memref<1x512x256xf32, #tpu.memory_space<vmem>>
      %dma_start3A_649 = arith.constant 0 : i32
      %dma_start3A_650 = arith.constant 0 : i32
      %dma_start3A_651 = tpu.memref_slice %arg3[%add3A_640, %dma_start3A_649, %dma_start3A_650] : memref<512x512x256xf32, #tpu.memory_space<hbm>> -> memref<1x512x256xf32, #tpu.memory_space<hbm>>
      tpu.enqueue_dma source(%dma_start3A_651 : memref<1x512x256xf32, #tpu.memory_space<hbm>>) target(%dma_start3A_648 : memref<1x512x256xf32, #tpu.memory_space<vmem>>) target_semaphore(%dma_start3A_644 : memref<!tpu.dma_semaphore, #tpu.memory_space<semaphore_mem>>)
    } else {
    }
    %not3A_228 = arith.constant true
    %not3A_229 = arith.xori %eq3A_209, %not3A_228 : i1
    %and3A_230 = arith.andi %not3A_229, %eq3A_217 : i1
    %convert_element_type3A_231 = arith.extui %and3A_230 : i1 to i32
    %cond3A_232 = arith.constant 0 : i32
    %cond3A_233 = arith.cmpi ne, %convert_element_type3A_231, %cond3A_232 : i32
    scf.if %cond3A_233 {
      %add3A_627 = arith.constant 15 : i32
      %add3A_628 = arith.addi %mul3A_0, %add3A_627 : i32
      %dma_start3A = arith.constant 0 : i32
      %dma_start3A_629 = arith.constant 15 : i32
      %dma_start3A_630 = tpu.memref_slice %arg8[%dma_start3A, %dma_start3A_629] : memref<2x16x!tpu.dma_semaphore, #tpu.memory_space<semaphore_mem>> -> memref<1x1x!tpu.dma_semaphore, #tpu.memory_space<semaphore_mem>>
      %dma_start3A_631 = tpu.memref_squeeze %dma_start3A_630 : memref<1x1x!tpu.dma_semaphore, #tpu.memory_space<semaphore_mem>> -> memref<!tpu.dma_semaphore, #tpu.memory_space<semaphore_mem>>
      %dma_start3A_632 = arith.constant 15 : i32
      %dma_start3A_633 = arith.constant 0 : i32
      %dma_start3A_634 = arith.constant 0 : i32
      %dma_start3A_635 = tpu.memref_slice %arg6[%dma_start3A_632, %dma_start3A_633, %dma_start3A_634] : memref<16x512x256xf32, #tpu.memory_space<vmem>> -> memref<1x512x256xf32, #tpu.memory_space<vmem>>
      %dma_start3A_636 = arith.constant 0 : i32
      %dma_start3A_637 = arith.constant 0 : i32
      %dma_start3A_638 = tpu.memref_slice %arg2[%add3A_628, %dma_start3A_636, %dma_start3A_637] : memref<512x512x256xf32, #tpu.memory_space<hbm>> -> memref<1x512x256xf32, #tpu.memory_space<hbm>>
      tpu.enqueue_dma source(%dma_start3A_638 : memref<1x512x256xf32, #tpu.memory_space<hbm>>) target(%dma_start3A_635 : memref<1x512x256xf32, #tpu.memory_space<vmem>>) target_semaphore(%dma_start3A_631 : memref<!tpu.dma_semaphore, #tpu.memory_space<semaphore_mem>>)
      %add3A_639 = arith.constant 15 : i32
      %add3A_640 = arith.addi %mul3A_0, %add3A_639 : i32
      %dma_start3A_641 = arith.constant 1 : i32
      %dma_start3A_642 = arith.constant 15 : i32
      %dma_start3A_643 = tpu.memref_slice %arg8[%dma_start3A_641, %dma_start3A_642] : memref<2x16x!tpu.dma_semaphore, #tpu.memory_space<semaphore_mem>> -> memref<1x1x!tpu.dma_semaphore, #tpu.memory_space<semaphore_mem>>
      %dma_start3A_644 = tpu.memref_squeeze %dma_start3A_643 : memref<1x1x!tpu.dma_semaphore, #tpu.memory_space<semaphore_mem>> -> memref<!tpu.dma_semaphore, #tpu.memory_space<semaphore_mem>>
      %dma_start3A_645 = arith.constant 15 : i32
      %dma_start3A_646 = arith.constant 0 : i32
      %dma_start3A_647 = arith.constant 0 : i32
      %dma_start3A_648 = tpu.memref_slice %arg7[%dma_start3A_645, %dma_start3A_646, %dma_start3A_647] : memref<16x512x256xf32, #tpu.memory_space<vmem>> -> memref<1x512x256xf32, #tpu.memory_space<vmem>>
      %dma_start3A_649 = arith.constant 0 : i32
      %dma_start3A_650 = arith.constant 0 : i32
      %dma_start3A_651 = tpu.memref_slice %arg3[%add3A_640, %dma_start3A_649, %dma_start3A_650] : memref<512x512x256xf32, #tpu.memory_space<hbm>> -> memref<1x512x256xf32, #tpu.memory_space<hbm>>
      tpu.enqueue_dma source(%dma_start3A_651 : memref<1x512x256xf32, #tpu.memory_space<hbm>>) target(%dma_start3A_648 : memref<1x512x256xf32, #tpu.memory_space<vmem>>) target_semaphore(%dma_start3A_644 : memref<!tpu.dma_semaphore, #tpu.memory_space<semaphore_mem>>)
    } else {
    }
    %get3A_234 = arith.constant 0 : index
    %get3A_235 = arith.constant 0 : index
    %get3A_236 = vector.load %arg4[%get3A_234, %get3A_235] : memref<1x256xf32, #tpu.memory_space<vmem>>, vector<1x256xf32>
    %reshape3A = vector.shape_cast %get3A_236 : vector<1x256xf32> to vector<1x1x256xf32>
    %broadcast_in_dim3A = vector.shape_cast %reshape3A : vector<1x1x256xf32> to vector<1x1x256xf32>
    %broadcast_in_dim3A_237 = vector.broadcast %broadcast_in_dim3A : vector<1x1x256xf32> to vector<1x512x256xf32>
    %get3A_238 = arith.constant 0 : index
    %get3A_239 = arith.constant 0 : index
    %get3A_240 = vector.load %arg5[%get3A_238, %get3A_239] : memref<1x256xf32, #tpu.memory_space<vmem>>, vector<1x256xf32>
    %reshape3A_241 = vector.shape_cast %get3A_240 : vector<1x256xf32> to vector<1x1x256xf32>
    %broadcast_in_dim3A_242 = vector.shape_cast %reshape3A_241 : vector<1x1x256xf32> to vector<1x1x256xf32>
    %broadcast_in_dim3A_243 = vector.broadcast %broadcast_in_dim3A_242 : vector<1x1x256xf32> to vector<1x512x256xf32>
    %add3A_244 = arith.constant 0 : i32
    %add3A_245 = arith.addi %mul3A_0, %add3A_244 : i32
    %get3A_246 = arith.index_cast %add3A_245 : i32 to index
    %get3A_247 = memref.load %arg1[%get3A_246] : memref<512xi32, #tpu.memory_space<smem>>
    %ne3A = arith.constant 0 : i32
    %ne3A_248 = arith.cmpi ne, %get3A_247, %ne3A : i32
    %convert_element_type3A_249 = arith.extui %ne3A_248 : i1 to i32
    %cond3A_250 = arith.constant 0 : i32
    %cond3A_251 = arith.cmpi ne, %convert_element_type3A_249, %cond3A_250 : i32
    scf.if %cond3A_251 {
      %swap3A = arith.constant 0 : index
      %swap3A_627 = arith.constant 0 : index
      %swap3A_628 = arith.constant 0 : index
      %swap3A_629 = vector.load %arg6[%swap3A, %swap3A_627, %swap3A_628] : memref<16x512x256xf32, #tpu.memory_space<vmem>>, vector<1x512x256xf32>
      tpu.vector_store %arg6[%swap3A, %swap3A_627, %swap3A_628], %broadcast_in_dim3A_237 {strides = array<i32>} : memref<16x512x256xf32, #tpu.memory_space<vmem>>, vector<1x512x256xf32>,
      %swap3A_630 = arith.constant 0 : index
      %swap3A_631 = arith.constant 0 : index
      %swap3A_632 = arith.constant 0 : index
      %swap3A_633 = vector.load %arg7[%swap3A_630, %swap3A_631, %swap3A_632] : memref<16x512x256xf32, #tpu.memory_space<vmem>>, vector<1x512x256xf32>
      tpu.vector_store %arg7[%swap3A_630, %swap3A_631, %swap3A_632], %broadcast_in_dim3A_243 {strides = array<i32>} : memref<16x512x256xf32, #tpu.memory_space<vmem>>, vector<1x512x256xf32>,
    } else {
    }
    %add3A_252 = arith.constant 1 : i32
    %add3A_253 = arith.addi %mul3A_0, %add3A_252 : i32
    %get3A_254 = arith.index_cast %add3A_253 : i32 to index
    %get3A_255 = memref.load %arg1[%get3A_254] : memref<512xi32, #tpu.memory_space<smem>>
    %ne3A_256 = arith.constant 0 : i32
    %ne3A_257 = arith.cmpi ne, %get3A_255, %ne3A_256 : i32
    %convert_element_type3A_258 = arith.extui %ne3A_257 : i1 to i32
    %cond3A_259 = arith.constant 0 : i32
    %cond3A_260 = arith.cmpi ne, %convert_element_type3A_258, %cond3A_259 : i32
    scf.if %cond3A_260 {
      %swap3A = arith.constant 1 : index
      %swap3A_627 = arith.constant 0 : index
      %swap3A_628 = arith.constant 0 : index
      %swap3A_629 = vector.load %arg6[%swap3A, %swap3A_627, %swap3A_628] : memref<16x512x256xf32, #tpu.memory_space<vmem>>, vector<1x512x256xf32>
      tpu.vector_store %arg6[%swap3A, %swap3A_627, %swap3A_628], %broadcast_in_dim3A_237 {strides = array<i32>} : memref<16x512x256xf32, #tpu.memory_space<vmem>>, vector<1x512x256xf32>,
      %swap3A_630 = arith.constant 1 : index
      %swap3A_631 = arith.constant 0 : index
      %swap3A_632 = arith.constant 0 : index
      %swap3A_633 = vector.load %arg7[%swap3A_630, %swap3A_631, %swap3A_632] : memref<16x512x256xf32, #tpu.memory_space<vmem>>, vector<1x512x256xf32>
      tpu.vector_store %arg7[%swap3A_630, %swap3A_631, %swap3A_632], %broadcast_in_dim3A_243 {strides = array<i32>} : memref<16x512x256xf32, #tpu.memory_space<vmem>>, vector<1x512x256xf32>,
    } else {
    }
    %add3A_261 = arith.constant 2 : i32
    %add3A_262 = arith.addi %mul3A_0, %add3A_261 : i32
    %get3A_263 = arith.index_cast %add3A_262 : i32 to index
    %get3A_264 = memref.load %arg1[%get3A_263] : memref<512xi32, #tpu.memory_space<smem>>
    %ne3A_265 = arith.constant 0 : i32
    %ne3A_266 = arith.cmpi ne, %get3A_264, %ne3A_265 : i32
    %convert_element_type3A_267 = arith.extui %ne3A_266 : i1 to i32
    %cond3A_268 = arith.constant 0 : i32
    %cond3A_269 = arith.cmpi ne, %convert_element_type3A_267, %cond3A_268 : i32
    scf.if %cond3A_269 {
      %swap3A = arith.constant 2 : index
      %swap3A_627 = arith.constant 0 : index
      %swap3A_628 = arith.constant 0 : index
      %swap3A_629 = vector.load %arg6[%swap3A, %swap3A_627, %swap3A_628] : memref<16x512x256xf32, #tpu.memory_space<vmem>>, vector<1x512x256xf32>
      tpu.vector_store %arg6[%swap3A, %swap3A_627, %swap3A_628], %broadcast_in_dim3A_237 {strides = array<i32>} : memref<16x512x256xf32, #tpu.memory_space<vmem>>, vector<1x512x256xf32>,
      %swap3A_630 = arith.constant 2 : index
      %swap3A_631 = arith.constant 0 : index
      %swap3A_632 = arith.constant 0 : index
      %swap3A_633 = vector.load %arg7[%swap3A_630, %swap3A_631, %swap3A_632] : memref<16x512x256xf32, #tpu.memory_space<vmem>>, vector<1x512x256xf32>
      tpu.vector_store %arg7[%swap3A_630, %swap3A_631, %swap3A_632], %broadcast_in_dim3A_243 {strides = array<i32>} : memref<16x512x256xf32, #tpu.memory_space<vmem>>, vector<1x512x256xf32>,
    } else {
    }
    %add3A_270 = arith.constant 3 : i32
    %add3A_271 = arith.addi %mul3A_0, %add3A_270 : i32
    %get3A_272 = arith.index_cast %add3A_271 : i32 to index
    %get3A_273 = memref.load %arg1[%get3A_272] : memref<512xi32, #tpu.memory_space<smem>>
    %ne3A_274 = arith.constant 0 : i32
    %ne3A_275 = arith.cmpi ne, %get3A_273, %ne3A_274 : i32
    %convert_element_type3A_276 = arith.extui %ne3A_275 : i1 to i32
    %cond3A_277 = arith.constant 0 : i32
    %cond3A_278 = arith.cmpi ne, %convert_element_type3A_276, %cond3A_277 : i32
    scf.if %cond3A_278 {
      %swap3A = arith.constant 3 : index
      %swap3A_627 = arith.constant 0 : index
      %swap3A_628 = arith.constant 0 : index
      %swap3A_629 = vector.load %arg6[%swap3A, %swap3A_627, %swap3A_628] : memref<16x512x256xf32, #tpu.memory_space<vmem>>, vector<1x512x256xf32>
      tpu.vector_store %arg6[%swap3A, %swap3A_627, %swap3A_628], %broadcast_in_dim3A_237 {strides = array<i32>} : memref<16x512x256xf32, #tpu.memory_space<vmem>>, vector<1x512x256xf32>,
      %swap3A_630 = arith.constant 3 : index
      %swap3A_631 = arith.constant 0 : index
      %swap3A_632 = arith.constant 0 : index
      %swap3A_633 = vector.load %arg7[%swap3A_630, %swap3A_631, %swap3A_632] : memref<16x512x256xf32, #tpu.memory_space<vmem>>, vector<1x512x256xf32>
      tpu.vector_store %arg7[%swap3A_630, %swap3A_631, %swap3A_632], %broadcast_in_dim3A_243 {strides = array<i32>} : memref<16x512x256xf32, #tpu.memory_space<vmem>>, vector<1x512x256xf32>,
    } else {
    }
    %add3A_279 = arith.constant 4 : i32
    %add3A_280 = arith.addi %mul3A_0, %add3A_279 : i32
    %get3A_281 = arith.index_cast %add3A_280 : i32 to index
    %get3A_282 = memref.load %arg1[%get3A_281] : memref<512xi32, #tpu.memory_space<smem>>
    %ne3A_283 = arith.constant 0 : i32
    %ne3A_284 = arith.cmpi ne, %get3A_282, %ne3A_283 : i32
    %convert_element_type3A_285 = arith.extui %ne3A_284 : i1 to i32
    %cond3A_286 = arith.constant 0 : i32
    %cond3A_287 = arith.cmpi ne, %convert_element_type3A_285, %cond3A_286 : i32
    scf.if %cond3A_287 {
      %swap3A = arith.constant 4 : index
      %swap3A_627 = arith.constant 0 : index
      %swap3A_628 = arith.constant 0 : index
      %swap3A_629 = vector.load %arg6[%swap3A, %swap3A_627, %swap3A_628] : memref<16x512x256xf32, #tpu.memory_space<vmem>>, vector<1x512x256xf32>
      tpu.vector_store %arg6[%swap3A, %swap3A_627, %swap3A_628], %broadcast_in_dim3A_237 {strides = array<i32>} : memref<16x512x256xf32, #tpu.memory_space<vmem>>, vector<1x512x256xf32>,
      %swap3A_630 = arith.constant 4 : index
      %swap3A_631 = arith.constant 0 : index
      %swap3A_632 = arith.constant 0 : index
      %swap3A_633 = vector.load %arg7[%swap3A_630, %swap3A_631, %swap3A_632] : memref<16x512x256xf32, #tpu.memory_space<vmem>>, vector<1x512x256xf32>
      tpu.vector_store %arg7[%swap3A_630, %swap3A_631, %swap3A_632], %broadcast_in_dim3A_243 {strides = array<i32>} : memref<16x512x256xf32, #tpu.memory_space<vmem>>, vector<1x512x256xf32>,
    } else {
    }
    %add3A_288 = arith.constant 5 : i32
    %add3A_289 = arith.addi %mul3A_0, %add3A_288 : i32
    %get3A_290 = arith.index_cast %add3A_289 : i32 to index
    %get3A_291 = memref.load %arg1[%get3A_290] : memref<512xi32, #tpu.memory_space<smem>>
    %ne3A_292 = arith.constant 0 : i32
    %ne3A_293 = arith.cmpi ne, %get3A_291, %ne3A_292 : i32
    %convert_element_type3A_294 = arith.extui %ne3A_293 : i1 to i32
    %cond3A_295 = arith.constant 0 : i32
    %cond3A_296 = arith.cmpi ne, %convert_element_type3A_294, %cond3A_295 : i32
    scf.if %cond3A_296 {
      %swap3A = arith.constant 5 : index
      %swap3A_627 = arith.constant 0 : index
      %swap3A_628 = arith.constant 0 : index
      %swap3A_629 = vector.load %arg6[%swap3A, %swap3A_627, %swap3A_628] : memref<16x512x256xf32, #tpu.memory_space<vmem>>, vector<1x512x256xf32>
      tpu.vector_store %arg6[%swap3A, %swap3A_627, %swap3A_628], %broadcast_in_dim3A_237 {strides = array<i32>} : memref<16x512x256xf32, #tpu.memory_space<vmem>>, vector<1x512x256xf32>,
      %swap3A_630 = arith.constant 5 : index
      %swap3A_631 = arith.constant 0 : index
      %swap3A_632 = arith.constant 0 : index
      %swap3A_633 = vector.load %arg7[%swap3A_630, %swap3A_631, %swap3A_632] : memref<16x512x256xf32, #tpu.memory_space<vmem>>, vector<1x512x256xf32>
      tpu.vector_store %arg7[%swap3A_630, %swap3A_631, %swap3A_632], %broadcast_in_dim3A_243 {strides = array<i32>} : memref<16x512x256xf32, #tpu.memory_space<vmem>>, vector<1x512x256xf32>,
    } else {
    }
    %add3A_297 = arith.constant 6 : i32
    %add3A_298 = arith.addi %mul3A_0, %add3A_297 : i32
    %get3A_299 = arith.index_cast %add3A_298 : i32 to index
    %get3A_300 = memref.load %arg1[%get3A_299] : memref<512xi32, #tpu.memory_space<smem>>
    %ne3A_301 = arith.constant 0 : i32
    %ne3A_302 = arith.cmpi ne, %get3A_300, %ne3A_301 : i32
    %convert_element_type3A_303 = arith.extui %ne3A_302 : i1 to i32
    %cond3A_304 = arith.constant 0 : i32
    %cond3A_305 = arith.cmpi ne, %convert_element_type3A_303, %cond3A_304 : i32
    scf.if %cond3A_305 {
      %swap3A = arith.constant 6 : index
      %swap3A_627 = arith.constant 0 : index
      %swap3A_628 = arith.constant 0 : index
      %swap3A_629 = vector.load %arg6[%swap3A, %swap3A_627, %swap3A_628] : memref<16x512x256xf32, #tpu.memory_space<vmem>>, vector<1x512x256xf32>
      tpu.vector_store %arg6[%swap3A, %swap3A_627, %swap3A_628], %broadcast_in_dim3A_237 {strides = array<i32>} : memref<16x512x256xf32, #tpu.memory_space<vmem>>, vector<1x512x256xf32>,
      %swap3A_630 = arith.constant 6 : index
      %swap3A_631 = arith.constant 0 : index
      %swap3A_632 = arith.constant 0 : index
      %swap3A_633 = vector.load %arg7[%swap3A_630, %swap3A_631, %swap3A_632] : memref<16x512x256xf32, #tpu.memory_space<vmem>>, vector<1x512x256xf32>
      tpu.vector_store %arg7[%swap3A_630, %swap3A_631, %swap3A_632], %broadcast_in_dim3A_243 {strides = array<i32>} : memref<16x512x256xf32, #tpu.memory_space<vmem>>, vector<1x512x256xf32>,
    } else {
    }
    %add3A_306 = arith.constant 7 : i32
    %add3A_307 = arith.addi %mul3A_0, %add3A_306 : i32
    %get3A_308 = arith.index_cast %add3A_307 : i32 to index
    %get3A_309 = memref.load %arg1[%get3A_308] : memref<512xi32, #tpu.memory_space<smem>>
    %ne3A_310 = arith.constant 0 : i32
    %ne3A_311 = arith.cmpi ne, %get3A_309, %ne3A_310 : i32
    %convert_element_type3A_312 = arith.extui %ne3A_311 : i1 to i32
    %cond3A_313 = arith.constant 0 : i32
    %cond3A_314 = arith.cmpi ne, %convert_element_type3A_312, %cond3A_313 : i32
    scf.if %cond3A_314 {
      %swap3A = arith.constant 7 : index
      %swap3A_627 = arith.constant 0 : index
      %swap3A_628 = arith.constant 0 : index
      %swap3A_629 = vector.load %arg6[%swap3A, %swap3A_627, %swap3A_628] : memref<16x512x256xf32, #tpu.memory_space<vmem>>, vector<1x512x256xf32>
      tpu.vector_store %arg6[%swap3A, %swap3A_627, %swap3A_628], %broadcast_in_dim3A_237 {strides = array<i32>} : memref<16x512x256xf32, #tpu.memory_space<vmem>>, vector<1x512x256xf32>,
      %swap3A_630 = arith.constant 7 : index
      %swap3A_631 = arith.constant 0 : index
      %swap3A_632 = arith.constant 0 : index
      %swap3A_633 = vector.load %arg7[%swap3A_630, %swap3A_631, %swap3A_632] : memref<16x512x256xf32, #tpu.memory_space<vmem>>, vector<1x512x256xf32>
      tpu.vector_store %arg7[%swap3A_630, %swap3A_631, %swap3A_632], %broadcast_in_dim3A_243 {strides = array<i32>} : memref<16x512x256xf32, #tpu.memory_space<vmem>>, vector<1x512x256xf32>,
    } else {
    }
    %add3A_315 = arith.constant 8 : i32
    %add3A_316 = arith.addi %mul3A_0, %add3A_315 : i32
    %get3A_317 = arith.index_cast %add3A_316 : i32 to index
    %get3A_318 = memref.load %arg1[%get3A_317] : memref<512xi32, #tpu.memory_space<smem>>
    %ne3A_319 = arith.constant 0 : i32
    %ne3A_320 = arith.cmpi ne, %get3A_318, %ne3A_319 : i32
    %convert_element_type3A_321 = arith.extui %ne3A_320 : i1 to i32
    %cond3A_322 = arith.constant 0 : i32
    %cond3A_323 = arith.cmpi ne, %convert_element_type3A_321, %cond3A_322 : i32
    scf.if %cond3A_323 {
      %swap3A = arith.constant 8 : index
      %swap3A_627 = arith.constant 0 : index
      %swap3A_628 = arith.constant 0 : index
      %swap3A_629 = vector.load %arg6[%swap3A, %swap3A_627, %swap3A_628] : memref<16x512x256xf32, #tpu.memory_space<vmem>>, vector<1x512x256xf32>
      tpu.vector_store %arg6[%swap3A, %swap3A_627, %swap3A_628], %broadcast_in_dim3A_237 {strides = array<i32>} : memref<16x512x256xf32, #tpu.memory_space<vmem>>, vector<1x512x256xf32>,
      %swap3A_630 = arith.constant 8 : index
      %swap3A_631 = arith.constant 0 : index
      %swap3A_632 = arith.constant 0 : index
      %swap3A_633 = vector.load %arg7[%swap3A_630, %swap3A_631, %swap3A_632] : memref<16x512x256xf32, #tpu.memory_space<vmem>>, vector<1x512x256xf32>
      tpu.vector_store %arg7[%swap3A_630, %swap3A_631, %swap3A_632], %broadcast_in_dim3A_243 {strides = array<i32>} : memref<16x512x256xf32, #tpu.memory_space<vmem>>, vector<1x512x256xf32>,
    } else {
    }
    %add3A_324 = arith.constant 9 : i32
    %add3A_325 = arith.addi %mul3A_0, %add3A_324 : i32
    %get3A_326 = arith.index_cast %add3A_325 : i32 to index
    %get3A_327 = memref.load %arg1[%get3A_326] : memref<512xi32, #tpu.memory_space<smem>>
    %ne3A_328 = arith.constant 0 : i32
    %ne3A_329 = arith.cmpi ne, %get3A_327, %ne3A_328 : i32
    %convert_element_type3A_330 = arith.extui %ne3A_329 : i1 to i32
    %cond3A_331 = arith.constant 0 : i32
    %cond3A_332 = arith.cmpi ne, %convert_element_type3A_330, %cond3A_331 : i32
    scf.if %cond3A_332 {
      %swap3A = arith.constant 9 : index
      %swap3A_627 = arith.constant 0 : index
      %swap3A_628 = arith.constant 0 : index
      %swap3A_629 = vector.load %arg6[%swap3A, %swap3A_627, %swap3A_628] : memref<16x512x256xf32, #tpu.memory_space<vmem>>, vector<1x512x256xf32>
      tpu.vector_store %arg6[%swap3A, %swap3A_627, %swap3A_628], %broadcast_in_dim3A_237 {strides = array<i32>} : memref<16x512x256xf32, #tpu.memory_space<vmem>>, vector<1x512x256xf32>,
      %swap3A_630 = arith.constant 9 : index
      %swap3A_631 = arith.constant 0 : index
      %swap3A_632 = arith.constant 0 : index
      %swap3A_633 = vector.load %arg7[%swap3A_630, %swap3A_631, %swap3A_632] : memref<16x512x256xf32, #tpu.memory_space<vmem>>, vector<1x512x256xf32>
      tpu.vector_store %arg7[%swap3A_630, %swap3A_631, %swap3A_632], %broadcast_in_dim3A_243 {strides = array<i32>} : memref<16x512x256xf32, #tpu.memory_space<vmem>>, vector<1x512x256xf32>,
    } else {
    }
    %add3A_333 = arith.constant 10 : i32
    %add3A_334 = arith.addi %mul3A_0, %add3A_333 : i32
    %get3A_335 = arith.index_cast %add3A_334 : i32 to index
    %get3A_336 = memref.load %arg1[%get3A_335] : memref<512xi32, #tpu.memory_space<smem>>
    %ne3A_337 = arith.constant 0 : i32
    %ne3A_338 = arith.cmpi ne, %get3A_336, %ne3A_337 : i32
    %convert_element_type3A_339 = arith.extui %ne3A_338 : i1 to i32
    %cond3A_340 = arith.constant 0 : i32
    %cond3A_341 = arith.cmpi ne, %convert_element_type3A_339, %cond3A_340 : i32
    scf.if %cond3A_341 {
      %swap3A = arith.constant 10 : index
      %swap3A_627 = arith.constant 0 : index
      %swap3A_628 = arith.constant 0 : index
      %swap3A_629 = vector.load %arg6[%swap3A, %swap3A_627, %swap3A_628] : memref<16x512x256xf32, #tpu.memory_space<vmem>>, vector<1x512x256xf32>
      tpu.vector_store %arg6[%swap3A, %swap3A_627, %swap3A_628], %broadcast_in_dim3A_237 {strides = array<i32>} : memref<16x512x256xf32, #tpu.memory_space<vmem>>, vector<1x512x256xf32>,
      %swap3A_630 = arith.constant 10 : index
      %swap3A_631 = arith.constant 0 : index
      %swap3A_632 = arith.constant 0 : index
      %swap3A_633 = vector.load %arg7[%swap3A_630, %swap3A_631, %swap3A_632] : memref<16x512x256xf32, #tpu.memory_space<vmem>>, vector<1x512x256xf32>
      tpu.vector_store %arg7[%swap3A_630, %swap3A_631, %swap3A_632], %broadcast_in_dim3A_243 {strides = array<i32>} : memref<16x512x256xf32, #tpu.memory_space<vmem>>, vector<1x512x256xf32>,
    } else {
    }
    %add3A_342 = arith.constant 11 : i32
    %add3A_343 = arith.addi %mul3A_0, %add3A_342 : i32
    %get3A_344 = arith.index_cast %add3A_343 : i32 to index
    %get3A_345 = memref.load %arg1[%get3A_344] : memref<512xi32, #tpu.memory_space<smem>>
    %ne3A_346 = arith.constant 0 : i32
    %ne3A_347 = arith.cmpi ne, %get3A_345, %ne3A_346 : i32
    %convert_element_type3A_348 = arith.extui %ne3A_347 : i1 to i32
    %cond3A_349 = arith.constant 0 : i32
    %cond3A_350 = arith.cmpi ne, %convert_element_type3A_348, %cond3A_349 : i32
    scf.if %cond3A_350 {
      %swap3A = arith.constant 11 : index
      %swap3A_627 = arith.constant 0 : index
      %swap3A_628 = arith.constant 0 : index
      %swap3A_629 = vector.load %arg6[%swap3A, %swap3A_627, %swap3A_628] : memref<16x512x256xf32, #tpu.memory_space<vmem>>, vector<1x512x256xf32>
      tpu.vector_store %arg6[%swap3A, %swap3A_627, %swap3A_628], %broadcast_in_dim3A_237 {strides = array<i32>} : memref<16x512x256xf32, #tpu.memory_space<vmem>>, vector<1x512x256xf32>,
      %swap3A_630 = arith.constant 11 : index
      %swap3A_631 = arith.constant 0 : index
      %swap3A_632 = arith.constant 0 : index
      %swap3A_633 = vector.load %arg7[%swap3A_630, %swap3A_631, %swap3A_632] : memref<16x512x256xf32, #tpu.memory_space<vmem>>, vector<1x512x256xf32>
      tpu.vector_store %arg7[%swap3A_630, %swap3A_631, %swap3A_632], %broadcast_in_dim3A_243 {strides = array<i32>} : memref<16x512x256xf32, #tpu.memory_space<vmem>>, vector<1x512x256xf32>,
    } else {
    }
    %add3A_351 = arith.constant 12 : i32
    %add3A_352 = arith.addi %mul3A_0, %add3A_351 : i32
    %get3A_353 = arith.index_cast %add3A_352 : i32 to index
    %get3A_354 = memref.load %arg1[%get3A_353] : memref<512xi32, #tpu.memory_space<smem>>
    %ne3A_355 = arith.constant 0 : i32
    %ne3A_356 = arith.cmpi ne, %get3A_354, %ne3A_355 : i32
    %convert_element_type3A_357 = arith.extui %ne3A_356 : i1 to i32
    %cond3A_358 = arith.constant 0 : i32
    %cond3A_359 = arith.cmpi ne, %convert_element_type3A_357, %cond3A_358 : i32
    scf.if %cond3A_359 {
      %swap3A = arith.constant 12 : index
      %swap3A_627 = arith.constant 0 : index
      %swap3A_628 = arith.constant 0 : index
      %swap3A_629 = vector.load %arg6[%swap3A, %swap3A_627, %swap3A_628] : memref<16x512x256xf32, #tpu.memory_space<vmem>>, vector<1x512x256xf32>
      tpu.vector_store %arg6[%swap3A, %swap3A_627, %swap3A_628], %broadcast_in_dim3A_237 {strides = array<i32>} : memref<16x512x256xf32, #tpu.memory_space<vmem>>, vector<1x512x256xf32>,
      %swap3A_630 = arith.constant 12 : index
      %swap3A_631 = arith.constant 0 : index
      %swap3A_632 = arith.constant 0 : index
      %swap3A_633 = vector.load %arg7[%swap3A_630, %swap3A_631, %swap3A_632] : memref<16x512x256xf32, #tpu.memory_space<vmem>>, vector<1x512x256xf32>
      tpu.vector_store %arg7[%swap3A_630, %swap3A_631, %swap3A_632], %broadcast_in_dim3A_243 {strides = array<i32>} : memref<16x512x256xf32, #tpu.memory_space<vmem>>, vector<1x512x256xf32>,
    } else {
    }
    %add3A_360 = arith.constant 13 : i32
    %add3A_361 = arith.addi %mul3A_0, %add3A_360 : i32
    %get3A_362 = arith.index_cast %add3A_361 : i32 to index
    %get3A_363 = memref.load %arg1[%get3A_362] : memref<512xi32, #tpu.memory_space<smem>>
    %ne3A_364 = arith.constant 0 : i32
    %ne3A_365 = arith.cmpi ne, %get3A_363, %ne3A_364 : i32
    %convert_element_type3A_366 = arith.extui %ne3A_365 : i1 to i32
    %cond3A_367 = arith.constant 0 : i32
    %cond3A_368 = arith.cmpi ne, %convert_element_type3A_366, %cond3A_367 : i32
    scf.if %cond3A_368 {
      %swap3A = arith.constant 13 : index
      %swap3A_627 = arith.constant 0 : index
      %swap3A_628 = arith.constant 0 : index
      %swap3A_629 = vector.load %arg6[%swap3A, %swap3A_627, %swap3A_628] : memref<16x512x256xf32, #tpu.memory_space<vmem>>, vector<1x512x256xf32>
      tpu.vector_store %arg6[%swap3A, %swap3A_627, %swap3A_628], %broadcast_in_dim3A_237 {strides = array<i32>} : memref<16x512x256xf32, #tpu.memory_space<vmem>>, vector<1x512x256xf32>,
      %swap3A_630 = arith.constant 13 : index
      %swap3A_631 = arith.constant 0 : index
      %swap3A_632 = arith.constant 0 : index
      %swap3A_633 = vector.load %arg7[%swap3A_630, %swap3A_631, %swap3A_632] : memref<16x512x256xf32, #tpu.memory_space<vmem>>, vector<1x512x256xf32>
      tpu.vector_store %arg7[%swap3A_630, %swap3A_631, %swap3A_632], %broadcast_in_dim3A_243 {strides = array<i32>} : memref<16x512x256xf32, #tpu.memory_space<vmem>>, vector<1x512x256xf32>,
    } else {
    }
    %add3A_369 = arith.constant 14 : i32
    %add3A_370 = arith.addi %mul3A_0, %add3A_369 : i32
    %get3A_371 = arith.index_cast %add3A_370 : i32 to index
    %get3A_372 = memref.load %arg1[%get3A_371] : memref<512xi32, #tpu.memory_space<smem>>
    %ne3A_373 = arith.constant 0 : i32
    %ne3A_374 = arith.cmpi ne, %get3A_372, %ne3A_373 : i32
    %convert_element_type3A_375 = arith.extui %ne3A_374 : i1 to i32
    %cond3A_376 = arith.constant 0 : i32
    %cond3A_377 = arith.cmpi ne, %convert_element_type3A_375, %cond3A_376 : i32
    scf.if %cond3A_377 {
      %swap3A = arith.constant 14 : index
      %swap3A_627 = arith.constant 0 : index
      %swap3A_628 = arith.constant 0 : index
      %swap3A_629 = vector.load %arg6[%swap3A, %swap3A_627, %swap3A_628] : memref<16x512x256xf32, #tpu.memory_space<vmem>>, vector<1x512x256xf32>
      tpu.vector_store %arg6[%swap3A, %swap3A_627, %swap3A_628], %broadcast_in_dim3A_237 {strides = array<i32>} : memref<16x512x256xf32, #tpu.memory_space<vmem>>, vector<1x512x256xf32>,
      %swap3A_630 = arith.constant 14 : index
      %swap3A_631 = arith.constant 0 : index
      %swap3A_632 = arith.constant 0 : index
      %swap3A_633 = vector.load %arg7[%swap3A_630, %swap3A_631, %swap3A_632] : memref<16x512x256xf32, #tpu.memory_space<vmem>>, vector<1x512x256xf32>
      tpu.vector_store %arg7[%swap3A_630, %swap3A_631, %swap3A_632], %broadcast_in_dim3A_243 {strides = array<i32>} : memref<16x512x256xf32, #tpu.memory_space<vmem>>, vector<1x512x256xf32>,
    } else {
    }
    %add3A_378 = arith.constant 15 : i32
    %add3A_379 = arith.addi %mul3A_0, %add3A_378 : i32
    %get3A_380 = arith.index_cast %add3A_379 : i32 to index
    %get3A_381 = memref.load %arg1[%get3A_380] : memref<512xi32, #tpu.memory_space<smem>>
    %ne3A_382 = arith.constant 0 : i32
    %ne3A_383 = arith.cmpi ne, %get3A_381, %ne3A_382 : i32
    %convert_element_type3A_384 = arith.extui %ne3A_383 : i1 to i32
    %cond3A_385 = arith.constant 0 : i32
    %cond3A_386 = arith.cmpi ne, %convert_element_type3A_384, %cond3A_385 : i32
    scf.if %cond3A_386 {
      %swap3A = arith.constant 15 : index
      %swap3A_627 = arith.constant 0 : index
      %swap3A_628 = arith.constant 0 : index
      %swap3A_629 = vector.load %arg6[%swap3A, %swap3A_627, %swap3A_628] : memref<16x512x256xf32, #tpu.memory_space<vmem>>, vector<1x512x256xf32>
      tpu.vector_store %arg6[%swap3A, %swap3A_627, %swap3A_628], %broadcast_in_dim3A_237 {strides = array<i32>} : memref<16x512x256xf32, #tpu.memory_space<vmem>>, vector<1x512x256xf32>,
      %swap3A_630 = arith.constant 15 : index
      %swap3A_631 = arith.constant 0 : index
      %swap3A_632 = arith.constant 0 : index
      %swap3A_633 = vector.load %arg7[%swap3A_630, %swap3A_631, %swap3A_632] : memref<16x512x256xf32, #tpu.memory_space<vmem>>, vector<1x512x256xf32>
      tpu.vector_store %arg7[%swap3A_630, %swap3A_631, %swap3A_632], %broadcast_in_dim3A_243 {strides = array<i32>} : memref<16x512x256xf32, #tpu.memory_space<vmem>>, vector<1x512x256xf32>,
    } else {
    }
    %add3A_387 = arith.constant 0 : i32
    %add3A_388 = arith.addi %mul3A_0, %add3A_387 : i32
    %get3A_389 = arith.index_cast %add3A_388 : i32 to index
    %get3A_390 = memref.load %arg1[%get3A_389] : memref<512xi32, #tpu.memory_space<smem>>
    %eq3A_391 = arith.constant 0 : i32
    %eq3A_392 = arith.cmpi eq, %get3A_390, %eq3A_391 : i32
    %add3A_393 = arith.constant 0 : i32
    %add3A_394 = arith.addi %mul3A_0, %add3A_393 : i32
    %add3A_395 = arith.constant 1 : i32
    %add3A_396 = arith.addi %add3A_394, %add3A_395 : i32
    %get3A_397 = arith.index_cast %add3A_396 : i32 to index
    %get3A_398 = memref.load %arg1[%get3A_397] : memref<512xi32, #tpu.memory_space<smem>>
    %eq3A_399 = arith.constant 0 : i32
    %eq3A_400 = arith.cmpi eq, %get3A_398, %eq3A_399 : i32
    %and3A_401 = arith.andi %eq3A_392, %eq3A_400 : i1
    %convert_element_type3A_402 = arith.extui %and3A_401 : i1 to i32
    %cond3A_403 = arith.constant 0 : i32
    %cond3A_404 = arith.cmpi ne, %convert_element_type3A_402, %cond3A_403 : i32
    scf.if %cond3A_404 {
      %add3A_627 = arith.constant 0 : i32
      %add3A_628 = arith.addi %mul3A_0, %add3A_627 : i32
      %dma_wait3A = arith.constant 0 : i32
      %dma_wait3A_629 = arith.constant 0 : i32
      %dma_wait3A_630 = tpu.memref_slice %arg8[%dma_wait3A, %dma_wait3A_629] : memref<2x16x!tpu.dma_semaphore, #tpu.memory_space<semaphore_mem>> -> memref<1x1x!tpu.dma_semaphore, #tpu.memory_space<semaphore_mem>>
      %dma_wait3A_631 = tpu.memref_squeeze %dma_wait3A_630 : memref<1x1x!tpu.dma_semaphore, #tpu.memory_space<semaphore_mem>> -> memref<!tpu.dma_semaphore, #tpu.memory_space<semaphore_mem>>
      %dma_wait3A_632 = arith.constant 0 : i32
      %dma_wait3A_633 = arith.constant 0 : i32
      %dma_wait3A_634 = arith.constant 0 : i32
      %dma_wait3A_635 = tpu.memref_slice %arg6[%dma_wait3A_632, %dma_wait3A_633, %dma_wait3A_634] : memref<16x512x256xf32, #tpu.memory_space<vmem>> -> memref<2x512x256xf32, #tpu.memory_space<vmem>>
      %dma_wait3A_636 = arith.constant 0 : i32
      %dma_wait3A_637 = arith.constant 0 : i32
      %dma_wait3A_638 = tpu.memref_slice %arg2[%add3A_628, %dma_wait3A_636, %dma_wait3A_637] : memref<512x512x256xf32, #tpu.memory_space<hbm>> -> memref<2x512x256xf32, #tpu.memory_space<hbm>>
      tpu.wait_dma2 semaphore(%dma_wait3A_631 : memref<!tpu.dma_semaphore, #tpu.memory_space<semaphore_mem>>) src(%dma_wait3A_638 : memref<2x512x256xf32, #tpu.memory_space<hbm>>) dst(%dma_wait3A_635 : memref<2x512x256xf32, #tpu.memory_space<vmem>>)
      %add3A_639 = arith.constant 0 : i32
      %add3A_640 = arith.addi %mul3A_0, %add3A_639 : i32
      %dma_wait3A_641 = arith.constant 1 : i32
      %dma_wait3A_642 = arith.constant 0 : i32
      %dma_wait3A_643 = tpu.memref_slice %arg8[%dma_wait3A_641, %dma_wait3A_642] : memref<2x16x!tpu.dma_semaphore, #tpu.memory_space<semaphore_mem>> -> memref<1x1x!tpu.dma_semaphore, #tpu.memory_space<semaphore_mem>>
      %dma_wait3A_644 = tpu.memref_squeeze %dma_wait3A_643 : memref<1x1x!tpu.dma_semaphore, #tpu.memory_space<semaphore_mem>> -> memref<!tpu.dma_semaphore, #tpu.memory_space<semaphore_mem>>
      %dma_wait3A_645 = arith.constant 0 : i32
      %dma_wait3A_646 = arith.constant 0 : i32
      %dma_wait3A_647 = arith.constant 0 : i32
      %dma_wait3A_648 = tpu.memref_slice %arg7[%dma_wait3A_645, %dma_wait3A_646, %dma_wait3A_647] : memref<16x512x256xf32, #tpu.memory_space<vmem>> -> memref<2x512x256xf32, #tpu.memory_space<vmem>>
      %dma_wait3A_649 = arith.constant 0 : i32
      %dma_wait3A_650 = arith.constant 0 : i32
      %dma_wait3A_651 = tpu.memref_slice %arg3[%add3A_640, %dma_wait3A_649, %dma_wait3A_650] : memref<512x512x256xf32, #tpu.memory_space<hbm>> -> memref<2x512x256xf32, #tpu.memory_space<hbm>>
      tpu.wait_dma2 semaphore(%dma_wait3A_644 : memref<!tpu.dma_semaphore, #tpu.memory_space<semaphore_mem>>) src(%dma_wait3A_651 : memref<2x512x256xf32, #tpu.memory_space<hbm>>) dst(%dma_wait3A_648 : memref<2x512x256xf32, #tpu.memory_space<vmem>>)
    } else {
    }
    %not3A_405 = arith.constant true
    %not3A_406 = arith.xori %eq3A_400, %not3A_405 : i1
    %and3A_407 = arith.andi %eq3A_392, %not3A_406 : i1
    %convert_element_type3A_408 = arith.extui %and3A_407 : i1 to i32
    %cond3A_409 = arith.constant 0 : i32
    %cond3A_410 = arith.cmpi ne, %convert_element_type3A_408, %cond3A_409 : i32
    scf.if %cond3A_410 {
      %add3A_627 = arith.constant 0 : i32
      %add3A_628 = arith.addi %mul3A_0, %add3A_627 : i32
      %dma_wait3A = arith.constant 0 : i32
      %dma_wait3A_629 = arith.constant 0 : i32
      %dma_wait3A_630 = tpu.memref_slice %arg8[%dma_wait3A, %dma_wait3A_629] : memref<2x16x!tpu.dma_semaphore, #tpu.memory_space<semaphore_mem>> -> memref<1x1x!tpu.dma_semaphore, #tpu.memory_space<semaphore_mem>>
      %dma_wait3A_631 = tpu.memref_squeeze %dma_wait3A_630 : memref<1x1x!tpu.dma_semaphore, #tpu.memory_space<semaphore_mem>> -> memref<!tpu.dma_semaphore, #tpu.memory_space<semaphore_mem>>
      %dma_wait3A_632 = arith.constant 0 : i32
      %dma_wait3A_633 = arith.constant 0 : i32
      %dma_wait3A_634 = arith.constant 0 : i32
      %dma_wait3A_635 = tpu.memref_slice %arg6[%dma_wait3A_632, %dma_wait3A_633, %dma_wait3A_634] : memref<16x512x256xf32, #tpu.memory_space<vmem>> -> memref<1x512x256xf32, #tpu.memory_space<vmem>>
      %dma_wait3A_636 = arith.constant 0 : i32
      %dma_wait3A_637 = arith.constant 0 : i32
      %dma_wait3A_638 = tpu.memref_slice %arg2[%add3A_628, %dma_wait3A_636, %dma_wait3A_637] : memref<512x512x256xf32, #tpu.memory_space<hbm>> -> memref<1x512x256xf32, #tpu.memory_space<hbm>>
      tpu.wait_dma2 semaphore(%dma_wait3A_631 : memref<!tpu.dma_semaphore, #tpu.memory_space<semaphore_mem>>) src(%dma_wait3A_638 : memref<1x512x256xf32, #tpu.memory_space<hbm>>) dst(%dma_wait3A_635 : memref<1x512x256xf32, #tpu.memory_space<vmem>>)
      %add3A_639 = arith.constant 0 : i32
      %add3A_640 = arith.addi %mul3A_0, %add3A_639 : i32
      %dma_wait3A_641 = arith.constant 1 : i32
      %dma_wait3A_642 = arith.constant 0 : i32
      %dma_wait3A_643 = tpu.memref_slice %arg8[%dma_wait3A_641, %dma_wait3A_642] : memref<2x16x!tpu.dma_semaphore, #tpu.memory_space<semaphore_mem>> -> memref<1x1x!tpu.dma_semaphore, #tpu.memory_space<semaphore_mem>>
      %dma_wait3A_644 = tpu.memref_squeeze %dma_wait3A_643 : memref<1x1x!tpu.dma_semaphore, #tpu.memory_space<semaphore_mem>> -> memref<!tpu.dma_semaphore, #tpu.memory_space<semaphore_mem>>
      %dma_wait3A_645 = arith.constant 0 : i32
      %dma_wait3A_646 = arith.constant 0 : i32
      %dma_wait3A_647 = arith.constant 0 : i32
      %dma_wait3A_648 = tpu.memref_slice %arg7[%dma_wait3A_645, %dma_wait3A_646, %dma_wait3A_647] : memref<16x512x256xf32, #tpu.memory_space<vmem>> -> memref<1x512x256xf32, #tpu.memory_space<vmem>>
      %dma_wait3A_649 = arith.constant 0 : i32
      %dma_wait3A_650 = arith.constant 0 : i32
      %dma_wait3A_651 = tpu.memref_slice %arg3[%add3A_640, %dma_wait3A_649, %dma_wait3A_650] : memref<512x512x256xf32, #tpu.memory_space<hbm>> -> memref<1x512x256xf32, #tpu.memory_space<hbm>>
      tpu.wait_dma2 semaphore(%dma_wait3A_644 : memref<!tpu.dma_semaphore, #tpu.memory_space<semaphore_mem>>) src(%dma_wait3A_651 : memref<1x512x256xf32, #tpu.memory_space<hbm>>) dst(%dma_wait3A_648 : memref<1x512x256xf32, #tpu.memory_space<vmem>>)
    } else {
    }
    %not3A_411 = arith.constant true
    %not3A_412 = arith.xori %eq3A_392, %not3A_411 : i1
    %and3A_413 = arith.andi %not3A_412, %eq3A_400 : i1
    %convert_element_type3A_414 = arith.extui %and3A_413 : i1 to i32
    %cond3A_415 = arith.constant 0 : i32
    %cond3A_416 = arith.cmpi ne, %convert_element_type3A_414, %cond3A_415 : i32
    scf.if %cond3A_416 {
      %add3A_627 = arith.constant 1 : i32
      %add3A_628 = arith.addi %mul3A_0, %add3A_627 : i32
      %dma_wait3A = arith.constant 0 : i32
      %dma_wait3A_629 = arith.constant 1 : i32
      %dma_wait3A_630 = tpu.memref_slice %arg8[%dma_wait3A, %dma_wait3A_629] : memref<2x16x!tpu.dma_semaphore, #tpu.memory_space<semaphore_mem>> -> memref<1x1x!tpu.dma_semaphore, #tpu.memory_space<semaphore_mem>>
      %dma_wait3A_631 = tpu.memref_squeeze %dma_wait3A_630 : memref<1x1x!tpu.dma_semaphore, #tpu.memory_space<semaphore_mem>> -> memref<!tpu.dma_semaphore, #tpu.memory_space<semaphore_mem>>
      %dma_wait3A_632 = arith.constant 1 : i32
      %dma_wait3A_633 = arith.constant 0 : i32
      %dma_wait3A_634 = arith.constant 0 : i32
      %dma_wait3A_635 = tpu.memref_slice %arg6[%dma_wait3A_632, %dma_wait3A_633, %dma_wait3A_634] : memref<16x512x256xf32, #tpu.memory_space<vmem>> -> memref<1x512x256xf32, #tpu.memory_space<vmem>>
      %dma_wait3A_636 = arith.constant 0 : i32
      %dma_wait3A_637 = arith.constant 0 : i32
      %dma_wait3A_638 = tpu.memref_slice %arg2[%add3A_628, %dma_wait3A_636, %dma_wait3A_637] : memref<512x512x256xf32, #tpu.memory_space<hbm>> -> memref<1x512x256xf32, #tpu.memory_space<hbm>>
      tpu.wait_dma2 semaphore(%dma_wait3A_631 : memref<!tpu.dma_semaphore, #tpu.memory_space<semaphore_mem>>) src(%dma_wait3A_638 : memref<1x512x256xf32, #tpu.memory_space<hbm>>) dst(%dma_wait3A_635 : memref<1x512x256xf32, #tpu.memory_space<vmem>>)
      %add3A_639 = arith.constant 1 : i32
      %add3A_640 = arith.addi %mul3A_0, %add3A_639 : i32
      %dma_wait3A_641 = arith.constant 1 : i32
      %dma_wait3A_642 = arith.constant 1 : i32
      %dma_wait3A_643 = tpu.memref_slice %arg8[%dma_wait3A_641, %dma_wait3A_642] : memref<2x16x!tpu.dma_semaphore, #tpu.memory_space<semaphore_mem>> -> memref<1x1x!tpu.dma_semaphore, #tpu.memory_space<semaphore_mem>>
      %dma_wait3A_644 = tpu.memref_squeeze %dma_wait3A_643 : memref<1x1x!tpu.dma_semaphore, #tpu.memory_space<semaphore_mem>> -> memref<!tpu.dma_semaphore, #tpu.memory_space<semaphore_mem>>
      %dma_wait3A_645 = arith.constant 1 : i32
      %dma_wait3A_646 = arith.constant 0 : i32
      %dma_wait3A_647 = arith.constant 0 : i32
      %dma_wait3A_648 = tpu.memref_slice %arg7[%dma_wait3A_645, %dma_wait3A_646, %dma_wait3A_647] : memref<16x512x256xf32, #tpu.memory_space<vmem>> -> memref<1x512x256xf32, #tpu.memory_space<vmem>>
      %dma_wait3A_649 = arith.constant 0 : i32
      %dma_wait3A_650 = arith.constant 0 : i32
      %dma_wait3A_651 = tpu.memref_slice %arg3[%add3A_640, %dma_wait3A_649, %dma_wait3A_650] : memref<512x512x256xf32, #tpu.memory_space<hbm>> -> memref<1x512x256xf32, #tpu.memory_space<hbm>>
      tpu.wait_dma2 semaphore(%dma_wait3A_644 : memref<!tpu.dma_semaphore, #tpu.memory_space<semaphore_mem>>) src(%dma_wait3A_651 : memref<1x512x256xf32, #tpu.memory_space<hbm>>) dst(%dma_wait3A_648 : memref<1x512x256xf32, #tpu.memory_space<vmem>>)
    } else {
    }
    %add3A_417 = arith.constant 2 : i32
    %add3A_418 = arith.addi %mul3A_0, %add3A_417 : i32
    %get3A_419 = arith.index_cast %add3A_418 : i32 to index
    %get3A_420 = memref.load %arg1[%get3A_419] : memref<512xi32, #tpu.memory_space<smem>>
    %eq3A_421 = arith.constant 0 : i32
    %eq3A_422 = arith.cmpi eq, %get3A_420, %eq3A_421 : i32
    %add3A_423 = arith.constant 2 : i32
    %add3A_424 = arith.addi %mul3A_0, %add3A_423 : i32
    %add3A_425 = arith.constant 1 : i32
    %add3A_426 = arith.addi %add3A_424, %add3A_425 : i32
    %get3A_427 = arith.index_cast %add3A_426 : i32 to index
    %get3A_428 = memref.load %arg1[%get3A_427] : memref<512xi32, #tpu.memory_space<smem>>
    %eq3A_429 = arith.constant 0 : i32
    %eq3A_430 = arith.cmpi eq, %get3A_428, %eq3A_429 : i32
    %and3A_431 = arith.andi %eq3A_422, %eq3A_430 : i1
    %convert_element_type3A_432 = arith.extui %and3A_431 : i1 to i32
    %cond3A_433 = arith.constant 0 : i32
    %cond3A_434 = arith.cmpi ne, %convert_element_type3A_432, %cond3A_433 : i32
    scf.if %cond3A_434 {
      %add3A_627 = arith.constant 2 : i32
      %add3A_628 = arith.addi %mul3A_0, %add3A_627 : i32
      %dma_wait3A = arith.constant 0 : i32
      %dma_wait3A_629 = arith.constant 2 : i32
      %dma_wait3A_630 = tpu.memref_slice %arg8[%dma_wait3A, %dma_wait3A_629] : memref<2x16x!tpu.dma_semaphore, #tpu.memory_space<semaphore_mem>> -> memref<1x1x!tpu.dma_semaphore, #tpu.memory_space<semaphore_mem>>
      %dma_wait3A_631 = tpu.memref_squeeze %dma_wait3A_630 : memref<1x1x!tpu.dma_semaphore, #tpu.memory_space<semaphore_mem>> -> memref<!tpu.dma_semaphore, #tpu.memory_space<semaphore_mem>>
      %dma_wait3A_632 = arith.constant 2 : i32
      %dma_wait3A_633 = arith.constant 0 : i32
      %dma_wait3A_634 = arith.constant 0 : i32
      %dma_wait3A_635 = tpu.memref_slice %arg6[%dma_wait3A_632, %dma_wait3A_633, %dma_wait3A_634] : memref<16x512x256xf32, #tpu.memory_space<vmem>> -> memref<2x512x256xf32, #tpu.memory_space<vmem>>
      %dma_wait3A_636 = arith.constant 0 : i32
      %dma_wait3A_637 = arith.constant 0 : i32
      %dma_wait3A_638 = tpu.memref_slice %arg2[%add3A_628, %dma_wait3A_636, %dma_wait3A_637] : memref<512x512x256xf32, #tpu.memory_space<hbm>> -> memref<2x512x256xf32, #tpu.memory_space<hbm>>
      tpu.wait_dma2 semaphore(%dma_wait3A_631 : memref<!tpu.dma_semaphore, #tpu.memory_space<semaphore_mem>>) src(%dma_wait3A_638 : memref<2x512x256xf32, #tpu.memory_space<hbm>>) dst(%dma_wait3A_635 : memref<2x512x256xf32, #tpu.memory_space<vmem>>)
      %add3A_639 = arith.constant 2 : i32
      %add3A_640 = arith.addi %mul3A_0, %add3A_639 : i32
      %dma_wait3A_641 = arith.constant 1 : i32
      %dma_wait3A_642 = arith.constant 2 : i32
      %dma_wait3A_643 = tpu.memref_slice %arg8[%dma_wait3A_641, %dma_wait3A_642] : memref<2x16x!tpu.dma_semaphore, #tpu.memory_space<semaphore_mem>> -> memref<1x1x!tpu.dma_semaphore, #tpu.memory_space<semaphore_mem>>
      %dma_wait3A_644 = tpu.memref_squeeze %dma_wait3A_643 : memref<1x1x!tpu.dma_semaphore, #tpu.memory_space<semaphore_mem>> -> memref<!tpu.dma_semaphore, #tpu.memory_space<semaphore_mem>>
      %dma_wait3A_645 = arith.constant 2 : i32
      %dma_wait3A_646 = arith.constant 0 : i32
      %dma_wait3A_647 = arith.constant 0 : i32
      %dma_wait3A_648 = tpu.memref_slice %arg7[%dma_wait3A_645, %dma_wait3A_646, %dma_wait3A_647] : memref<16x512x256xf32, #tpu.memory_space<vmem>> -> memref<2x512x256xf32, #tpu.memory_space<vmem>>
      %dma_wait3A_649 = arith.constant 0 : i32
      %dma_wait3A_650 = arith.constant 0 : i32
      %dma_wait3A_651 = tpu.memref_slice %arg3[%add3A_640, %dma_wait3A_649, %dma_wait3A_650] : memref<512x512x256xf32, #tpu.memory_space<hbm>> -> memref<2x512x256xf32, #tpu.memory_space<hbm>>
      tpu.wait_dma2 semaphore(%dma_wait3A_644 : memref<!tpu.dma_semaphore, #tpu.memory_space<semaphore_mem>>) src(%dma_wait3A_651 : memref<2x512x256xf32, #tpu.memory_space<hbm>>) dst(%dma_wait3A_648 : memref<2x512x256xf32, #tpu.memory_space<vmem>>)
    } else {
    }
    %not3A_435 = arith.constant true
    %not3A_436 = arith.xori %eq3A_430, %not3A_435 : i1
    %and3A_437 = arith.andi %eq3A_422, %not3A_436 : i1
    %convert_element_type3A_438 = arith.extui %and3A_437 : i1 to i32
    %cond3A_439 = arith.constant 0 : i32
    %cond3A_440 = arith.cmpi ne, %convert_element_type3A_438, %cond3A_439 : i32
    scf.if %cond3A_440 {
      %add3A_627 = arith.constant 2 : i32
      %add3A_628 = arith.addi %mul3A_0, %add3A_627 : i32
      %dma_wait3A = arith.constant 0 : i32
      %dma_wait3A_629 = arith.constant 2 : i32
      %dma_wait3A_630 = tpu.memref_slice %arg8[%dma_wait3A, %dma_wait3A_629] : memref<2x16x!tpu.dma_semaphore, #tpu.memory_space<semaphore_mem>> -> memref<1x1x!tpu.dma_semaphore, #tpu.memory_space<semaphore_mem>>
      %dma_wait3A_631 = tpu.memref_squeeze %dma_wait3A_630 : memref<1x1x!tpu.dma_semaphore, #tpu.memory_space<semaphore_mem>> -> memref<!tpu.dma_semaphore, #tpu.memory_space<semaphore_mem>>
      %dma_wait3A_632 = arith.constant 2 : i32
      %dma_wait3A_633 = arith.constant 0 : i32
      %dma_wait3A_634 = arith.constant 0 : i32
      %dma_wait3A_635 = tpu.memref_slice %arg6[%dma_wait3A_632, %dma_wait3A_633, %dma_wait3A_634] : memref<16x512x256xf32, #tpu.memory_space<vmem>> -> memref<1x512x256xf32, #tpu.memory_space<vmem>>
      %dma_wait3A_636 = arith.constant 0 : i32
      %dma_wait3A_637 = arith.constant 0 : i32
      %dma_wait3A_638 = tpu.memref_slice %arg2[%add3A_628, %dma_wait3A_636, %dma_wait3A_637] : memref<512x512x256xf32, #tpu.memory_space<hbm>> -> memref<1x512x256xf32, #tpu.memory_space<hbm>>
      tpu.wait_dma2 semaphore(%dma_wait3A_631 : memref<!tpu.dma_semaphore, #tpu.memory_space<semaphore_mem>>) src(%dma_wait3A_638 : memref<1x512x256xf32, #tpu.memory_space<hbm>>) dst(%dma_wait3A_635 : memref<1x512x256xf32, #tpu.memory_space<vmem>>)
      %add3A_639 = arith.constant 2 : i32
      %add3A_640 = arith.addi %mul3A_0, %add3A_639 : i32
      %dma_wait3A_641 = arith.constant 1 : i32
      %dma_wait3A_642 = arith.constant 2 : i32
      %dma_wait3A_643 = tpu.memref_slice %arg8[%dma_wait3A_641, %dma_wait3A_642] : memref<2x16x!tpu.dma_semaphore, #tpu.memory_space<semaphore_mem>> -> memref<1x1x!tpu.dma_semaphore, #tpu.memory_space<semaphore_mem>>
      %dma_wait3A_644 = tpu.memref_squeeze %dma_wait3A_643 : memref<1x1x!tpu.dma_semaphore, #tpu.memory_space<semaphore_mem>> -> memref<!tpu.dma_semaphore, #tpu.memory_space<semaphore_mem>>
      %dma_wait3A_645 = arith.constant 2 : i32
      %dma_wait3A_646 = arith.constant 0 : i32
      %dma_wait3A_647 = arith.constant 0 : i32
      %dma_wait3A_648 = tpu.memref_slice %arg7[%dma_wait3A_645, %dma_wait3A_646, %dma_wait3A_647] : memref<16x512x256xf32, #tpu.memory_space<vmem>> -> memref<1x512x256xf32, #tpu.memory_space<vmem>>
      %dma_wait3A_649 = arith.constant 0 : i32
      %dma_wait3A_650 = arith.constant 0 : i32
      %dma_wait3A_651 = tpu.memref_slice %arg3[%add3A_640, %dma_wait3A_649, %dma_wait3A_650] : memref<512x512x256xf32, #tpu.memory_space<hbm>> -> memref<1x512x256xf32, #tpu.memory_space<hbm>>
      tpu.wait_dma2 semaphore(%dma_wait3A_644 : memref<!tpu.dma_semaphore, #tpu.memory_space<semaphore_mem>>) src(%dma_wait3A_651 : memref<1x512x256xf32, #tpu.memory_space<hbm>>) dst(%dma_wait3A_648 : memref<1x512x256xf32, #tpu.memory_space<vmem>>)
    } else {
    }
    %not3A_441 = arith.constant true
    %not3A_442 = arith.xori %eq3A_422, %not3A_441 : i1
    %and3A_443 = arith.andi %not3A_442, %eq3A_430 : i1
    %convert_element_type3A_444 = arith.extui %and3A_443 : i1 to i32
    %cond3A_445 = arith.constant 0 : i32
    %cond3A_446 = arith.cmpi ne, %convert_element_type3A_444, %cond3A_445 : i32
    scf.if %cond3A_446 {
      %add3A_627 = arith.constant 3 : i32
      %add3A_628 = arith.addi %mul3A_0, %add3A_627 : i32
      %dma_wait3A = arith.constant 0 : i32
      %dma_wait3A_629 = arith.constant 3 : i32
      %dma_wait3A_630 = tpu.memref_slice %arg8[%dma_wait3A, %dma_wait3A_629] : memref<2x16x!tpu.dma_semaphore, #tpu.memory_space<semaphore_mem>> -> memref<1x1x!tpu.dma_semaphore, #tpu.memory_space<semaphore_mem>>
      %dma_wait3A_631 = tpu.memref_squeeze %dma_wait3A_630 : memref<1x1x!tpu.dma_semaphore, #tpu.memory_space<semaphore_mem>> -> memref<!tpu.dma_semaphore, #tpu.memory_space<semaphore_mem>>
      %dma_wait3A_632 = arith.constant 3 : i32
      %dma_wait3A_633 = arith.constant 0 : i32
      %dma_wait3A_634 = arith.constant 0 : i32
      %dma_wait3A_635 = tpu.memref_slice %arg6[%dma_wait3A_632, %dma_wait3A_633, %dma_wait3A_634] : memref<16x512x256xf32, #tpu.memory_space<vmem>> -> memref<1x512x256xf32, #tpu.memory_space<vmem>>
      %dma_wait3A_636 = arith.constant 0 : i32
      %dma_wait3A_637 = arith.constant 0 : i32
      %dma_wait3A_638 = tpu.memref_slice %arg2[%add3A_628, %dma_wait3A_636, %dma_wait3A_637] : memref<512x512x256xf32, #tpu.memory_space<hbm>> -> memref<1x512x256xf32, #tpu.memory_space<hbm>>
      tpu.wait_dma2 semaphore(%dma_wait3A_631 : memref<!tpu.dma_semaphore, #tpu.memory_space<semaphore_mem>>) src(%dma_wait3A_638 : memref<1x512x256xf32, #tpu.memory_space<hbm>>) dst(%dma_wait3A_635 : memref<1x512x256xf32, #tpu.memory_space<vmem>>)
      %add3A_639 = arith.constant 3 : i32
      %add3A_640 = arith.addi %mul3A_0, %add3A_639 : i32
      %dma_wait3A_641 = arith.constant 1 : i32
      %dma_wait3A_642 = arith.constant 3 : i32
      %dma_wait3A_643 = tpu.memref_slice %arg8[%dma_wait3A_641, %dma_wait3A_642] : memref<2x16x!tpu.dma_semaphore, #tpu.memory_space<semaphore_mem>> -> memref<1x1x!tpu.dma_semaphore, #tpu.memory_space<semaphore_mem>>
      %dma_wait3A_644 = tpu.memref_squeeze %dma_wait3A_643 : memref<1x1x!tpu.dma_semaphore, #tpu.memory_space<semaphore_mem>> -> memref<!tpu.dma_semaphore, #tpu.memory_space<semaphore_mem>>
      %dma_wait3A_645 = arith.constant 3 : i32
      %dma_wait3A_646 = arith.constant 0 : i32
      %dma_wait3A_647 = arith.constant 0 : i32
      %dma_wait3A_648 = tpu.memref_slice %arg7[%dma_wait3A_645, %dma_wait3A_646, %dma_wait3A_647] : memref<16x512x256xf32, #tpu.memory_space<vmem>> -> memref<1x512x256xf32, #tpu.memory_space<vmem>>
      %dma_wait3A_649 = arith.constant 0 : i32
      %dma_wait3A_650 = arith.constant 0 : i32
      %dma_wait3A_651 = tpu.memref_slice %arg3[%add3A_640, %dma_wait3A_649, %dma_wait3A_650] : memref<512x512x256xf32, #tpu.memory_space<hbm>> -> memref<1x512x256xf32, #tpu.memory_space<hbm>>
      tpu.wait_dma2 semaphore(%dma_wait3A_644 : memref<!tpu.dma_semaphore, #tpu.memory_space<semaphore_mem>>) src(%dma_wait3A_651 : memref<1x512x256xf32, #tpu.memory_space<hbm>>) dst(%dma_wait3A_648 : memref<1x512x256xf32, #tpu.memory_space<vmem>>)
    } else {
    }
    %add3A_447 = arith.constant 4 : i32
    %add3A_448 = arith.addi %mul3A_0, %add3A_447 : i32
    %get3A_449 = arith.index_cast %add3A_448 : i32 to index
    %get3A_450 = memref.load %arg1[%get3A_449] : memref<512xi32, #tpu.memory_space<smem>>
    %eq3A_451 = arith.constant 0 : i32
    %eq3A_452 = arith.cmpi eq, %get3A_450, %eq3A_451 : i32
    %add3A_453 = arith.constant 4 : i32
    %add3A_454 = arith.addi %mul3A_0, %add3A_453 : i32
    %add3A_455 = arith.constant 1 : i32
    %add3A_456 = arith.addi %add3A_454, %add3A_455 : i32
    %get3A_457 = arith.index_cast %add3A_456 : i32 to index
    %get3A_458 = memref.load %arg1[%get3A_457] : memref<512xi32, #tpu.memory_space<smem>>
    %eq3A_459 = arith.constant 0 : i32
    %eq3A_460 = arith.cmpi eq, %get3A_458, %eq3A_459 : i32
    %and3A_461 = arith.andi %eq3A_452, %eq3A_460 : i1
    %convert_element_type3A_462 = arith.extui %and3A_461 : i1 to i32
    %cond3A_463 = arith.constant 0 : i32
    %cond3A_464 = arith.cmpi ne, %convert_element_type3A_462, %cond3A_463 : i32
    scf.if %cond3A_464 {
      %add3A_627 = arith.constant 4 : i32
      %add3A_628 = arith.addi %mul3A_0, %add3A_627 : i32
      %dma_wait3A = arith.constant 0 : i32
      %dma_wait3A_629 = arith.constant 4 : i32
      %dma_wait3A_630 = tpu.memref_slice %arg8[%dma_wait3A, %dma_wait3A_629] : memref<2x16x!tpu.dma_semaphore, #tpu.memory_space<semaphore_mem>> -> memref<1x1x!tpu.dma_semaphore, #tpu.memory_space<semaphore_mem>>
      %dma_wait3A_631 = tpu.memref_squeeze %dma_wait3A_630 : memref<1x1x!tpu.dma_semaphore, #tpu.memory_space<semaphore_mem>> -> memref<!tpu.dma_semaphore, #tpu.memory_space<semaphore_mem>>
      %dma_wait3A_632 = arith.constant 4 : i32
      %dma_wait3A_633 = arith.constant 0 : i32
      %dma_wait3A_634 = arith.constant 0 : i32
      %dma_wait3A_635 = tpu.memref_slice %arg6[%dma_wait3A_632, %dma_wait3A_633, %dma_wait3A_634] : memref<16x512x256xf32, #tpu.memory_space<vmem>> -> memref<2x512x256xf32, #tpu.memory_space<vmem>>
      %dma_wait3A_636 = arith.constant 0 : i32
      %dma_wait3A_637 = arith.constant 0 : i32
      %dma_wait3A_638 = tpu.memref_slice %arg2[%add3A_628, %dma_wait3A_636, %dma_wait3A_637] : memref<512x512x256xf32, #tpu.memory_space<hbm>> -> memref<2x512x256xf32, #tpu.memory_space<hbm>>
      tpu.wait_dma2 semaphore(%dma_wait3A_631 : memref<!tpu.dma_semaphore, #tpu.memory_space<semaphore_mem>>) src(%dma_wait3A_638 : memref<2x512x256xf32, #tpu.memory_space<hbm>>) dst(%dma_wait3A_635 : memref<2x512x256xf32, #tpu.memory_space<vmem>>)
      %add3A_639 = arith.constant 4 : i32
      %add3A_640 = arith.addi %mul3A_0, %add3A_639 : i32
      %dma_wait3A_641 = arith.constant 1 : i32
      %dma_wait3A_642 = arith.constant 4 : i32
      %dma_wait3A_643 = tpu.memref_slice %arg8[%dma_wait3A_641, %dma_wait3A_642] : memref<2x16x!tpu.dma_semaphore, #tpu.memory_space<semaphore_mem>> -> memref<1x1x!tpu.dma_semaphore, #tpu.memory_space<semaphore_mem>>
      %dma_wait3A_644 = tpu.memref_squeeze %dma_wait3A_643 : memref<1x1x!tpu.dma_semaphore, #tpu.memory_space<semaphore_mem>> -> memref<!tpu.dma_semaphore, #tpu.memory_space<semaphore_mem>>
      %dma_wait3A_645 = arith.constant 4 : i32
      %dma_wait3A_646 = arith.constant 0 : i32
      %dma_wait3A_647 = arith.constant 0 : i32
      %dma_wait3A_648 = tpu.memref_slice %arg7[%dma_wait3A_645, %dma_wait3A_646, %dma_wait3A_647] : memref<16x512x256xf32, #tpu.memory_space<vmem>> -> memref<2x512x256xf32, #tpu.memory_space<vmem>>
      %dma_wait3A_649 = arith.constant 0 : i32
      %dma_wait3A_650 = arith.constant 0 : i32
      %dma_wait3A_651 = tpu.memref_slice %arg3[%add3A_640, %dma_wait3A_649, %dma_wait3A_650] : memref<512x512x256xf32, #tpu.memory_space<hbm>> -> memref<2x512x256xf32, #tpu.memory_space<hbm>>
      tpu.wait_dma2 semaphore(%dma_wait3A_644 : memref<!tpu.dma_semaphore, #tpu.memory_space<semaphore_mem>>) src(%dma_wait3A_651 : memref<2x512x256xf32, #tpu.memory_space<hbm>>) dst(%dma_wait3A_648 : memref<2x512x256xf32, #tpu.memory_space<vmem>>)
    } else {
    }
    %not3A_465 = arith.constant true
    %not3A_466 = arith.xori %eq3A_460, %not3A_465 : i1
    %and3A_467 = arith.andi %eq3A_452, %not3A_466 : i1
    %convert_element_type3A_468 = arith.extui %and3A_467 : i1 to i32
    %cond3A_469 = arith.constant 0 : i32
    %cond3A_470 = arith.cmpi ne, %convert_element_type3A_468, %cond3A_469 : i32
    scf.if %cond3A_470 {
      %add3A_627 = arith.constant 4 : i32
      %add3A_628 = arith.addi %mul3A_0, %add3A_627 : i32
      %dma_wait3A = arith.constant 0 : i32
      %dma_wait3A_629 = arith.constant 4 : i32
      %dma_wait3A_630 = tpu.memref_slice %arg8[%dma_wait3A, %dma_wait3A_629] : memref<2x16x!tpu.dma_semaphore, #tpu.memory_space<semaphore_mem>> -> memref<1x1x!tpu.dma_semaphore, #tpu.memory_space<semaphore_mem>>
      %dma_wait3A_631 = tpu.memref_squeeze %dma_wait3A_630 : memref<1x1x!tpu.dma_semaphore, #tpu.memory_space<semaphore_mem>> -> memref<!tpu.dma_semaphore, #tpu.memory_space<semaphore_mem>>
      %dma_wait3A_632 = arith.constant 4 : i32
      %dma_wait3A_633 = arith.constant 0 : i32
      %dma_wait3A_634 = arith.constant 0 : i32
      %dma_wait3A_635 = tpu.memref_slice %arg6[%dma_wait3A_632, %dma_wait3A_633, %dma_wait3A_634] : memref<16x512x256xf32, #tpu.memory_space<vmem>> -> memref<1x512x256xf32, #tpu.memory_space<vmem>>
      %dma_wait3A_636 = arith.constant 0 : i32
      %dma_wait3A_637 = arith.constant 0 : i32
      %dma_wait3A_638 = tpu.memref_slice %arg2[%add3A_628, %dma_wait3A_636, %dma_wait3A_637] : memref<512x512x256xf32, #tpu.memory_space<hbm>> -> memref<1x512x256xf32, #tpu.memory_space<hbm>>
      tpu.wait_dma2 semaphore(%dma_wait3A_631 : memref<!tpu.dma_semaphore, #tpu.memory_space<semaphore_mem>>) src(%dma_wait3A_638 : memref<1x512x256xf32, #tpu.memory_space<hbm>>) dst(%dma_wait3A_635 : memref<1x512x256xf32, #tpu.memory_space<vmem>>)
      %add3A_639 = arith.constant 4 : i32
      %add3A_640 = arith.addi %mul3A_0, %add3A_639 : i32
      %dma_wait3A_641 = arith.constant 1 : i32
      %dma_wait3A_642 = arith.constant 4 : i32
      %dma_wait3A_643 = tpu.memref_slice %arg8[%dma_wait3A_641, %dma_wait3A_642] : memref<2x16x!tpu.dma_semaphore, #tpu.memory_space<semaphore_mem>> -> memref<1x1x!tpu.dma_semaphore, #tpu.memory_space<semaphore_mem>>
      %dma_wait3A_644 = tpu.memref_squeeze %dma_wait3A_643 : memref<1x1x!tpu.dma_semaphore, #tpu.memory_space<semaphore_mem>> -> memref<!tpu.dma_semaphore, #tpu.memory_space<semaphore_mem>>
      %dma_wait3A_645 = arith.constant 4 : i32
      %dma_wait3A_646 = arith.constant 0 : i32
      %dma_wait3A_647 = arith.constant 0 : i32
      %dma_wait3A_648 = tpu.memref_slice %arg7[%dma_wait3A_645, %dma_wait3A_646, %dma_wait3A_647] : memref<16x512x256xf32, #tpu.memory_space<vmem>> -> memref<1x512x256xf32, #tpu.memory_space<vmem>>
      %dma_wait3A_649 = arith.constant 0 : i32
      %dma_wait3A_650 = arith.constant 0 : i32
      %dma_wait3A_651 = tpu.memref_slice %arg3[%add3A_640, %dma_wait3A_649, %dma_wait3A_650] : memref<512x512x256xf32, #tpu.memory_space<hbm>> -> memref<1x512x256xf32, #tpu.memory_space<hbm>>
      tpu.wait_dma2 semaphore(%dma_wait3A_644 : memref<!tpu.dma_semaphore, #tpu.memory_space<semaphore_mem>>) src(%dma_wait3A_651 : memref<1x512x256xf32, #tpu.memory_space<hbm>>) dst(%dma_wait3A_648 : memref<1x512x256xf32, #tpu.memory_space<vmem>>)
    } else {
    }
    %not3A_471 = arith.constant true
    %not3A_472 = arith.xori %eq3A_452, %not3A_471 : i1
    %and3A_473 = arith.andi %not3A_472, %eq3A_460 : i1
    %convert_element_type3A_474 = arith.extui %and3A_473 : i1 to i32
    %cond3A_475 = arith.constant 0 : i32
    %cond3A_476 = arith.cmpi ne, %convert_element_type3A_474, %cond3A_475 : i32
    scf.if %cond3A_476 {
      %add3A_627 = arith.constant 5 : i32
      %add3A_628 = arith.addi %mul3A_0, %add3A_627 : i32
      %dma_wait3A = arith.constant 0 : i32
      %dma_wait3A_629 = arith.constant 5 : i32
      %dma_wait3A_630 = tpu.memref_slice %arg8[%dma_wait3A, %dma_wait3A_629] : memref<2x16x!tpu.dma_semaphore, #tpu.memory_space<semaphore_mem>> -> memref<1x1x!tpu.dma_semaphore, #tpu.memory_space<semaphore_mem>>
      %dma_wait3A_631 = tpu.memref_squeeze %dma_wait3A_630 : memref<1x1x!tpu.dma_semaphore, #tpu.memory_space<semaphore_mem>> -> memref<!tpu.dma_semaphore, #tpu.memory_space<semaphore_mem>>
      %dma_wait3A_632 = arith.constant 5 : i32
      %dma_wait3A_633 = arith.constant 0 : i32
      %dma_wait3A_634 = arith.constant 0 : i32
      %dma_wait3A_635 = tpu.memref_slice %arg6[%dma_wait3A_632, %dma_wait3A_633, %dma_wait3A_634] : memref<16x512x256xf32, #tpu.memory_space<vmem>> -> memref<1x512x256xf32, #tpu.memory_space<vmem>>
      %dma_wait3A_636 = arith.constant 0 : i32
      %dma_wait3A_637 = arith.constant 0 : i32
      %dma_wait3A_638 = tpu.memref_slice %arg2[%add3A_628, %dma_wait3A_636, %dma_wait3A_637] : memref<512x512x256xf32, #tpu.memory_space<hbm>> -> memref<1x512x256xf32, #tpu.memory_space<hbm>>
      tpu.wait_dma2 semaphore(%dma_wait3A_631 : memref<!tpu.dma_semaphore, #tpu.memory_space<semaphore_mem>>) src(%dma_wait3A_638 : memref<1x512x256xf32, #tpu.memory_space<hbm>>) dst(%dma_wait3A_635 : memref<1x512x256xf32, #tpu.memory_space<vmem>>)
      %add3A_639 = arith.constant 5 : i32
      %add3A_640 = arith.addi %mul3A_0, %add3A_639 : i32
      %dma_wait3A_641 = arith.constant 1 : i32
      %dma_wait3A_642 = arith.constant 5 : i32
      %dma_wait3A_643 = tpu.memref_slice %arg8[%dma_wait3A_641, %dma_wait3A_642] : memref<2x16x!tpu.dma_semaphore, #tpu.memory_space<semaphore_mem>> -> memref<1x1x!tpu.dma_semaphore, #tpu.memory_space<semaphore_mem>>
      %dma_wait3A_644 = tpu.memref_squeeze %dma_wait3A_643 : memref<1x1x!tpu.dma_semaphore, #tpu.memory_space<semaphore_mem>> -> memref<!tpu.dma_semaphore, #tpu.memory_space<semaphore_mem>>
      %dma_wait3A_645 = arith.constant 5 : i32
      %dma_wait3A_646 = arith.constant 0 : i32
      %dma_wait3A_647 = arith.constant 0 : i32
      %dma_wait3A_648 = tpu.memref_slice %arg7[%dma_wait3A_645, %dma_wait3A_646, %dma_wait3A_647] : memref<16x512x256xf32, #tpu.memory_space<vmem>> -> memref<1x512x256xf32, #tpu.memory_space<vmem>>
      %dma_wait3A_649 = arith.constant 0 : i32
      %dma_wait3A_650 = arith.constant 0 : i32
      %dma_wait3A_651 = tpu.memref_slice %arg3[%add3A_640, %dma_wait3A_649, %dma_wait3A_650] : memref<512x512x256xf32, #tpu.memory_space<hbm>> -> memref<1x512x256xf32, #tpu.memory_space<hbm>>
      tpu.wait_dma2 semaphore(%dma_wait3A_644 : memref<!tpu.dma_semaphore, #tpu.memory_space<semaphore_mem>>) src(%dma_wait3A_651 : memref<1x512x256xf32, #tpu.memory_space<hbm>>) dst(%dma_wait3A_648 : memref<1x512x256xf32, #tpu.memory_space<vmem>>)
    } else {
    }
    %add3A_477 = arith.constant 6 : i32
    %add3A_478 = arith.addi %mul3A_0, %add3A_477 : i32
    %get3A_479 = arith.index_cast %add3A_478 : i32 to index
    %get3A_480 = memref.load %arg1[%get3A_479] : memref<512xi32, #tpu.memory_space<smem>>
    %eq3A_481 = arith.constant 0 : i32
    %eq3A_482 = arith.cmpi eq, %get3A_480, %eq3A_481 : i32
    %add3A_483 = arith.constant 6 : i32
    %add3A_484 = arith.addi %mul3A_0, %add3A_483 : i32
    %add3A_485 = arith.constant 1 : i32
    %add3A_486 = arith.addi %add3A_484, %add3A_485 : i32
    %get3A_487 = arith.index_cast %add3A_486 : i32 to index
    %get3A_488 = memref.load %arg1[%get3A_487] : memref<512xi32, #tpu.memory_space<smem>>
    %eq3A_489 = arith.constant 0 : i32
    %eq3A_490 = arith.cmpi eq, %get3A_488, %eq3A_489 : i32
    %and3A_491 = arith.andi %eq3A_482, %eq3A_490 : i1
    %convert_element_type3A_492 = arith.extui %and3A_491 : i1 to i32
    %cond3A_493 = arith.constant 0 : i32
    %cond3A_494 = arith.cmpi ne, %convert_element_type3A_492, %cond3A_493 : i32
    scf.if %cond3A_494 {
      %add3A_627 = arith.constant 6 : i32
      %add3A_628 = arith.addi %mul3A_0, %add3A_627 : i32
      %dma_wait3A = arith.constant 0 : i32
      %dma_wait3A_629 = arith.constant 6 : i32
      %dma_wait3A_630 = tpu.memref_slice %arg8[%dma_wait3A, %dma_wait3A_629] : memref<2x16x!tpu.dma_semaphore, #tpu.memory_space<semaphore_mem>> -> memref<1x1x!tpu.dma_semaphore, #tpu.memory_space<semaphore_mem>>
      %dma_wait3A_631 = tpu.memref_squeeze %dma_wait3A_630 : memref<1x1x!tpu.dma_semaphore, #tpu.memory_space<semaphore_mem>> -> memref<!tpu.dma_semaphore, #tpu.memory_space<semaphore_mem>>
      %dma_wait3A_632 = arith.constant 6 : i32
      %dma_wait3A_633 = arith.constant 0 : i32
      %dma_wait3A_634 = arith.constant 0 : i32
      %dma_wait3A_635 = tpu.memref_slice %arg6[%dma_wait3A_632, %dma_wait3A_633, %dma_wait3A_634] : memref<16x512x256xf32, #tpu.memory_space<vmem>> -> memref<2x512x256xf32, #tpu.memory_space<vmem>>
      %dma_wait3A_636 = arith.constant 0 : i32
      %dma_wait3A_637 = arith.constant 0 : i32
      %dma_wait3A_638 = tpu.memref_slice %arg2[%add3A_628, %dma_wait3A_636, %dma_wait3A_637] : memref<512x512x256xf32, #tpu.memory_space<hbm>> -> memref<2x512x256xf32, #tpu.memory_space<hbm>>
      tpu.wait_dma2 semaphore(%dma_wait3A_631 : memref<!tpu.dma_semaphore, #tpu.memory_space<semaphore_mem>>) src(%dma_wait3A_638 : memref<2x512x256xf32, #tpu.memory_space<hbm>>) dst(%dma_wait3A_635 : memref<2x512x256xf32, #tpu.memory_space<vmem>>)
      %add3A_639 = arith.constant 6 : i32
      %add3A_640 = arith.addi %mul3A_0, %add3A_639 : i32
      %dma_wait3A_641 = arith.constant 1 : i32
      %dma_wait3A_642 = arith.constant 6 : i32
      %dma_wait3A_643 = tpu.memref_slice %arg8[%dma_wait3A_641, %dma_wait3A_642] : memref<2x16x!tpu.dma_semaphore, #tpu.memory_space<semaphore_mem>> -> memref<1x1x!tpu.dma_semaphore, #tpu.memory_space<semaphore_mem>>
      %dma_wait3A_644 = tpu.memref_squeeze %dma_wait3A_643 : memref<1x1x!tpu.dma_semaphore, #tpu.memory_space<semaphore_mem>> -> memref<!tpu.dma_semaphore, #tpu.memory_space<semaphore_mem>>
      %dma_wait3A_645 = arith.constant 6 : i32
      %dma_wait3A_646 = arith.constant 0 : i32
      %dma_wait3A_647 = arith.constant 0 : i32
      %dma_wait3A_648 = tpu.memref_slice %arg7[%dma_wait3A_645, %dma_wait3A_646, %dma_wait3A_647] : memref<16x512x256xf32, #tpu.memory_space<vmem>> -> memref<2x512x256xf32, #tpu.memory_space<vmem>>
      %dma_wait3A_649 = arith.constant 0 : i32
      %dma_wait3A_650 = arith.constant 0 : i32
      %dma_wait3A_651 = tpu.memref_slice %arg3[%add3A_640, %dma_wait3A_649, %dma_wait3A_650] : memref<512x512x256xf32, #tpu.memory_space<hbm>> -> memref<2x512x256xf32, #tpu.memory_space<hbm>>
      tpu.wait_dma2 semaphore(%dma_wait3A_644 : memref<!tpu.dma_semaphore, #tpu.memory_space<semaphore_mem>>) src(%dma_wait3A_651 : memref<2x512x256xf32, #tpu.memory_space<hbm>>) dst(%dma_wait3A_648 : memref<2x512x256xf32, #tpu.memory_space<vmem>>)
    } else {
    }
    %not3A_495 = arith.constant true
    %not3A_496 = arith.xori %eq3A_490, %not3A_495 : i1
    %and3A_497 = arith.andi %eq3A_482, %not3A_496 : i1
    %convert_element_type3A_498 = arith.extui %and3A_497 : i1 to i32
    %cond3A_499 = arith.constant 0 : i32
    %cond3A_500 = arith.cmpi ne, %convert_element_type3A_498, %cond3A_499 : i32
    scf.if %cond3A_500 {
      %add3A_627 = arith.constant 6 : i32
      %add3A_628 = arith.addi %mul3A_0, %add3A_627 : i32
      %dma_wait3A = arith.constant 0 : i32
      %dma_wait3A_629 = arith.constant 6 : i32
      %dma_wait3A_630 = tpu.memref_slice %arg8[%dma_wait3A, %dma_wait3A_629] : memref<2x16x!tpu.dma_semaphore, #tpu.memory_space<semaphore_mem>> -> memref<1x1x!tpu.dma_semaphore, #tpu.memory_space<semaphore_mem>>
      %dma_wait3A_631 = tpu.memref_squeeze %dma_wait3A_630 : memref<1x1x!tpu.dma_semaphore, #tpu.memory_space<semaphore_mem>> -> memref<!tpu.dma_semaphore, #tpu.memory_space<semaphore_mem>>
      %dma_wait3A_632 = arith.constant 6 : i32
      %dma_wait3A_633 = arith.constant 0 : i32
      %dma_wait3A_634 = arith.constant 0 : i32
      %dma_wait3A_635 = tpu.memref_slice %arg6[%dma_wait3A_632, %dma_wait3A_633, %dma_wait3A_634] : memref<16x512x256xf32, #tpu.memory_space<vmem>> -> memref<1x512x256xf32, #tpu.memory_space<vmem>>
      %dma_wait3A_636 = arith.constant 0 : i32
      %dma_wait3A_637 = arith.constant 0 : i32
      %dma_wait3A_638 = tpu.memref_slice %arg2[%add3A_628, %dma_wait3A_636, %dma_wait3A_637] : memref<512x512x256xf32, #tpu.memory_space<hbm>> -> memref<1x512x256xf32, #tpu.memory_space<hbm>>
      tpu.wait_dma2 semaphore(%dma_wait3A_631 : memref<!tpu.dma_semaphore, #tpu.memory_space<semaphore_mem>>) src(%dma_wait3A_638 : memref<1x512x256xf32, #tpu.memory_space<hbm>>) dst(%dma_wait3A_635 : memref<1x512x256xf32, #tpu.memory_space<vmem>>)
      %add3A_639 = arith.constant 6 : i32
      %add3A_640 = arith.addi %mul3A_0, %add3A_639 : i32
      %dma_wait3A_641 = arith.constant 1 : i32
      %dma_wait3A_642 = arith.constant 6 : i32
      %dma_wait3A_643 = tpu.memref_slice %arg8[%dma_wait3A_641, %dma_wait3A_642] : memref<2x16x!tpu.dma_semaphore, #tpu.memory_space<semaphore_mem>> -> memref<1x1x!tpu.dma_semaphore, #tpu.memory_space<semaphore_mem>>
      %dma_wait3A_644 = tpu.memref_squeeze %dma_wait3A_643 : memref<1x1x!tpu.dma_semaphore, #tpu.memory_space<semaphore_mem>> -> memref<!tpu.dma_semaphore, #tpu.memory_space<semaphore_mem>>
      %dma_wait3A_645 = arith.constant 6 : i32
      %dma_wait3A_646 = arith.constant 0 : i32
      %dma_wait3A_647 = arith.constant 0 : i32
      %dma_wait3A_648 = tpu.memref_slice %arg7[%dma_wait3A_645, %dma_wait3A_646, %dma_wait3A_647] : memref<16x512x256xf32, #tpu.memory_space<vmem>> -> memref<1x512x256xf32, #tpu.memory_space<vmem>>
      %dma_wait3A_649 = arith.constant 0 : i32
      %dma_wait3A_650 = arith.constant 0 : i32
      %dma_wait3A_651 = tpu.memref_slice %arg3[%add3A_640, %dma_wait3A_649, %dma_wait3A_650] : memref<512x512x256xf32, #tpu.memory_space<hbm>> -> memref<1x512x256xf32, #tpu.memory_space<hbm>>
      tpu.wait_dma2 semaphore(%dma_wait3A_644 : memref<!tpu.dma_semaphore, #tpu.memory_space<semaphore_mem>>) src(%dma_wait3A_651 : memref<1x512x256xf32, #tpu.memory_space<hbm>>) dst(%dma_wait3A_648 : memref<1x512x256xf32, #tpu.memory_space<vmem>>)
    } else {
    }
    %not3A_501 = arith.constant true
    %not3A_502 = arith.xori %eq3A_482, %not3A_501 : i1
    %and3A_503 = arith.andi %not3A_502, %eq3A_490 : i1
    %convert_element_type3A_504 = arith.extui %and3A_503 : i1 to i32
    %cond3A_505 = arith.constant 0 : i32
    %cond3A_506 = arith.cmpi ne, %convert_element_type3A_504, %cond3A_505 : i32
    scf.if %cond3A_506 {
      %add3A_627 = arith.constant 7 : i32
      %add3A_628 = arith.addi %mul3A_0, %add3A_627 : i32
      %dma_wait3A = arith.constant 0 : i32
      %dma_wait3A_629 = arith.constant 7 : i32
      %dma_wait3A_630 = tpu.memref_slice %arg8[%dma_wait3A, %dma_wait3A_629] : memref<2x16x!tpu.dma_semaphore, #tpu.memory_space<semaphore_mem>> -> memref<1x1x!tpu.dma_semaphore, #tpu.memory_space<semaphore_mem>>
      %dma_wait3A_631 = tpu.memref_squeeze %dma_wait3A_630 : memref<1x1x!tpu.dma_semaphore, #tpu.memory_space<semaphore_mem>> -> memref<!tpu.dma_semaphore, #tpu.memory_space<semaphore_mem>>
      %dma_wait3A_632 = arith.constant 7 : i32
      %dma_wait3A_633 = arith.constant 0 : i32
      %dma_wait3A_634 = arith.constant 0 : i32
      %dma_wait3A_635 = tpu.memref_slice %arg6[%dma_wait3A_632, %dma_wait3A_633, %dma_wait3A_634] : memref<16x512x256xf32, #tpu.memory_space<vmem>> -> memref<1x512x256xf32, #tpu.memory_space<vmem>>
      %dma_wait3A_636 = arith.constant 0 : i32
      %dma_wait3A_637 = arith.constant 0 : i32
      %dma_wait3A_638 = tpu.memref_slice %arg2[%add3A_628, %dma_wait3A_636, %dma_wait3A_637] : memref<512x512x256xf32, #tpu.memory_space<hbm>> -> memref<1x512x256xf32, #tpu.memory_space<hbm>>
      tpu.wait_dma2 semaphore(%dma_wait3A_631 : memref<!tpu.dma_semaphore, #tpu.memory_space<semaphore_mem>>) src(%dma_wait3A_638 : memref<1x512x256xf32, #tpu.memory_space<hbm>>) dst(%dma_wait3A_635 : memref<1x512x256xf32, #tpu.memory_space<vmem>>)
      %add3A_639 = arith.constant 7 : i32
      %add3A_640 = arith.addi %mul3A_0, %add3A_639 : i32
      %dma_wait3A_641 = arith.constant 1 : i32
      %dma_wait3A_642 = arith.constant 7 : i32
      %dma_wait3A_643 = tpu.memref_slice %arg8[%dma_wait3A_641, %dma_wait3A_642] : memref<2x16x!tpu.dma_semaphore, #tpu.memory_space<semaphore_mem>> -> memref<1x1x!tpu.dma_semaphore, #tpu.memory_space<semaphore_mem>>
      %dma_wait3A_644 = tpu.memref_squeeze %dma_wait3A_643 : memref<1x1x!tpu.dma_semaphore, #tpu.memory_space<semaphore_mem>> -> memref<!tpu.dma_semaphore, #tpu.memory_space<semaphore_mem>>
      %dma_wait3A_645 = arith.constant 7 : i32
      %dma_wait3A_646 = arith.constant 0 : i32
      %dma_wait3A_647 = arith.constant 0 : i32
      %dma_wait3A_648 = tpu.memref_slice %arg7[%dma_wait3A_645, %dma_wait3A_646, %dma_wait3A_647] : memref<16x512x256xf32, #tpu.memory_space<vmem>> -> memref<1x512x256xf32, #tpu.memory_space<vmem>>
      %dma_wait3A_649 = arith.constant 0 : i32
      %dma_wait3A_650 = arith.constant 0 : i32
      %dma_wait3A_651 = tpu.memref_slice %arg3[%add3A_640, %dma_wait3A_649, %dma_wait3A_650] : memref<512x512x256xf32, #tpu.memory_space<hbm>> -> memref<1x512x256xf32, #tpu.memory_space<hbm>>
      tpu.wait_dma2 semaphore(%dma_wait3A_644 : memref<!tpu.dma_semaphore, #tpu.memory_space<semaphore_mem>>) src(%dma_wait3A_651 : memref<1x512x256xf32, #tpu.memory_space<hbm>>) dst(%dma_wait3A_648 : memref<1x512x256xf32, #tpu.memory_space<vmem>>)
    } else {
    }
    %add3A_507 = arith.constant 8 : i32
    %add3A_508 = arith.addi %mul3A_0, %add3A_507 : i32
    %get3A_509 = arith.index_cast %add3A_508 : i32 to index
    %get3A_510 = memref.load %arg1[%get3A_509] : memref<512xi32, #tpu.memory_space<smem>>
    %eq3A_511 = arith.constant 0 : i32
    %eq3A_512 = arith.cmpi eq, %get3A_510, %eq3A_511 : i32
    %add3A_513 = arith.constant 8 : i32
    %add3A_514 = arith.addi %mul3A_0, %add3A_513 : i32
    %add3A_515 = arith.constant 1 : i32
    %add3A_516 = arith.addi %add3A_514, %add3A_515 : i32
    %get3A_517 = arith.index_cast %add3A_516 : i32 to index
    %get3A_518 = memref.load %arg1[%get3A_517] : memref<512xi32, #tpu.memory_space<smem>>
    %eq3A_519 = arith.constant 0 : i32
    %eq3A_520 = arith.cmpi eq, %get3A_518, %eq3A_519 : i32
    %and3A_521 = arith.andi %eq3A_512, %eq3A_520 : i1
    %convert_element_type3A_522 = arith.extui %and3A_521 : i1 to i32
    %cond3A_523 = arith.constant 0 : i32
    %cond3A_524 = arith.cmpi ne, %convert_element_type3A_522, %cond3A_523 : i32
    scf.if %cond3A_524 {
      %add3A_627 = arith.constant 8 : i32
      %add3A_628 = arith.addi %mul3A_0, %add3A_627 : i32
      %dma_wait3A = arith.constant 0 : i32
      %dma_wait3A_629 = arith.constant 8 : i32
      %dma_wait3A_630 = tpu.memref_slice %arg8[%dma_wait3A, %dma_wait3A_629] : memref<2x16x!tpu.dma_semaphore, #tpu.memory_space<semaphore_mem>> -> memref<1x1x!tpu.dma_semaphore, #tpu.memory_space<semaphore_mem>>
      %dma_wait3A_631 = tpu.memref_squeeze %dma_wait3A_630 : memref<1x1x!tpu.dma_semaphore, #tpu.memory_space<semaphore_mem>> -> memref<!tpu.dma_semaphore, #tpu.memory_space<semaphore_mem>>
      %dma_wait3A_632 = arith.constant 8 : i32
      %dma_wait3A_633 = arith.constant 0 : i32
      %dma_wait3A_634 = arith.constant 0 : i32
      %dma_wait3A_635 = tpu.memref_slice %arg6[%dma_wait3A_632, %dma_wait3A_633, %dma_wait3A_634] : memref<16x512x256xf32, #tpu.memory_space<vmem>> -> memref<2x512x256xf32, #tpu.memory_space<vmem>>
      %dma_wait3A_636 = arith.constant 0 : i32
      %dma_wait3A_637 = arith.constant 0 : i32
      %dma_wait3A_638 = tpu.memref_slice %arg2[%add3A_628, %dma_wait3A_636, %dma_wait3A_637] : memref<512x512x256xf32, #tpu.memory_space<hbm>> -> memref<2x512x256xf32, #tpu.memory_space<hbm>>
      tpu.wait_dma2 semaphore(%dma_wait3A_631 : memref<!tpu.dma_semaphore, #tpu.memory_space<semaphore_mem>>) src(%dma_wait3A_638 : memref<2x512x256xf32, #tpu.memory_space<hbm>>) dst(%dma_wait3A_635 : memref<2x512x256xf32, #tpu.memory_space<vmem>>)
      %add3A_639 = arith.constant 8 : i32
      %add3A_640 = arith.addi %mul3A_0, %add3A_639 : i32
      %dma_wait3A_641 = arith.constant 1 : i32
      %dma_wait3A_642 = arith.constant 8 : i32
      %dma_wait3A_643 = tpu.memref_slice %arg8[%dma_wait3A_641, %dma_wait3A_642] : memref<2x16x!tpu.dma_semaphore, #tpu.memory_space<semaphore_mem>> -> memref<1x1x!tpu.dma_semaphore, #tpu.memory_space<semaphore_mem>>
      %dma_wait3A_644 = tpu.memref_squeeze %dma_wait3A_643 : memref<1x1x!tpu.dma_semaphore, #tpu.memory_space<semaphore_mem>> -> memref<!tpu.dma_semaphore, #tpu.memory_space<semaphore_mem>>
      %dma_wait3A_645 = arith.constant 8 : i32
      %dma_wait3A_646 = arith.constant 0 : i32
      %dma_wait3A_647 = arith.constant 0 : i32
      %dma_wait3A_648 = tpu.memref_slice %arg7[%dma_wait3A_645, %dma_wait3A_646, %dma_wait3A_647] : memref<16x512x256xf32, #tpu.memory_space<vmem>> -> memref<2x512x256xf32, #tpu.memory_space<vmem>>
      %dma_wait3A_649 = arith.constant 0 : i32
      %dma_wait3A_650 = arith.constant 0 : i32
      %dma_wait3A_651 = tpu.memref_slice %arg3[%add3A_640, %dma_wait3A_649, %dma_wait3A_650] : memref<512x512x256xf32, #tpu.memory_space<hbm>> -> memref<2x512x256xf32, #tpu.memory_space<hbm>>
      tpu.wait_dma2 semaphore(%dma_wait3A_644 : memref<!tpu.dma_semaphore, #tpu.memory_space<semaphore_mem>>) src(%dma_wait3A_651 : memref<2x512x256xf32, #tpu.memory_space<hbm>>) dst(%dma_wait3A_648 : memref<2x512x256xf32, #tpu.memory_space<vmem>>)
    } else {
    }
    %not3A_525 = arith.constant true
    %not3A_526 = arith.xori %eq3A_520, %not3A_525 : i1
    %and3A_527 = arith.andi %eq3A_512, %not3A_526 : i1
    %convert_element_type3A_528 = arith.extui %and3A_527 : i1 to i32
    %cond3A_529 = arith.constant 0 : i32
    %cond3A_530 = arith.cmpi ne, %convert_element_type3A_528, %cond3A_529 : i32
    scf.if %cond3A_530 {
      %add3A_627 = arith.constant 8 : i32
      %add3A_628 = arith.addi %mul3A_0, %add3A_627 : i32
      %dma_wait3A = arith.constant 0 : i32
      %dma_wait3A_629 = arith.constant 8 : i32
      %dma_wait3A_630 = tpu.memref_slice %arg8[%dma_wait3A, %dma_wait3A_629] : memref<2x16x!tpu.dma_semaphore, #tpu.memory_space<semaphore_mem>> -> memref<1x1x!tpu.dma_semaphore, #tpu.memory_space<semaphore_mem>>
      %dma_wait3A_631 = tpu.memref_squeeze %dma_wait3A_630 : memref<1x1x!tpu.dma_semaphore, #tpu.memory_space<semaphore_mem>> -> memref<!tpu.dma_semaphore, #tpu.memory_space<semaphore_mem>>
      %dma_wait3A_632 = arith.constant 8 : i32
      %dma_wait3A_633 = arith.constant 0 : i32
      %dma_wait3A_634 = arith.constant 0 : i32
      %dma_wait3A_635 = tpu.memref_slice %arg6[%dma_wait3A_632, %dma_wait3A_633, %dma_wait3A_634] : memref<16x512x256xf32, #tpu.memory_space<vmem>> -> memref<1x512x256xf32, #tpu.memory_space<vmem>>
      %dma_wait3A_636 = arith.constant 0 : i32
      %dma_wait3A_637 = arith.constant 0 : i32
      %dma_wait3A_638 = tpu.memref_slice %arg2[%add3A_628, %dma_wait3A_636, %dma_wait3A_637] : memref<512x512x256xf32, #tpu.memory_space<hbm>> -> memref<1x512x256xf32, #tpu.memory_space<hbm>>
      tpu.wait_dma2 semaphore(%dma_wait3A_631 : memref<!tpu.dma_semaphore, #tpu.memory_space<semaphore_mem>>) src(%dma_wait3A_638 : memref<1x512x256xf32, #tpu.memory_space<hbm>>) dst(%dma_wait3A_635 : memref<1x512x256xf32, #tpu.memory_space<vmem>>)
      %add3A_639 = arith.constant 8 : i32
      %add3A_640 = arith.addi %mul3A_0, %add3A_639 : i32
      %dma_wait3A_641 = arith.constant 1 : i32
      %dma_wait3A_642 = arith.constant 8 : i32
      %dma_wait3A_643 = tpu.memref_slice %arg8[%dma_wait3A_641, %dma_wait3A_642] : memref<2x16x!tpu.dma_semaphore, #tpu.memory_space<semaphore_mem>> -> memref<1x1x!tpu.dma_semaphore, #tpu.memory_space<semaphore_mem>>
      %dma_wait3A_644 = tpu.memref_squeeze %dma_wait3A_643 : memref<1x1x!tpu.dma_semaphore, #tpu.memory_space<semaphore_mem>> -> memref<!tpu.dma_semaphore, #tpu.memory_space<semaphore_mem>>
      %dma_wait3A_645 = arith.constant 8 : i32
      %dma_wait3A_646 = arith.constant 0 : i32
      %dma_wait3A_647 = arith.constant 0 : i32
      %dma_wait3A_648 = tpu.memref_slice %arg7[%dma_wait3A_645, %dma_wait3A_646, %dma_wait3A_647] : memref<16x512x256xf32, #tpu.memory_space<vmem>> -> memref<1x512x256xf32, #tpu.memory_space<vmem>>
      %dma_wait3A_649 = arith.constant 0 : i32
      %dma_wait3A_650 = arith.constant 0 : i32
      %dma_wait3A_651 = tpu.memref_slice %arg3[%add3A_640, %dma_wait3A_649, %dma_wait3A_650] : memref<512x512x256xf32, #tpu.memory_space<hbm>> -> memref<1x512x256xf32, #tpu.memory_space<hbm>>
      tpu.wait_dma2 semaphore(%dma_wait3A_644 : memref<!tpu.dma_semaphore, #tpu.memory_space<semaphore_mem>>) src(%dma_wait3A_651 : memref<1x512x256xf32, #tpu.memory_space<hbm>>) dst(%dma_wait3A_648 : memref<1x512x256xf32, #tpu.memory_space<vmem>>)
    } else {
    }
    %not3A_531 = arith.constant true
    %not3A_532 = arith.xori %eq3A_512, %not3A_531 : i1
    %and3A_533 = arith.andi %not3A_532, %eq3A_520 : i1
    %convert_element_type3A_534 = arith.extui %and3A_533 : i1 to i32
    %cond3A_535 = arith.constant 0 : i32
    %cond3A_536 = arith.cmpi ne, %convert_element_type3A_534, %cond3A_535 : i32
    scf.if %cond3A_536 {
      %add3A_627 = arith.constant 9 : i32
      %add3A_628 = arith.addi %mul3A_0, %add3A_627 : i32
      %dma_wait3A = arith.constant 0 : i32
      %dma_wait3A_629 = arith.constant 9 : i32
      %dma_wait3A_630 = tpu.memref_slice %arg8[%dma_wait3A, %dma_wait3A_629] : memref<2x16x!tpu.dma_semaphore, #tpu.memory_space<semaphore_mem>> -> memref<1x1x!tpu.dma_semaphore, #tpu.memory_space<semaphore_mem>>
      %dma_wait3A_631 = tpu.memref_squeeze %dma_wait3A_630 : memref<1x1x!tpu.dma_semaphore, #tpu.memory_space<semaphore_mem>> -> memref<!tpu.dma_semaphore, #tpu.memory_space<semaphore_mem>>
      %dma_wait3A_632 = arith.constant 9 : i32
      %dma_wait3A_633 = arith.constant 0 : i32
      %dma_wait3A_634 = arith.constant 0 : i32
      %dma_wait3A_635 = tpu.memref_slice %arg6[%dma_wait3A_632, %dma_wait3A_633, %dma_wait3A_634] : memref<16x512x256xf32, #tpu.memory_space<vmem>> -> memref<1x512x256xf32, #tpu.memory_space<vmem>>
      %dma_wait3A_636 = arith.constant 0 : i32
      %dma_wait3A_637 = arith.constant 0 : i32
      %dma_wait3A_638 = tpu.memref_slice %arg2[%add3A_628, %dma_wait3A_636, %dma_wait3A_637] : memref<512x512x256xf32, #tpu.memory_space<hbm>> -> memref<1x512x256xf32, #tpu.memory_space<hbm>>
      tpu.wait_dma2 semaphore(%dma_wait3A_631 : memref<!tpu.dma_semaphore, #tpu.memory_space<semaphore_mem>>) src(%dma_wait3A_638 : memref<1x512x256xf32, #tpu.memory_space<hbm>>) dst(%dma_wait3A_635 : memref<1x512x256xf32, #tpu.memory_space<vmem>>)
      %add3A_639 = arith.constant 9 : i32
      %add3A_640 = arith.addi %mul3A_0, %add3A_639 : i32
      %dma_wait3A_641 = arith.constant 1 : i32
      %dma_wait3A_642 = arith.constant 9 : i32
      %dma_wait3A_643 = tpu.memref_slice %arg8[%dma_wait3A_641, %dma_wait3A_642] : memref<2x16x!tpu.dma_semaphore, #tpu.memory_space<semaphore_mem>> -> memref<1x1x!tpu.dma_semaphore, #tpu.memory_space<semaphore_mem>>
      %dma_wait3A_644 = tpu.memref_squeeze %dma_wait3A_643 : memref<1x1x!tpu.dma_semaphore, #tpu.memory_space<semaphore_mem>> -> memref<!tpu.dma_semaphore, #tpu.memory_space<semaphore_mem>>
      %dma_wait3A_645 = arith.constant 9 : i32
      %dma_wait3A_646 = arith.constant 0 : i32
      %dma_wait3A_647 = arith.constant 0 : i32
      %dma_wait3A_648 = tpu.memref_slice %arg7[%dma_wait3A_645, %dma_wait3A_646, %dma_wait3A_647] : memref<16x512x256xf32, #tpu.memory_space<vmem>> -> memref<1x512x256xf32, #tpu.memory_space<vmem>>
      %dma_wait3A_649 = arith.constant 0 : i32
      %dma_wait3A_650 = arith.constant 0 : i32
      %dma_wait3A_651 = tpu.memref_slice %arg3[%add3A_640, %dma_wait3A_649, %dma_wait3A_650] : memref<512x512x256xf32, #tpu.memory_space<hbm>> -> memref<1x512x256xf32, #tpu.memory_space<hbm>>
      tpu.wait_dma2 semaphore(%dma_wait3A_644 : memref<!tpu.dma_semaphore, #tpu.memory_space<semaphore_mem>>) src(%dma_wait3A_651 : memref<1x512x256xf32, #tpu.memory_space<hbm>>) dst(%dma_wait3A_648 : memref<1x512x256xf32, #tpu.memory_space<vmem>>)
    } else {
    }
    %add3A_537 = arith.constant 10 : i32
    %add3A_538 = arith.addi %mul3A_0, %add3A_537 : i32
    %get3A_539 = arith.index_cast %add3A_538 : i32 to index
    %get3A_540 = memref.load %arg1[%get3A_539] : memref<512xi32, #tpu.memory_space<smem>>
    %eq3A_541 = arith.constant 0 : i32
    %eq3A_542 = arith.cmpi eq, %get3A_540, %eq3A_541 : i32
    %add3A_543 = arith.constant 10 : i32
    %add3A_544 = arith.addi %mul3A_0, %add3A_543 : i32
    %add3A_545 = arith.constant 1 : i32
    %add3A_546 = arith.addi %add3A_544, %add3A_545 : i32
    %get3A_547 = arith.index_cast %add3A_546 : i32 to index
    %get3A_548 = memref.load %arg1[%get3A_547] : memref<512xi32, #tpu.memory_space<smem>>
    %eq3A_549 = arith.constant 0 : i32
    %eq3A_550 = arith.cmpi eq, %get3A_548, %eq3A_549 : i32
    %and3A_551 = arith.andi %eq3A_542, %eq3A_550 : i1
    %convert_element_type3A_552 = arith.extui %and3A_551 : i1 to i32
    %cond3A_553 = arith.constant 0 : i32
    %cond3A_554 = arith.cmpi ne, %convert_element_type3A_552, %cond3A_553 : i32
    scf.if %cond3A_554 {
      %add3A_627 = arith.constant 10 : i32
      %add3A_628 = arith.addi %mul3A_0, %add3A_627 : i32
      %dma_wait3A = arith.constant 0 : i32
      %dma_wait3A_629 = arith.constant 10 : i32
      %dma_wait3A_630 = tpu.memref_slice %arg8[%dma_wait3A, %dma_wait3A_629] : memref<2x16x!tpu.dma_semaphore, #tpu.memory_space<semaphore_mem>> -> memref<1x1x!tpu.dma_semaphore, #tpu.memory_space<semaphore_mem>>
      %dma_wait3A_631 = tpu.memref_squeeze %dma_wait3A_630 : memref<1x1x!tpu.dma_semaphore, #tpu.memory_space<semaphore_mem>> -> memref<!tpu.dma_semaphore, #tpu.memory_space<semaphore_mem>>
      %dma_wait3A_632 = arith.constant 10 : i32
      %dma_wait3A_633 = arith.constant 0 : i32
      %dma_wait3A_634 = arith.constant 0 : i32
      %dma_wait3A_635 = tpu.memref_slice %arg6[%dma_wait3A_632, %dma_wait3A_633, %dma_wait3A_634] : memref<16x512x256xf32, #tpu.memory_space<vmem>> -> memref<2x512x256xf32, #tpu.memory_space<vmem>>
      %dma_wait3A_636 = arith.constant 0 : i32
      %dma_wait3A_637 = arith.constant 0 : i32
      %dma_wait3A_638 = tpu.memref_slice %arg2[%add3A_628, %dma_wait3A_636, %dma_wait3A_637] : memref<512x512x256xf32, #tpu.memory_space<hbm>> -> memref<2x512x256xf32, #tpu.memory_space<hbm>>
      tpu.wait_dma2 semaphore(%dma_wait3A_631 : memref<!tpu.dma_semaphore, #tpu.memory_space<semaphore_mem>>) src(%dma_wait3A_638 : memref<2x512x256xf32, #tpu.memory_space<hbm>>) dst(%dma_wait3A_635 : memref<2x512x256xf32, #tpu.memory_space<vmem>>)
      %add3A_639 = arith.constant 10 : i32
      %add3A_640 = arith.addi %mul3A_0, %add3A_639 : i32
      %dma_wait3A_641 = arith.constant 1 : i32
      %dma_wait3A_642 = arith.constant 10 : i32
      %dma_wait3A_643 = tpu.memref_slice %arg8[%dma_wait3A_641, %dma_wait3A_642] : memref<2x16x!tpu.dma_semaphore, #tpu.memory_space<semaphore_mem>> -> memref<1x1x!tpu.dma_semaphore, #tpu.memory_space<semaphore_mem>>
      %dma_wait3A_644 = tpu.memref_squeeze %dma_wait3A_643 : memref<1x1x!tpu.dma_semaphore, #tpu.memory_space<semaphore_mem>> -> memref<!tpu.dma_semaphore, #tpu.memory_space<semaphore_mem>>
      %dma_wait3A_645 = arith.constant 10 : i32
      %dma_wait3A_646 = arith.constant 0 : i32
      %dma_wait3A_647 = arith.constant 0 : i32
      %dma_wait3A_648 = tpu.memref_slice %arg7[%dma_wait3A_645, %dma_wait3A_646, %dma_wait3A_647] : memref<16x512x256xf32, #tpu.memory_space<vmem>> -> memref<2x512x256xf32, #tpu.memory_space<vmem>>
      %dma_wait3A_649 = arith.constant 0 : i32
      %dma_wait3A_650 = arith.constant 0 : i32
      %dma_wait3A_651 = tpu.memref_slice %arg3[%add3A_640, %dma_wait3A_649, %dma_wait3A_650] : memref<512x512x256xf32, #tpu.memory_space<hbm>> -> memref<2x512x256xf32, #tpu.memory_space<hbm>>
      tpu.wait_dma2 semaphore(%dma_wait3A_644 : memref<!tpu.dma_semaphore, #tpu.memory_space<semaphore_mem>>) src(%dma_wait3A_651 : memref<2x512x256xf32, #tpu.memory_space<hbm>>) dst(%dma_wait3A_648 : memref<2x512x256xf32, #tpu.memory_space<vmem>>)
    } else {
    }
    %not3A_555 = arith.constant true
    %not3A_556 = arith.xori %eq3A_550, %not3A_555 : i1
    %and3A_557 = arith.andi %eq3A_542, %not3A_556 : i1
    %convert_element_type3A_558 = arith.extui %and3A_557 : i1 to i32
    %cond3A_559 = arith.constant 0 : i32
    %cond3A_560 = arith.cmpi ne, %convert_element_type3A_558, %cond3A_559 : i32
    scf.if %cond3A_560 {
      %add3A_627 = arith.constant 10 : i32
      %add3A_628 = arith.addi %mul3A_0, %add3A_627 : i32
      %dma_wait3A = arith.constant 0 : i32
      %dma_wait3A_629 = arith.constant 10 : i32
      %dma_wait3A_630 = tpu.memref_slice %arg8[%dma_wait3A, %dma_wait3A_629] : memref<2x16x!tpu.dma_semaphore, #tpu.memory_space<semaphore_mem>> -> memref<1x1x!tpu.dma_semaphore, #tpu.memory_space<semaphore_mem>>
      %dma_wait3A_631 = tpu.memref_squeeze %dma_wait3A_630 : memref<1x1x!tpu.dma_semaphore, #tpu.memory_space<semaphore_mem>> -> memref<!tpu.dma_semaphore, #tpu.memory_space<semaphore_mem>>
      %dma_wait3A_632 = arith.constant 10 : i32
      %dma_wait3A_633 = arith.constant 0 : i32
      %dma_wait3A_634 = arith.constant 0 : i32
      %dma_wait3A_635 = tpu.memref_slice %arg6[%dma_wait3A_632, %dma_wait3A_633, %dma_wait3A_634] : memref<16x512x256xf32, #tpu.memory_space<vmem>> -> memref<1x512x256xf32, #tpu.memory_space<vmem>>
      %dma_wait3A_636 = arith.constant 0 : i32
      %dma_wait3A_637 = arith.constant 0 : i32
      %dma_wait3A_638 = tpu.memref_slice %arg2[%add3A_628, %dma_wait3A_636, %dma_wait3A_637] : memref<512x512x256xf32, #tpu.memory_space<hbm>> -> memref<1x512x256xf32, #tpu.memory_space<hbm>>
      tpu.wait_dma2 semaphore(%dma_wait3A_631 : memref<!tpu.dma_semaphore, #tpu.memory_space<semaphore_mem>>) src(%dma_wait3A_638 : memref<1x512x256xf32, #tpu.memory_space<hbm>>) dst(%dma_wait3A_635 : memref<1x512x256xf32, #tpu.memory_space<vmem>>)
      %add3A_639 = arith.constant 10 : i32
      %add3A_640 = arith.addi %mul3A_0, %add3A_639 : i32
      %dma_wait3A_641 = arith.constant 1 : i32
      %dma_wait3A_642 = arith.constant 10 : i32
      %dma_wait3A_643 = tpu.memref_slice %arg8[%dma_wait3A_641, %dma_wait3A_642] : memref<2x16x!tpu.dma_semaphore, #tpu.memory_space<semaphore_mem>> -> memref<1x1x!tpu.dma_semaphore, #tpu.memory_space<semaphore_mem>>
      %dma_wait3A_644 = tpu.memref_squeeze %dma_wait3A_643 : memref<1x1x!tpu.dma_semaphore, #tpu.memory_space<semaphore_mem>> -> memref<!tpu.dma_semaphore, #tpu.memory_space<semaphore_mem>>
      %dma_wait3A_645 = arith.constant 10 : i32
      %dma_wait3A_646 = arith.constant 0 : i32
      %dma_wait3A_647 = arith.constant 0 : i32
      %dma_wait3A_648 = tpu.memref_slice %arg7[%dma_wait3A_645, %dma_wait3A_646, %dma_wait3A_647] : memref<16x512x256xf32, #tpu.memory_space<vmem>> -> memref<1x512x256xf32, #tpu.memory_space<vmem>>
      %dma_wait3A_649 = arith.constant 0 : i32
      %dma_wait3A_650 = arith.constant 0 : i32
      %dma_wait3A_651 = tpu.memref_slice %arg3[%add3A_640, %dma_wait3A_649, %dma_wait3A_650] : memref<512x512x256xf32, #tpu.memory_space<hbm>> -> memref<1x512x256xf32, #tpu.memory_space<hbm>>
      tpu.wait_dma2 semaphore(%dma_wait3A_644 : memref<!tpu.dma_semaphore, #tpu.memory_space<semaphore_mem>>) src(%dma_wait3A_651 : memref<1x512x256xf32, #tpu.memory_space<hbm>>) dst(%dma_wait3A_648 : memref<1x512x256xf32, #tpu.memory_space<vmem>>)
    } else {
    }
    %not3A_561 = arith.constant true
    %not3A_562 = arith.xori %eq3A_542, %not3A_561 : i1
    %and3A_563 = arith.andi %not3A_562, %eq3A_550 : i1
    %convert_element_type3A_564 = arith.extui %and3A_563 : i1 to i32
    %cond3A_565 = arith.constant 0 : i32
    %cond3A_566 = arith.cmpi ne, %convert_element_type3A_564, %cond3A_565 : i32
    scf.if %cond3A_566 {
      %add3A_627 = arith.constant 11 : i32
      %add3A_628 = arith.addi %mul3A_0, %add3A_627 : i32
      %dma_wait3A = arith.constant 0 : i32
      %dma_wait3A_629 = arith.constant 11 : i32
      %dma_wait3A_630 = tpu.memref_slice %arg8[%dma_wait3A, %dma_wait3A_629] : memref<2x16x!tpu.dma_semaphore, #tpu.memory_space<semaphore_mem>> -> memref<1x1x!tpu.dma_semaphore, #tpu.memory_space<semaphore_mem>>
      %dma_wait3A_631 = tpu.memref_squeeze %dma_wait3A_630 : memref<1x1x!tpu.dma_semaphore, #tpu.memory_space<semaphore_mem>> -> memref<!tpu.dma_semaphore, #tpu.memory_space<semaphore_mem>>
      %dma_wait3A_632 = arith.constant 11 : i32
      %dma_wait3A_633 = arith.constant 0 : i32
      %dma_wait3A_634 = arith.constant 0 : i32
      %dma_wait3A_635 = tpu.memref_slice %arg6[%dma_wait3A_632, %dma_wait3A_633, %dma_wait3A_634] : memref<16x512x256xf32, #tpu.memory_space<vmem>> -> memref<1x512x256xf32, #tpu.memory_space<vmem>>
      %dma_wait3A_636 = arith.constant 0 : i32
      %dma_wait3A_637 = arith.constant 0 : i32
      %dma_wait3A_638 = tpu.memref_slice %arg2[%add3A_628, %dma_wait3A_636, %dma_wait3A_637] : memref<512x512x256xf32, #tpu.memory_space<hbm>> -> memref<1x512x256xf32, #tpu.memory_space<hbm>>
      tpu.wait_dma2 semaphore(%dma_wait3A_631 : memref<!tpu.dma_semaphore, #tpu.memory_space<semaphore_mem>>) src(%dma_wait3A_638 : memref<1x512x256xf32, #tpu.memory_space<hbm>>) dst(%dma_wait3A_635 : memref<1x512x256xf32, #tpu.memory_space<vmem>>)
      %add3A_639 = arith.constant 11 : i32
      %add3A_640 = arith.addi %mul3A_0, %add3A_639 : i32
      %dma_wait3A_641 = arith.constant 1 : i32
      %dma_wait3A_642 = arith.constant 11 : i32
      %dma_wait3A_643 = tpu.memref_slice %arg8[%dma_wait3A_641, %dma_wait3A_642] : memref<2x16x!tpu.dma_semaphore, #tpu.memory_space<semaphore_mem>> -> memref<1x1x!tpu.dma_semaphore, #tpu.memory_space<semaphore_mem>>
      %dma_wait3A_644 = tpu.memref_squeeze %dma_wait3A_643 : memref<1x1x!tpu.dma_semaphore, #tpu.memory_space<semaphore_mem>> -> memref<!tpu.dma_semaphore, #tpu.memory_space<semaphore_mem>>
      %dma_wait3A_645 = arith.constant 11 : i32
      %dma_wait3A_646 = arith.constant 0 : i32
      %dma_wait3A_647 = arith.constant 0 : i32
      %dma_wait3A_648 = tpu.memref_slice %arg7[%dma_wait3A_645, %dma_wait3A_646, %dma_wait3A_647] : memref<16x512x256xf32, #tpu.memory_space<vmem>> -> memref<1x512x256xf32, #tpu.memory_space<vmem>>
      %dma_wait3A_649 = arith.constant 0 : i32
      %dma_wait3A_650 = arith.constant 0 : i32
      %dma_wait3A_651 = tpu.memref_slice %arg3[%add3A_640, %dma_wait3A_649, %dma_wait3A_650] : memref<512x512x256xf32, #tpu.memory_space<hbm>> -> memref<1x512x256xf32, #tpu.memory_space<hbm>>
      tpu.wait_dma2 semaphore(%dma_wait3A_644 : memref<!tpu.dma_semaphore, #tpu.memory_space<semaphore_mem>>) src(%dma_wait3A_651 : memref<1x512x256xf32, #tpu.memory_space<hbm>>) dst(%dma_wait3A_648 : memref<1x512x256xf32, #tpu.memory_space<vmem>>)
    } else {
    }
    %add3A_567 = arith.constant 12 : i32
    %add3A_568 = arith.addi %mul3A_0, %add3A_567 : i32
    %get3A_569 = arith.index_cast %add3A_568 : i32 to index
    %get3A_570 = memref.load %arg1[%get3A_569] : memref<512xi32, #tpu.memory_space<smem>>
    %eq3A_571 = arith.constant 0 : i32
    %eq3A_572 = arith.cmpi eq, %get3A_570, %eq3A_571 : i32
    %add3A_573 = arith.constant 12 : i32
    %add3A_574 = arith.addi %mul3A_0, %add3A_573 : i32
    %add3A_575 = arith.constant 1 : i32
    %add3A_576 = arith.addi %add3A_574, %add3A_575 : i32
    %get3A_577 = arith.index_cast %add3A_576 : i32 to index
    %get3A_578 = memref.load %arg1[%get3A_577] : memref<512xi32, #tpu.memory_space<smem>>
    %eq3A_579 = arith.constant 0 : i32
    %eq3A_580 = arith.cmpi eq, %get3A_578, %eq3A_579 : i32
    %and3A_581 = arith.andi %eq3A_572, %eq3A_580 : i1
    %convert_element_type3A_582 = arith.extui %and3A_581 : i1 to i32
    %cond3A_583 = arith.constant 0 : i32
    %cond3A_584 = arith.cmpi ne, %convert_element_type3A_582, %cond3A_583 : i32
    scf.if %cond3A_584 {
      %add3A_627 = arith.constant 12 : i32
      %add3A_628 = arith.addi %mul3A_0, %add3A_627 : i32
      %dma_wait3A = arith.constant 0 : i32
      %dma_wait3A_629 = arith.constant 12 : i32
      %dma_wait3A_630 = tpu.memref_slice %arg8[%dma_wait3A, %dma_wait3A_629] : memref<2x16x!tpu.dma_semaphore, #tpu.memory_space<semaphore_mem>> -> memref<1x1x!tpu.dma_semaphore, #tpu.memory_space<semaphore_mem>>
      %dma_wait3A_631 = tpu.memref_squeeze %dma_wait3A_630 : memref<1x1x!tpu.dma_semaphore, #tpu.memory_space<semaphore_mem>> -> memref<!tpu.dma_semaphore, #tpu.memory_space<semaphore_mem>>
      %dma_wait3A_632 = arith.constant 12 : i32
      %dma_wait3A_633 = arith.constant 0 : i32
      %dma_wait3A_634 = arith.constant 0 : i32
      %dma_wait3A_635 = tpu.memref_slice %arg6[%dma_wait3A_632, %dma_wait3A_633, %dma_wait3A_634] : memref<16x512x256xf32, #tpu.memory_space<vmem>> -> memref<2x512x256xf32, #tpu.memory_space<vmem>>
      %dma_wait3A_636 = arith.constant 0 : i32
      %dma_wait3A_637 = arith.constant 0 : i32
      %dma_wait3A_638 = tpu.memref_slice %arg2[%add3A_628, %dma_wait3A_636, %dma_wait3A_637] : memref<512x512x256xf32, #tpu.memory_space<hbm>> -> memref<2x512x256xf32, #tpu.memory_space<hbm>>
      tpu.wait_dma2 semaphore(%dma_wait3A_631 : memref<!tpu.dma_semaphore, #tpu.memory_space<semaphore_mem>>) src(%dma_wait3A_638 : memref<2x512x256xf32, #tpu.memory_space<hbm>>) dst(%dma_wait3A_635 : memref<2x512x256xf32, #tpu.memory_space<vmem>>)
      %add3A_639 = arith.constant 12 : i32
      %add3A_640 = arith.addi %mul3A_0, %add3A_639 : i32
      %dma_wait3A_641 = arith.constant 1 : i32
      %dma_wait3A_642 = arith.constant 12 : i32
      %dma_wait3A_643 = tpu.memref_slice %arg8[%dma_wait3A_641, %dma_wait3A_642] : memref<2x16x!tpu.dma_semaphore, #tpu.memory_space<semaphore_mem>> -> memref<1x1x!tpu.dma_semaphore, #tpu.memory_space<semaphore_mem>>
      %dma_wait3A_644 = tpu.memref_squeeze %dma_wait3A_643 : memref<1x1x!tpu.dma_semaphore, #tpu.memory_space<semaphore_mem>> -> memref<!tpu.dma_semaphore, #tpu.memory_space<semaphore_mem>>
      %dma_wait3A_645 = arith.constant 12 : i32
      %dma_wait3A_646 = arith.constant 0 : i32
      %dma_wait3A_647 = arith.constant 0 : i32
      %dma_wait3A_648 = tpu.memref_slice %arg7[%dma_wait3A_645, %dma_wait3A_646, %dma_wait3A_647] : memref<16x512x256xf32, #tpu.memory_space<vmem>> -> memref<2x512x256xf32, #tpu.memory_space<vmem>>
      %dma_wait3A_649 = arith.constant 0 : i32
      %dma_wait3A_650 = arith.constant 0 : i32
      %dma_wait3A_651 = tpu.memref_slice %arg3[%add3A_640, %dma_wait3A_649, %dma_wait3A_650] : memref<512x512x256xf32, #tpu.memory_space<hbm>> -> memref<2x512x256xf32, #tpu.memory_space<hbm>>
      tpu.wait_dma2 semaphore(%dma_wait3A_644 : memref<!tpu.dma_semaphore, #tpu.memory_space<semaphore_mem>>) src(%dma_wait3A_651 : memref<2x512x256xf32, #tpu.memory_space<hbm>>) dst(%dma_wait3A_648 : memref<2x512x256xf32, #tpu.memory_space<vmem>>)
    } else {
    }
    %not3A_585 = arith.constant true
    %not3A_586 = arith.xori %eq3A_580, %not3A_585 : i1
    %and3A_587 = arith.andi %eq3A_572, %not3A_586 : i1
    %convert_element_type3A_588 = arith.extui %and3A_587 : i1 to i32
    %cond3A_589 = arith.constant 0 : i32
    %cond3A_590 = arith.cmpi ne, %convert_element_type3A_588, %cond3A_589 : i32
    scf.if %cond3A_590 {
      %add3A_627 = arith.constant 12 : i32
      %add3A_628 = arith.addi %mul3A_0, %add3A_627 : i32
      %dma_wait3A = arith.constant 0 : i32
      %dma_wait3A_629 = arith.constant 12 : i32
      %dma_wait3A_630 = tpu.memref_slice %arg8[%dma_wait3A, %dma_wait3A_629] : memref<2x16x!tpu.dma_semaphore, #tpu.memory_space<semaphore_mem>> -> memref<1x1x!tpu.dma_semaphore, #tpu.memory_space<semaphore_mem>>
      %dma_wait3A_631 = tpu.memref_squeeze %dma_wait3A_630 : memref<1x1x!tpu.dma_semaphore, #tpu.memory_space<semaphore_mem>> -> memref<!tpu.dma_semaphore, #tpu.memory_space<semaphore_mem>>
      %dma_wait3A_632 = arith.constant 12 : i32
      %dma_wait3A_633 = arith.constant 0 : i32
      %dma_wait3A_634 = arith.constant 0 : i32
      %dma_wait3A_635 = tpu.memref_slice %arg6[%dma_wait3A_632, %dma_wait3A_633, %dma_wait3A_634] : memref<16x512x256xf32, #tpu.memory_space<vmem>> -> memref<1x512x256xf32, #tpu.memory_space<vmem>>
      %dma_wait3A_636 = arith.constant 0 : i32
      %dma_wait3A_637 = arith.constant 0 : i32
      %dma_wait3A_638 = tpu.memref_slice %arg2[%add3A_628, %dma_wait3A_636, %dma_wait3A_637] : memref<512x512x256xf32, #tpu.memory_space<hbm>> -> memref<1x512x256xf32, #tpu.memory_space<hbm>>
      tpu.wait_dma2 semaphore(%dma_wait3A_631 : memref<!tpu.dma_semaphore, #tpu.memory_space<semaphore_mem>>) src(%dma_wait3A_638 : memref<1x512x256xf32, #tpu.memory_space<hbm>>) dst(%dma_wait3A_635 : memref<1x512x256xf32, #tpu.memory_space<vmem>>)
      %add3A_639 = arith.constant 12 : i32
      %add3A_640 = arith.addi %mul3A_0, %add3A_639 : i32
      %dma_wait3A_641 = arith.constant 1 : i32
      %dma_wait3A_642 = arith.constant 12 : i32
      %dma_wait3A_643 = tpu.memref_slice %arg8[%dma_wait3A_641, %dma_wait3A_642] : memref<2x16x!tpu.dma_semaphore, #tpu.memory_space<semaphore_mem>> -> memref<1x1x!tpu.dma_semaphore, #tpu.memory_space<semaphore_mem>>
      %dma_wait3A_644 = tpu.memref_squeeze %dma_wait3A_643 : memref<1x1x!tpu.dma_semaphore, #tpu.memory_space<semaphore_mem>> -> memref<!tpu.dma_semaphore, #tpu.memory_space<semaphore_mem>>
      %dma_wait3A_645 = arith.constant 12 : i32
      %dma_wait3A_646 = arith.constant 0 : i32
      %dma_wait3A_647 = arith.constant 0 : i32
      %dma_wait3A_648 = tpu.memref_slice %arg7[%dma_wait3A_645, %dma_wait3A_646, %dma_wait3A_647] : memref<16x512x256xf32, #tpu.memory_space<vmem>> -> memref<1x512x256xf32, #tpu.memory_space<vmem>>
      %dma_wait3A_649 = arith.constant 0 : i32
      %dma_wait3A_650 = arith.constant 0 : i32
      %dma_wait3A_651 = tpu.memref_slice %arg3[%add3A_640, %dma_wait3A_649, %dma_wait3A_650] : memref<512x512x256xf32, #tpu.memory_space<hbm>> -> memref<1x512x256xf32, #tpu.memory_space<hbm>>
      tpu.wait_dma2 semaphore(%dma_wait3A_644 : memref<!tpu.dma_semaphore, #tpu.memory_space<semaphore_mem>>) src(%dma_wait3A_651 : memref<1x512x256xf32, #tpu.memory_space<hbm>>) dst(%dma_wait3A_648 : memref<1x512x256xf32, #tpu.memory_space<vmem>>)
    } else {
    }
    %not3A_591 = arith.constant true
    %not3A_592 = arith.xori %eq3A_572, %not3A_591 : i1
    %and3A_593 = arith.andi %not3A_592, %eq3A_580 : i1
    %convert_element_type3A_594 = arith.extui %and3A_593 : i1 to i32
    %cond3A_595 = arith.constant 0 : i32
    %cond3A_596 = arith.cmpi ne, %convert_element_type3A_594, %cond3A_595 : i32
    scf.if %cond3A_596 {
      %add3A_627 = arith.constant 13 : i32
      %add3A_628 = arith.addi %mul3A_0, %add3A_627 : i32
      %dma_wait3A = arith.constant 0 : i32
      %dma_wait3A_629 = arith.constant 13 : i32
      %dma_wait3A_630 = tpu.memref_slice %arg8[%dma_wait3A, %dma_wait3A_629] : memref<2x16x!tpu.dma_semaphore, #tpu.memory_space<semaphore_mem>> -> memref<1x1x!tpu.dma_semaphore, #tpu.memory_space<semaphore_mem>>
      %dma_wait3A_631 = tpu.memref_squeeze %dma_wait3A_630 : memref<1x1x!tpu.dma_semaphore, #tpu.memory_space<semaphore_mem>> -> memref<!tpu.dma_semaphore, #tpu.memory_space<semaphore_mem>>
      %dma_wait3A_632 = arith.constant 13 : i32
      %dma_wait3A_633 = arith.constant 0 : i32
      %dma_wait3A_634 = arith.constant 0 : i32
      %dma_wait3A_635 = tpu.memref_slice %arg6[%dma_wait3A_632, %dma_wait3A_633, %dma_wait3A_634] : memref<16x512x256xf32, #tpu.memory_space<vmem>> -> memref<1x512x256xf32, #tpu.memory_space<vmem>>
      %dma_wait3A_636 = arith.constant 0 : i32
      %dma_wait3A_637 = arith.constant 0 : i32
      %dma_wait3A_638 = tpu.memref_slice %arg2[%add3A_628, %dma_wait3A_636, %dma_wait3A_637] : memref<512x512x256xf32, #tpu.memory_space<hbm>> -> memref<1x512x256xf32, #tpu.memory_space<hbm>>
      tpu.wait_dma2 semaphore(%dma_wait3A_631 : memref<!tpu.dma_semaphore, #tpu.memory_space<semaphore_mem>>) src(%dma_wait3A_638 : memref<1x512x256xf32, #tpu.memory_space<hbm>>) dst(%dma_wait3A_635 : memref<1x512x256xf32, #tpu.memory_space<vmem>>)
      %add3A_639 = arith.constant 13 : i32
      %add3A_640 = arith.addi %mul3A_0, %add3A_639 : i32
      %dma_wait3A_641 = arith.constant 1 : i32
      %dma_wait3A_642 = arith.constant 13 : i32
      %dma_wait3A_643 = tpu.memref_slice %arg8[%dma_wait3A_641, %dma_wait3A_642] : memref<2x16x!tpu.dma_semaphore, #tpu.memory_space<semaphore_mem>> -> memref<1x1x!tpu.dma_semaphore, #tpu.memory_space<semaphore_mem>>
      %dma_wait3A_644 = tpu.memref_squeeze %dma_wait3A_643 : memref<1x1x!tpu.dma_semaphore, #tpu.memory_space<semaphore_mem>> -> memref<!tpu.dma_semaphore, #tpu.memory_space<semaphore_mem>>
      %dma_wait3A_645 = arith.constant 13 : i32
      %dma_wait3A_646 = arith.constant 0 : i32
      %dma_wait3A_647 = arith.constant 0 : i32
      %dma_wait3A_648 = tpu.memref_slice %arg7[%dma_wait3A_645, %dma_wait3A_646, %dma_wait3A_647] : memref<16x512x256xf32, #tpu.memory_space<vmem>> -> memref<1x512x256xf32, #tpu.memory_space<vmem>>
      %dma_wait3A_649 = arith.constant 0 : i32
      %dma_wait3A_650 = arith.constant 0 : i32
      %dma_wait3A_651 = tpu.memref_slice %arg3[%add3A_640, %dma_wait3A_649, %dma_wait3A_650] : memref<512x512x256xf32, #tpu.memory_space<hbm>> -> memref<1x512x256xf32, #tpu.memory_space<hbm>>
      tpu.wait_dma2 semaphore(%dma_wait3A_644 : memref<!tpu.dma_semaphore, #tpu.memory_space<semaphore_mem>>) src(%dma_wait3A_651 : memref<1x512x256xf32, #tpu.memory_space<hbm>>) dst(%dma_wait3A_648 : memref<1x512x256xf32, #tpu.memory_space<vmem>>)
    } else {
    }
    %add3A_597 = arith.constant 14 : i32
    %add3A_598 = arith.addi %mul3A_0, %add3A_597 : i32
    %get3A_599 = arith.index_cast %add3A_598 : i32 to index
    %get3A_600 = memref.load %arg1[%get3A_599] : memref<512xi32, #tpu.memory_space<smem>>
    %eq3A_601 = arith.constant 0 : i32
    %eq3A_602 = arith.cmpi eq, %get3A_600, %eq3A_601 : i32
    %add3A_603 = arith.constant 14 : i32
    %add3A_604 = arith.addi %mul3A_0, %add3A_603 : i32
    %add3A_605 = arith.constant 1 : i32
    %add3A_606 = arith.addi %add3A_604, %add3A_605 : i32
    %get3A_607 = arith.index_cast %add3A_606 : i32 to index
    %get3A_608 = memref.load %arg1[%get3A_607] : memref<512xi32, #tpu.memory_space<smem>>
    %eq3A_609 = arith.constant 0 : i32
    %eq3A_610 = arith.cmpi eq, %get3A_608, %eq3A_609 : i32
    %and3A_611 = arith.andi %eq3A_602, %eq3A_610 : i1
    %convert_element_type3A_612 = arith.extui %and3A_611 : i1 to i32
    %cond3A_613 = arith.constant 0 : i32
    %cond3A_614 = arith.cmpi ne, %convert_element_type3A_612, %cond3A_613 : i32
    scf.if %cond3A_614 {
      %add3A_627 = arith.constant 14 : i32
      %add3A_628 = arith.addi %mul3A_0, %add3A_627 : i32
      %dma_wait3A = arith.constant 0 : i32
      %dma_wait3A_629 = arith.constant 14 : i32
      %dma_wait3A_630 = tpu.memref_slice %arg8[%dma_wait3A, %dma_wait3A_629] : memref<2x16x!tpu.dma_semaphore, #tpu.memory_space<semaphore_mem>> -> memref<1x1x!tpu.dma_semaphore, #tpu.memory_space<semaphore_mem>>
      %dma_wait3A_631 = tpu.memref_squeeze %dma_wait3A_630 : memref<1x1x!tpu.dma_semaphore, #tpu.memory_space<semaphore_mem>> -> memref<!tpu.dma_semaphore, #tpu.memory_space<semaphore_mem>>
      %dma_wait3A_632 = arith.constant 14 : i32
      %dma_wait3A_633 = arith.constant 0 : i32
      %dma_wait3A_634 = arith.constant 0 : i32
      %dma_wait3A_635 = tpu.memref_slice %arg6[%dma_wait3A_632, %dma_wait3A_633, %dma_wait3A_634] : memref<16x512x256xf32, #tpu.memory_space<vmem>> -> memref<2x512x256xf32, #tpu.memory_space<vmem>>
      %dma_wait3A_636 = arith.constant 0 : i32
      %dma_wait3A_637 = arith.constant 0 : i32
      %dma_wait3A_638 = tpu.memref_slice %arg2[%add3A_628, %dma_wait3A_636, %dma_wait3A_637] : memref<512x512x256xf32, #tpu.memory_space<hbm>> -> memref<2x512x256xf32, #tpu.memory_space<hbm>>
      tpu.wait_dma2 semaphore(%dma_wait3A_631 : memref<!tpu.dma_semaphore, #tpu.memory_space<semaphore_mem>>) src(%dma_wait3A_638 : memref<2x512x256xf32, #tpu.memory_space<hbm>>) dst(%dma_wait3A_635 : memref<2x512x256xf32, #tpu.memory_space<vmem>>)
      %add3A_639 = arith.constant 14 : i32
      %add3A_640 = arith.addi %mul3A_0, %add3A_639 : i32
      %dma_wait3A_641 = arith.constant 1 : i32
      %dma_wait3A_642 = arith.constant 14 : i32
      %dma_wait3A_643 = tpu.memref_slice %arg8[%dma_wait3A_641, %dma_wait3A_642] : memref<2x16x!tpu.dma_semaphore, #tpu.memory_space<semaphore_mem>> -> memref<1x1x!tpu.dma_semaphore, #tpu.memory_space<semaphore_mem>>
      %dma_wait3A_644 = tpu.memref_squeeze %dma_wait3A_643 : memref<1x1x!tpu.dma_semaphore, #tpu.memory_space<semaphore_mem>> -> memref<!tpu.dma_semaphore, #tpu.memory_space<semaphore_mem>>
      %dma_wait3A_645 = arith.constant 14 : i32
      %dma_wait3A_646 = arith.constant 0 : i32
      %dma_wait3A_647 = arith.constant 0 : i32
      %dma_wait3A_648 = tpu.memref_slice %arg7[%dma_wait3A_645, %dma_wait3A_646, %dma_wait3A_647] : memref<16x512x256xf32, #tpu.memory_space<vmem>> -> memref<2x512x256xf32, #tpu.memory_space<vmem>>
      %dma_wait3A_649 = arith.constant 0 : i32
      %dma_wait3A_650 = arith.constant 0 : i32
      %dma_wait3A_651 = tpu.memref_slice %arg3[%add3A_640, %dma_wait3A_649, %dma_wait3A_650] : memref<512x512x256xf32, #tpu.memory_space<hbm>> -> memref<2x512x256xf32, #tpu.memory_space<hbm>>
      tpu.wait_dma2 semaphore(%dma_wait3A_644 : memref<!tpu.dma_semaphore, #tpu.memory_space<semaphore_mem>>) src(%dma_wait3A_651 : memref<2x512x256xf32, #tpu.memory_space<hbm>>) dst(%dma_wait3A_648 : memref<2x512x256xf32, #tpu.memory_space<vmem>>)
    } else {
    }
    %not3A_615 = arith.constant true
    %not3A_616 = arith.xori %eq3A_610, %not3A_615 : i1
    %and3A_617 = arith.andi %eq3A_602, %not3A_616 : i1
    %convert_element_type3A_618 = arith.extui %and3A_617 : i1 to i32
    %cond3A_619 = arith.constant 0 : i32
    %cond3A_620 = arith.cmpi ne, %convert_element_type3A_618, %cond3A_619 : i32
    scf.if %cond3A_620 {
      %add3A_627 = arith.constant 14 : i32
      %add3A_628 = arith.addi %mul3A_0, %add3A_627 : i32
      %dma_wait3A = arith.constant 0 : i32
      %dma_wait3A_629 = arith.constant 14 : i32
      %dma_wait3A_630 = tpu.memref_slice %arg8[%dma_wait3A, %dma_wait3A_629] : memref<2x16x!tpu.dma_semaphore, #tpu.memory_space<semaphore_mem>> -> memref<1x1x!tpu.dma_semaphore, #tpu.memory_space<semaphore_mem>>
      %dma_wait3A_631 = tpu.memref_squeeze %dma_wait3A_630 : memref<1x1x!tpu.dma_semaphore, #tpu.memory_space<semaphore_mem>> -> memref<!tpu.dma_semaphore, #tpu.memory_space<semaphore_mem>>
      %dma_wait3A_632 = arith.constant 14 : i32
      %dma_wait3A_633 = arith.constant 0 : i32
      %dma_wait3A_634 = arith.constant 0 : i32
      %dma_wait3A_635 = tpu.memref_slice %arg6[%dma_wait3A_632, %dma_wait3A_633, %dma_wait3A_634] : memref<16x512x256xf32, #tpu.memory_space<vmem>> -> memref<1x512x256xf32, #tpu.memory_space<vmem>>
      %dma_wait3A_636 = arith.constant 0 : i32
      %dma_wait3A_637 = arith.constant 0 : i32
      %dma_wait3A_638 = tpu.memref_slice %arg2[%add3A_628, %dma_wait3A_636, %dma_wait3A_637] : memref<512x512x256xf32, #tpu.memory_space<hbm>> -> memref<1x512x256xf32, #tpu.memory_space<hbm>>
      tpu.wait_dma2 semaphore(%dma_wait3A_631 : memref<!tpu.dma_semaphore, #tpu.memory_space<semaphore_mem>>) src(%dma_wait3A_638 : memref<1x512x256xf32, #tpu.memory_space<hbm>>) dst(%dma_wait3A_635 : memref<1x512x256xf32, #tpu.memory_space<vmem>>)
      %add3A_639 = arith.constant 14 : i32
      %add3A_640 = arith.addi %mul3A_0, %add3A_639 : i32
      %dma_wait3A_641 = arith.constant 1 : i32
      %dma_wait3A_642 = arith.constant 14 : i32
      %dma_wait3A_643 = tpu.memref_slice %arg8[%dma_wait3A_641, %dma_wait3A_642] : memref<2x16x!tpu.dma_semaphore, #tpu.memory_space<semaphore_mem>> -> memref<1x1x!tpu.dma_semaphore, #tpu.memory_space<semaphore_mem>>
      %dma_wait3A_644 = tpu.memref_squeeze %dma_wait3A_643 : memref<1x1x!tpu.dma_semaphore, #tpu.memory_space<semaphore_mem>> -> memref<!tpu.dma_semaphore, #tpu.memory_space<semaphore_mem>>
      %dma_wait3A_645 = arith.constant 14 : i32
      %dma_wait3A_646 = arith.constant 0 : i32
      %dma_wait3A_647 = arith.constant 0 : i32
      %dma_wait3A_648 = tpu.memref_slice %arg7[%dma_wait3A_645, %dma_wait3A_646, %dma_wait3A_647] : memref<16x512x256xf32, #tpu.memory_space<vmem>> -> memref<1x512x256xf32, #tpu.memory_space<vmem>>
      %dma_wait3A_649 = arith.constant 0 : i32
      %dma_wait3A_650 = arith.constant 0 : i32
      %dma_wait3A_651 = tpu.memref_slice %arg3[%add3A_640, %dma_wait3A_649, %dma_wait3A_650] : memref<512x512x256xf32, #tpu.memory_space<hbm>> -> memref<1x512x256xf32, #tpu.memory_space<hbm>>
      tpu.wait_dma2 semaphore(%dma_wait3A_644 : memref<!tpu.dma_semaphore, #tpu.memory_space<semaphore_mem>>) src(%dma_wait3A_651 : memref<1x512x256xf32, #tpu.memory_space<hbm>>) dst(%dma_wait3A_648 : memref<1x512x256xf32, #tpu.memory_space<vmem>>)
    } else {
    }
    %not3A_621 = arith.constant true
    %not3A_622 = arith.xori %eq3A_602, %not3A_621 : i1
    %and3A_623 = arith.andi %not3A_622, %eq3A_610 : i1
    %convert_element_type3A_624 = arith.extui %and3A_623 : i1 to i32
    %cond3A_625 = arith.constant 0 : i32
    %cond3A_626 = arith.cmpi ne, %convert_element_type3A_624, %cond3A_625 : i32
    scf.if %cond3A_626 {
      %add3A_627 = arith.constant 15 : i32
      %add3A_628 = arith.addi %mul3A_0, %add3A_627 : i32
      %dma_wait3A = arith.constant 0 : i32
      %dma_wait3A_629 = arith.constant 15 : i32
      %dma_wait3A_630 = tpu.memref_slice %arg8[%dma_wait3A, %dma_wait3A_629] : memref<2x16x!tpu.dma_semaphore, #tpu.memory_space<semaphore_mem>> -> memref<1x1x!tpu.dma_semaphore, #tpu.memory_space<semaphore_mem>>
      %dma_wait3A_631 = tpu.memref_squeeze %dma_wait3A_630 : memref<1x1x!tpu.dma_semaphore, #tpu.memory_space<semaphore_mem>> -> memref<!tpu.dma_semaphore, #tpu.memory_space<semaphore_mem>>
      %dma_wait3A_632 = arith.constant 15 : i32
      %dma_wait3A_633 = arith.constant 0 : i32
      %dma_wait3A_634 = arith.constant 0 : i32
      %dma_wait3A_635 = tpu.memref_slice %arg6[%dma_wait3A_632, %dma_wait3A_633, %dma_wait3A_634] : memref<16x512x256xf32, #tpu.memory_space<vmem>> -> memref<1x512x256xf32, #tpu.memory_space<vmem>>
      %dma_wait3A_636 = arith.constant 0 : i32
      %dma_wait3A_637 = arith.constant 0 : i32
      %dma_wait3A_638 = tpu.memref_slice %arg2[%add3A_628, %dma_wait3A_636, %dma_wait3A_637] : memref<512x512x256xf32, #tpu.memory_space<hbm>> -> memref<1x512x256xf32, #tpu.memory_space<hbm>>
      tpu.wait_dma2 semaphore(%dma_wait3A_631 : memref<!tpu.dma_semaphore, #tpu.memory_space<semaphore_mem>>) src(%dma_wait3A_638 : memref<1x512x256xf32, #tpu.memory_space<hbm>>) dst(%dma_wait3A_635 : memref<1x512x256xf32, #tpu.memory_space<vmem>>)
      %add3A_639 = arith.constant 15 : i32
      %add3A_640 = arith.addi %mul3A_0, %add3A_639 : i32
      %dma_wait3A_641 = arith.constant 1 : i32
      %dma_wait3A_642 = arith.constant 15 : i32
      %dma_wait3A_643 = tpu.memref_slice %arg8[%dma_wait3A_641, %dma_wait3A_642] : memref<2x16x!tpu.dma_semaphore, #tpu.memory_space<semaphore_mem>> -> memref<1x1x!tpu.dma_semaphore, #tpu.memory_space<semaphore_mem>>
      %dma_wait3A_644 = tpu.memref_squeeze %dma_wait3A_643 : memref<1x1x!tpu.dma_semaphore, #tpu.memory_space<semaphore_mem>> -> memref<!tpu.dma_semaphore, #tpu.memory_space<semaphore_mem>>
      %dma_wait3A_645 = arith.constant 15 : i32
      %dma_wait3A_646 = arith.constant 0 : i32
      %dma_wait3A_647 = arith.constant 0 : i32
      %dma_wait3A_648 = tpu.memref_slice %arg7[%dma_wait3A_645, %dma_wait3A_646, %dma_wait3A_647] : memref<16x512x256xf32, #tpu.memory_space<vmem>> -> memref<1x512x256xf32, #tpu.memory_space<vmem>>
      %dma_wait3A_649 = arith.constant 0 : i32
      %dma_wait3A_650 = arith.constant 0 : i32
      %dma_wait3A_651 = tpu.memref_slice %arg3[%add3A_640, %dma_wait3A_649, %dma_wait3A_650] : memref<512x512x256xf32, #tpu.memory_space<hbm>> -> memref<1x512x256xf32, #tpu.memory_space<hbm>>
      tpu.wait_dma2 semaphore(%dma_wait3A_644 : memref<!tpu.dma_semaphore, #tpu.memory_space<semaphore_mem>>) src(%dma_wait3A_651 : memref<1x512x256xf32, #tpu.memory_space<hbm>>) dst(%dma_wait3A_648 : memref<1x512x256xf32, #tpu.memory_space<vmem>>)
    } else {
    }
    return
  }
  func.func @transform_2(%arg0: i32, %arg1: memref<512xi32, #tpu.memory_space<smem>>) -> (i32, i32) {
    %c0_i32 = arith.constant 0 : i32
    %c0_i32_0 = arith.constant 0 : i32
    %c0_i32_1 = arith.constant 0 : i32
    return %c0_i32, %c0_i32_0 : i32, i32
  }
  func.func @transform_3(%arg0: i32, %arg1: memref<512xi32, #tpu.memory_space<smem>>) -> (i32, i32) {
    %c0_i32 = arith.constant 0 : i32
    %c0_i32_0 = arith.constant 0 : i32
    %c0_i32_1 = arith.constant 0 : i32
    return %c0_i32, %c0_i32_0 : i32, i32
  }
  func.func @transform_4(%arg0: i32, %arg1: memref<512xi32, #tpu.memory_space<smem>>) -> (i32, i32, i32) {
    %c0_i32 = arith.constant 0 : i32
    %c0_i32_0 = arith.constant 0 : i32
    %c0_i32_1 = arith.constant 0 : i32
    return %arg0, %c0_i32, %c0_i32_0 : i32, i32, i32
  }
  func.func @transform_5(%arg0: i32, %arg1: memref<512xi32, #tpu.memory_space<smem>>) -> (i32, i32, i32) {
    %c0_i32 = arith.constant 0 : i32
    %c0_i32_0 = arith.constant 0 : i32
    %c0_i32_1 = arith.constant 0 : i32
    return %arg0, %c0_i32, %c0_i32_0 : i32, i32, i32
  }
}

</mosaic_0001>

<sc_bundles>
// kernel: kernel.4.cloned.1.call-start
scs
__scs_entry_jumppad:
0x0: {  	(pc) =	sbr.rel $0x88, $3  }
0x1: {  	(tag) =	ssettag $0x0;
	lr =	simm.s32 $0x1  }
0x2: {  	[smem:$0x3F9B] =	sst lr;
	_ =	strace $0xD0000000  }
0x3: {  	_ = 	snop  }
0x4: {  	_ = 	snop  }
0x5: {  	_ = 	snop  }
0x6: {  	_ = 	snop  }
0x7: {  	_ = 	snop  }
__scs_overlays_trampoline_lowered:
0x8: {  	[smem:$0x3FAA] =	sst s0  }
0x9: {  	[smem:$0x3FAB] =	sst s1  }
0xa: {  	[smem:$0x3FAC] =	sst s2  }
0xb: {  	[smem:$0x3FAD] =	sst s3  }
0xc: {  	[smem:$0x3FAE] =	sst s4  }
0xd: {  	[smem:$0x3FAF] =	sst s5  }
0xe: {  	[smem:$0x3FB0] =	sst s6  }
0xf: {  	[smem:$0x3FB1] =	sst s7  }
0x10: {  	[smem:$0x3FB2] =	sst s8  }
0x11: {  	[smem:$0x3FB3] =	sst s9;
	s0 =	simm.s32 @!p0 $0x0  }
0x12: {  	s1 =	sld [smem:$0x3F99];
	s0 =	simm.s32 @p0 $0x1  }
0x13: {  	[smem:$0x3FB4] =	sst s0;
	s0 =	simm.s32 @!p1 $0x0  }
0x14: {  	s2 =	sld [smem:$0x3F98];
	s0 =	simm.s32 @p1 $0x1  }
0x15: {  	[smem:$0x3FB5] =	sst s0;
	s0 =	simm.s32 @!p2 $0x0  }
0x16: {  	s3 =	sld [smem:$0x3FDB];
	s0 =	simm.s32 @p2 $0x1  }
0x17: {  	s4 =	simm.s32 $0x1BF5;
	[smem:$0x3FB7] =	sst s0  }
0x18: {  	s0 =	sld [smem:$0x3F9A];
	_ =	swait.ge [sflag:s4], $0x0  }
0x19: {  	s7 =	sld [smem:$0x3F9B]  }
0x1a: {  	s8 =	sadd.s32 $0xFFFFE003, lr  }
0x1b: {  	s9 =	sadd.s32 $0xFFFFFEF7, lr;
	s5 =	simm.s32 $0xFFFFFFFF;
	p2 =	slt.u32 s8, $0xFFFFF086  }
0x1c: {  	p1 =	slt.u32 s9, $0xF7A;
	s5 =	simm.s32 @!p2 $0x0  }
0x1d: {  	s5 =	simm.s32 @p1 $0x1;
	p0 =	seq.s32 s7, s2  }
0x1e: {  	s7 =	smul.u32 @!p0 $0xF7A, s2;
	p2 =	seq.s32 @!p0 s5, $0x0  }
0x1f: {  	s9 =	smul.u32 $0xF7A, s1;
	s8 =	simm.s32 @!p0 $0x1BF5;
	p2 =	por !p2, p0  }
0x20: {  	[sflag:s8] =	ssyncset.s32 @!p0 $0xFFFFF086;
	s6 =	sadd.s32 @!p0 s3, s7;
	s7 =	simm.s32 @!p0 $0x108  }
0x21: {  	s3 =	sadd.s32 s3, s9;
	s6 =	sadd.s32 @!p0 $0x88, s6;
	s7 =	simm.s32 @p2 $0x1082  }
0x22: {  	[simem:s7], [sflag:s8] =	dma.local @!p0 [hbm:s6], $0xF7A  }
0x23: {  	s9 =	sor.u32 $0xD0000000, s2;
	s6 =	simm.s32 $0x108;
	_ =	swait.ge @!p0 [sflag:s8], $0x0  }
0x24: {  	s3 =	sadd.s32 $0x88, s3;
	s6 =	simm.s32 @!p1 $0x1082;
	[sflag:s4] =	ssyncset.s32 $0xFFFFF086  }
0x25: {  	[simem:s6], [sflag:s4] =	dma.local [hbm:s3], $0xF7A  }
0x26: {  	[smem:$0x3F9B] =	sst s1;
	(tag) =	ssettag s2;
	_ =	strace s9  }
0x27: {  	s1 =	sld [smem:$0x3FAB]  }
0x28: {  	s2 =	sld [smem:$0x3FAC]  }
0x29: {  	s4 =	sld [smem:$0x3FAE]  }
0x2a: {  	p0 =	seq.s32 s5, $0x0;
	s5 =	sld [smem:$0x3FAF]  }
0x2b: {  	s6 =	sld [smem:$0x3FB0]  }
0x2c: {  	s7 =	sld [smem:$0x3FB1]  }
0x2d: {  	s3 =	simm.s32 $0x108;
	s8 =	sld [smem:$0x3FB2]  }
0x2e: {  	s3 =	simm.s32 @!p0 $0x1082;
	s9 =	sld [smem:$0x3FB3]  }
0x2f: {  	lr =	sadd.s32 s0, s3;
	s0 =	sld [smem:$0x3FAA]  }
0x30: {  	s3 =	sld [smem:$0x3FAD]  }
0x31: {  	[smem:$0x3FB6] =	sst s10  }
0x32: {  	s10 =	sld [smem:$0x3FB4];
	_ =	sdelay $0x3  }
0x33: {  	p0 =	seq.s32 s10, $0x1;
	s10 =	sld [smem:$0x3FB6];
	_ =	sdelay $0x3  }
0x34: {  	[smem:$0x3FB6] =	sst s10  }
0x35: {  	s10 =	sld [smem:$0x3FB5];
	_ =	sdelay $0x3  }
0x36: {  	p1 =	seq.s32 s10, $0x1;
	s10 =	sld [smem:$0x3FB6];
	_ =	sdelay $0x3  }
0x37: {  	[smem:$0x3FB6] =	sst s10  }
0x38: {  	s10 =	sld [smem:$0x3FB7]  }
0x39: {  	_ = 	snop;
	(pc) =	sbr.ind lr, $3  }
0x3a: {  	_ = 	snop  }
0x3b: {  	_ = 	snop  }
0x3c: {  	p2 =	seq.s32 s10, $0x1;
	s10 =	sld [smem:$0x3FB6]  }
0x3d: {  	_ =	shalt  }
0x3e: {  	_ =	shalt  }
0x3f: {  	_ =	shalt  }
0x40: {  	_ =	shalt  }
0x41: {  	_ =	shalt  }
0x42: {  	_ =	shalt  }
0x43: {  	_ =	shalt  }
0x44: {  	_ =	shalt  }
0x45: {  	_ =	shalt  }
0x46: {  	_ =	shalt  }
0x47: {  	_ =	shalt  }
0x48: {  	_ =	shalt  }
0x49: {  	_ =	shalt  }
0x4a: {  	_ =	shalt  }
0x4b: {  	_ =	shalt  }
0x4c: {  	_ =	shalt  }
0x4d: {  	_ =	shalt  }
0x4e: {  	_ =	shalt  }
0x4f: {  	_ =	shalt  }
0x50: {  	_ =	shalt  }
0x51: {  	_ =	shalt  }
0x52: {  	_ =	shalt  }
0x53: {  	_ =	shalt  }
0x54: {  	_ =	shalt  }
0x55: {  	_ =	shalt  }
0x56: {  	_ =	shalt  }
0x57: {  	_ =	shalt  }
0x58: {  	_ =	shalt  }
0x59: {  	_ =	shalt  }
0x5a: {  	_ =	shalt  }
0x5b: {  	_ =	shalt  }
0x5c: {  	_ =	shalt  }
0x5d: {  	_ =	shalt  }
0x5e: {  	_ =	shalt  }
0x5f: {  	_ =	shalt  }
0x60: {  	_ =	shalt  }
0x61: {  	_ =	shalt  }
0x62: {  	_ =	shalt  }
0x63: {  	_ =	shalt  }
0x64: {  	_ =	shalt  }
0x65: {  	_ =	shalt  }
0x66: {  	_ =	shalt  }
0x67: {  	_ =	shalt  }
0x68: {  	_ =	shalt  }
0x69: {  	_ =	shalt  }
0x6a: {  	_ =	shalt  }
0x6b: {  	_ =	shalt  }
0x6c: {  	_ =	shalt  }
0x6d: {  	_ =	shalt  }
0x6e: {  	_ =	shalt  }
0x6f: {  	_ =	shalt  }
0x70: {  	_ =	shalt  }
0x71: {  	_ =	shalt  }
0x72: {  	_ =	shalt  }
0x73: {  	_ =	shalt  }
0x74: {  	_ =	shalt  }
0x75: {  	_ =	shalt  }
0x76: {  	_ =	shalt  }
0x77: {  	_ =	shalt  }
0x78: {  	_ =	shalt  }
0x79: {  	_ =	shalt  }
0x7a: {  	_ =	shalt  }
0x7b: {  	_ =	shalt  }
0x7c: {  	_ =	shalt  }
0x7d: {  	_ =	shalt  }
0x7e: {  	_ =	shalt  }
0x7f: {  	_ =	shalt  }
0x80: {  	_ =	shalt  }
0x81: {  	_ =	shalt  }
0x82: {  	_ =	shalt  }
0x83: {  	_ =	shalt  }
0x84: {  	_ =	shalt  }
0x85: {  	_ =	shalt  }
0x86: {  	_ =	shalt  }
0x87: {  	_ =	shalt  }
.Lfunc_end0:
.L_simem_size_0:
called_computation_lowered:
.L_overlay_start_0:
0x88: {  	s2 =	sld [smem:$0x3FD9]  }
0x89: {  	s3 =	sld [smem:$0x3FFE];
	_ =	sdelay $0x1  }
0x8a: {  	s1 =	srdreg.scid  }
0x8b: {  	s0 =	sand.u32 $0x1, s1  }
0x8c: {  	s14 =	sshll.u32 s0, $0xA;
	s2 =	sadd.s32 s3, s2  }
0x8d: {  	s2 =	sadd.s32 s2, s14  }
0x8e: {  	[smem:$0x3FC2] =	sst s2  }
0x8f: {  	_ = 	snop  }
0x90: {  	s2 =	sld [smem:$0x3FD0];
	_ =	sdelay $0x2  }
0x91: {  	s4 =	simm.s32 $0xA;
	s5 =	simm.s32 $0x10;
	s15 =	sld [smem:$0x3FC7]  }
0x92: {  	[smem:s5], [sflag:s4] =	dma.local [hbm:s2], $0x1  }
0x93: {  	_ =	swait.eq [sflag:s4], $0x1  }
0x94: {  	[sflag:s4] =	ssyncset.done $0x0  }
0x95: {  	[sflag:s4] =	ssyncadd.s32 $0xFFFFFFFF  }
0x96: {  	s16 =	sld [smem:$0x12];
	(tm) =	ssettm $0x1  }
0x97: {  	s17 =	sld [smem:$0x3FFB];
	_ =	sdelay $0x3  }
0x98: {  	_ =	strace s17  }
0x99: {  	s4 =	sld [smem:$0x3FFC];
	_ =	sdelay $0x3  }
0x9a: {  	_ =	strace s4  }
0x9b: {  	s4 =	sld [smem:$0x3FFD];
	_ =	sdelay $0x3  }
0x9c: {  	_ =	strace s4  }
0x9d: {  	_ =	strace $0x8FFFFFFF  }
0x9e: {  	s18 =	sld [smem:$0x3FDB];
	_ =	sdelay $0x1  }
0x9f: {  	s19 =	simm.s32 $_scs_section_size  }
0xa0: {  	s6 =	simm.s32 $_size__tile_overlayer_lowered;
	s7 =	simm.s32 $_tile_overlayer_lowered  }
0xa1: {  	s22 =	simm.s32 $0x1BFF;
	s21 =	sshll.u32 s7, $0x1;
	s4 =	sadd.s32 s19, s18  }
0xa2: {  	s8 =	simm.s32 $0x0;
	s20 =	sshll.u32 s6, $0x1;
	s6 =	sadd.s32 s21, s4  }
0xa3: {  	[timem:s8], [sflag:s22] =	dma.local [hbm:s6], s20  }
0xa4: {  	_ =	swait.ge [sflag:s22], s20  }
0xa5: {  	s5 =	ssub.s32 $0x0, s20;
	[sflag:s22] =	ssyncset.done $0x0  }
0xa6: {  	[sflag:s22] =	ssyncadd.s32 s5;
	_ =	sdelay $0x1  }
0xa7: {  	s23 =	simm.s32 $0x1B8B  }
0xa8: {  	_ =	swait.ge [sflag:s23], $0x1  }
0xa9: {  	[sflag:s23] =	ssyncset.done $0x0  }
0xaa: {  	s25 =	simm.s32 $0x1B8E;
	s24 =	sld [smem:$0x3FFE];
	[sflag:s23] =	ssyncadd.s32 $0xFFFFFFFF  }
0xab: {  	s26 =	simm.s32 $execute0_lowered;
	[smem:$0x3FD2] =	sst s25  }
0xac: {  	s6 =	sshll.u32 s26, $0x1;
	_ =	strace $0x80000046;
	[dreg:$0x1] =	wrdreg $0xFFFFFFFF  }
0xad: {  	s28 =	simm.s32 $_size_execute0_lowered;
	s4 =	sadd.s32 s4, s6;
	[dreg:$0x0] =	wrdreg $0x0  }
0xae: {  	s6 =	sshll.u32 s28, $0x1;
	[dreg:$0x2] =	wrdreg s4  }
0xaf: {  	[dreg:$0x3] =	wrdreg s6  }
0xb0: {  	[dreg:$0x4] =	wrdreg $0xC0  }
0xb1: {  	_ =	task [dreg:s8], $0x5FFFF  }
0xb2: {  	[dreg:$0x1] =	wrdreg $0xFFFFFFFF  }
0xb3: {  	[dreg:$0x0] =	wrdreg $0x60  }
0xb4: {  	[dreg:$0x2] =	wrdreg s15  }
0xb5: {  	[dreg:$0x3] =	wrdreg s24  }
0xb6: {  	[dreg:$0x4] =	wrdreg s16  }
0xb7: {  	[dreg:$0x5] =	wrdreg $0x9  }
0xb8: {  	_ =	task.clear_ibuf [dreg:s8], $0x6FFFF;
	_ =	strace $0x90000046  }
0xb9: {  	s29 =	simm.s32 $0x9;
	_ =	strace $0x80000048  }
0xba: {  	_ =	swait.ge [sflag:s29], $0x1  }
0xbb: {  	[sflag:s29] =	ssyncadd.s32 $0xFFFFFFFF  }
0xbc: {  	_ =	strace $0x90000048  }
0xbd: {  	_ =	sfence  }
0xbe: {  	s30 =	sld [smem:$0x0];
	_ =	sdelay $0x2  }
0xbf: {  	s31 =	sshll.u32 s1, $0xD;
	s1 =	sshrl.u32 s1, $0x2  }
0xc0: {  	s3 =	sand.u32 $0x4000, s31;
	s1 =	sadd.s32 s1, s30  }
0xc1: {  	s0 =	sor.u32 s3, s0;
	s1 =	sshll.u32 s1, $0x11  }
0xc2: {  	s0 =	sor.u32 s1, s0  }
0xc3: {  	s0 =	sadd.s32 $0x8F2B, s0  }
0xc4: {  	[sflag:s0] =	ssyncadd.remote.s32 $0x1  }
0xc5: {  	_ =	sfence.sel $0xFFFF  }
0xc6: {  	[dreg:$0x0] =	wrdreg $0xFFFFFFFF;
	(pc) =	sbr.abs _section_cstart, $3  }
0xc7: {  	[dreg:$0x1] =	wrdreg $0xFFFFFFFF  }
0xc8: {  	_ =	task.clear_ibuf [dreg:s8], $0x2FFFF;
	_ =	strace $0x9FFFFFFF  }
0xc9: {  	(tm) =	ssettm $0x7FFFFFFF  }
tec
execute0_lowered:
.L_overlay_start_1:
0x0: {  	(tag) =	ssettag $0x1  }
0x1: {  	s3 =	rddreg [dreg:$0x0]  }
0x2: {  	s5 =	rddreg [dreg:$0x1]  }
0x3: {  	s7 =	rddreg [dreg:$0x2];
	s2 =	srdreg.scid  }
0x4: {  	s0 =	rddreg [dreg:$0x3];
	s1 =	stileid.u32;
	s8 =	sand.u32 $0x1, s2  }
0x5: {  	s2 =	simm.s32 $0x0;
	s4 =	sshll.u32 s1, $0x2;
	s6 =	sshll.u32 s8, $0x1  }
0x6: {  	[smem:$0x7FF] =	sst s2;
	s9 =	sor.u32 s6, s4  }
0x7: {  	_ =	strace $0x80000047;
	s4 =	sadd.s32 s3, s9;
	s3 =	simm.s32 $0x1  }
0x8: {  	[tilespmem:s2], [sflag:$0x1] =	stream.linear.gather [hbm4b:s4+s2], $0x10, $0x38;
	[tilespmem:$0x180] =	vst v63  }
0x9: {  	_ =	swait.ge [sflag:s3], $0x10  }
0xa: {  	s5 =	sadd.s32 s9, s5;
	[sflag:s3] =	ssyncset.done $0x0  }
0xb: {  	s6 =	simm.s32 $0x80;
	s5 =	sadd.s32 $0xC00, s5;
	[sflag:s3] =	ssyncadd.s32 $0xFFFFFFF0  }
0xc: {  	[tilespmem:s6], [sflag:$0x1] =	stream.linear.gather [hbm4b:s5+s2], $0x10, $0x38;
	[tilespmem:$0x180] =	vst v63  }
0xd: {  	_ =	swait.ge [sflag:s3], $0x10  }
0xe: {  	[sflag:s3] =	ssyncset.done $0x0  }
0xf: {  	[sflag:s3] =	ssyncadd.s32 $0xFFFFFFF0  }
0x10: {  	v0 =	vld [tilespmem:$0x80]  }
0x11: {  	s8 =	ssub.s32 $0x2, s8;
	v1 =	vld [tilespmem:$0x0]  }
0x12: {  	s10 =	sshrl.u32 s8, $0x1  }
0x13: {  	s8 =	ssub.s32 s8, s10  }
0x14: {  	s31 =	smax.u32 s8, $0x1  }
0x15: {  	p0 =	sne.s32 s31, $0x1;
	vm0 =	veq.s32 v0, $0x0  }
.Ltmp0:
0x16: {  	v0 =	vnsel vm0, $0x0, v1;
	(pc) =	sbr.rel @!p0 .LBB2_2-.Ltmp0, $4  }
0x17: {  	s7 =	sadd.s32 s7, s9;
	s8 =	simm.s32 $0x100;
	[tilespmem:$0x100] =	vst v0  }
0x18: {  	[hbm4b:s7+s2] =	stream.linear.scatter [tilespmem:s8], [sflag:$0x1], $0x10, $0x38;
	[tilespmem:$0x180] =	vst v63  }
0x19: {  	_ =	swait.ge [sflag:s3], $0x10  }
0x1a: {  	s9 =	sadd.s32 $0xFFFFFFFF, s31;
	[sflag:s3] =	ssyncset.done $0x0  }
.LBB2_1:
0x1b: {  	p0 =	sne.s32 s9, $0x1;
	s9 =	sadd.s32 $0xFFFFFFFF, s9;
	[sflag:s3] =	ssyncadd.s32 $0xFFFFFFF0  }
0x1c: {  	[tilespmem:s2], [sflag:$0x1] =	stream.linear.gather [hbm4b:s4+s2], $0x10, $0x38;
	[tilespmem:$0x180] =	vst v63  }
0x1d: {  	_ =	swait.ge [sflag:s3], $0x10  }
0x1e: {  	[sflag:s3] =	ssyncset.done $0x0  }
0x1f: {  	[sflag:s3] =	ssyncadd.s32 $0xFFFFFFF0  }
0x20: {  	[tilespmem:s6], [sflag:$0x1] =	stream.linear.gather [hbm4b:s5+s2], $0x10, $0x38;
	[tilespmem:$0x180] =	vst v63  }
0x21: {  	_ =	swait.ge [sflag:s3], $0x10  }
0x22: {  	[sflag:s3] =	ssyncset.done $0x0  }
0x23: {  	[sflag:s3] =	ssyncadd.s32 $0xFFFFFFF0  }
0x24: {  	v0 =	vld [tilespmem:$0x80]  }
0x25: {  	v1 =	vld [tilespmem:$0x0];
	_ =	sdelay $0x3  }
0x26: {  	vm0 =	veq.s32 v0, $0x0  }
.Ltmp1:
0x27: {  	v0 =	vnsel vm0, $0x0, v1;
	(pc) =	sbr.rel @p0 .LBB2_1-.Ltmp1, $4  }
0x28: {  	[tilespmem:$0x100] =	vst v0  }
0x29: {  	[hbm4b:s7+s2] =	stream.linear.scatter [tilespmem:s8], [sflag:$0x1], $0x10, $0x38;
	[tilespmem:$0x180] =	vst v63  }
0x2a: {  	_ =	swait.ge [sflag:s3], $0x10  }
0x2b: {  	[sflag:s3] =	ssyncset.done $0x0  }
.LBB2_2:
0x2c: {  	[sflag:s3] =	ssyncadd.s32 $0xFFFFFFF0  }
0x2d: {  	_ =	sfence.sel $0x180000  }
0x2e: {  	[bflag:$0x0] =	sbarrier.arrive $0xFFFF  }
0x2f: {  	p0 =	sne.s32 s1, $0x0;
	_ =	strace $0x90000047  }
0x30: {  	s0 =	sadd.s32 @!p0 $0x100000, s0;
	[bflag:$0x2] =	sbarrier.arrive $0xFFFF  }
0x31: {  	[sflag:s0] =	ssyncadd.tile.s32 @!p0 $0x1;
	_ =	shalt  }
.Lfunc_end2:
_tile_overlayer_lowered:
.L_overlay_start_2:
0x32: {  	(tag) =	ssettag $0x2  }
0x33: {  	s0 =	rddreg [dreg:$0x0];
	s2 =	stileid.u32  }
0x34: {  	s1 =	rddreg [dreg:$0x1];
	p0 =	sne.s32 s2, $0x0  }
0x35: {  	s3 =	rddreg [dreg:$0x2];
	[bflag:$0x3] =	sbarrier.arrive $0xFFFF;
	s2 =	simm.s32 @!p0 $0x1C01  }
0x36: {  	[timem:s3], [sflag:s2] =	dma.local @!p0 [hbm:s0], s1  }
0x37: {  	s0 =	simm.s32 @!p0 $0x1  }
0x38: {  	_ =	swait.ge @!p0 [sflag:s0], s1  }
0x39: {  	s1 =	ssub.s32 @!p0 $0x0, s1;
	[sflag:s0] =	ssyncset.done @!p0 $0x0  }
0x3a: {  	[sflag:s0] =	ssyncadd.s32 @!p0 s1  }
0x3b: {  	[bflag:$0x3] =	sbarrier.arrive $0xFFFF  }
0x3c: {  	_ =	shalt  }

</sc_bundles>
